<compile_context>
chip_gen: v7x
topology: tpu7x:2x2x1
jax: 0.10.2.dev20260603
libtpu: 0.0.44.dev20260713+nightly
codegen_flags: <defaults>
</compile_context>

<pallas_src>
import functools

import jax
import jax.numpy as jnp
from jax import lax
from jax.experimental import pallas as pl
from jax.experimental.pallas import tpu as pltpu
from jax.experimental.pallas import tpu_sc as plsc

N = 10000
NPAD = 10240
D = 128
NC = 2
NS = 16
NW = NC * NS
RPT = NPAD // NS
CHUNK = 125
IB = 16


def _mesh():
    return plsc.VectorSubcoreMesh(core_axis_name="c", subcore_axis_name="s")


HW = 128


def _hist_call(dst3, ones_pat, zrows):
    nchunk = dst3.shape[1]

    @functools.partial(
        pl.kernel,
        out_type=jax.ShapeDtypeStruct((NC, NPAD, HW), jnp.float32),
        mesh=_mesh(),
        scratch_types=[
            pltpu.VMEM((nchunk, CHUNK), jnp.int32),
            pltpu.VMEM((CHUNK, HW), jnp.float32),
            pltpu.VMEM_SHARED((NPAD, HW), jnp.float32),
        ],
    )
    def hist(dst_hbm, ones_hbm, zeros_hbm, out_hbm, didx, ones_v, deg_sp):
        c = lax.axis_index("c")
        s = lax.axis_index("s")
        wid = c * NS + s
        pltpu.sync_copy(dst_hbm.at[wid], didx)
        pltpu.sync_copy(ones_hbm, ones_v)
        pltpu.sync_copy(zeros_hbm, deg_sp.at[pl.ds(s * RPT, RPT)])
        plsc.subcore_barrier()

        def body(j, carry):
            pltpu.sync_copy(ones_v, deg_sp.at[didx.at[j]], add=True)
            return carry

        lax.fori_loop(0, nchunk, body, 0)
        plsc.subcore_barrier()
        pltpu.sync_copy(deg_sp.at[pl.ds(s * RPT, RPT)],
                        out_hbm.at[c, pl.ds(s * RPT, RPT)])

    return hist(dst3, ones_pat, zrows)


def _matmul_call(x, W):

    def mm(x_ref, w_ref, h_ref):
        h_ref[...] = jnp.dot(x_ref[...], w_ref[...],
                             preferred_element_type=jnp.float32)

    return pl.pallas_call(
        mm, out_shape=jax.ShapeDtypeStruct((N, D), jnp.float32))(x, W)


def _scale_call(h, degp):

    def sc(h_ref, degp_ref, g_ref, dinv_ref):
        deg = degp_ref[0, :N, 0:1] + degp_ref[1, :N, 0:1] + 1.0
        dinv = lax.rsqrt(deg)
        g_ref[...] = h_ref[...] * dinv
        dinv_ref[...] = dinv

    return pl.pallas_call(
        sc,
        out_shape=(jax.ShapeDtypeStruct((N, D), jnp.float32),
                   jax.ShapeDtypeStruct((N, 1), jnp.float32)),
    )(h, degp)


def _aggregate_call(g, src3, dst3, zrows):
    nchunk = src3.shape[1]
    nblk = nchunk // IB
    assert nblk * IB == nchunk and IB % 2 == 0 and IB % 8 == 0

    @functools.partial(
        pl.kernel,
        out_type=jax.ShapeDtypeStruct((NC, NPAD, D), jnp.float32),
        mesh=_mesh(),
        scratch_types=[
            pltpu.VMEM((IB, CHUNK), jnp.int32),
            pltpu.VMEM((IB, CHUNK), jnp.int32),
            pltpu.VMEM((CHUNK, D), jnp.float32),
            pltpu.VMEM((CHUNK, D), jnp.float32),
            pltpu.VMEM_SHARED((NPAD, D), jnp.float32),
            pltpu.SemaphoreType.DMA,
            pltpu.SemaphoreType.DMA,
        ],
    )
    def agg_k(g_hbm, src_hbm, dst_hbm, z_hbm, out_hbm,
              sidx, didx, rows0, rows1, agg_sp, sem0, sem1):
        c = lax.axis_index("c")
        s = lax.axis_index("s")
        wid = c * NS + s
        pltpu.sync_copy(z_hbm, agg_sp.at[pl.ds(s * RPT, RPT)])
        plsc.subcore_barrier()

        for blk in range(nblk):
            pltpu.sync_copy(src_hbm.at[wid, pl.ds(blk * IB, IB)], sidx)
            pltpu.sync_copy(dst_hbm.at[wid, pl.ds(blk * IB, IB)], didx)
            pltpu.async_copy(g_hbm.at[sidx.at[0]], rows0, sem0)

            def body(i, carry):
                j = 2 * i
                pltpu.async_copy(g_hbm.at[sidx.at[j + 1]], rows1, sem1)
                pltpu.make_async_copy(g_hbm.at[sidx.at[j]], rows0, sem0).wait()
                pltpu.sync_copy(rows0, agg_sp.at[didx.at[j]], add=True)

                @pl.when(j + 2 < IB)
                def _():
                    pltpu.async_copy(g_hbm.at[sidx.at[j + 2]], rows0, sem0)

                pltpu.make_async_copy(g_hbm.at[sidx.at[j + 1]], rows1, sem1).wait()
                pltpu.sync_copy(rows1, agg_sp.at[didx.at[j + 1]], add=True)
                return carry

            lax.fori_loop(0, IB // 2, body, 0)
        plsc.subcore_barrier()
        pltpu.sync_copy(agg_sp.at[pl.ds(s * RPT, RPT)],
                        out_hbm.at[c, pl.ds(s * RPT, RPT)])

    return agg_k(g, src3, dst3, zrows)


def _finish_call(S, g, dinv, x, b, gamma, beta):

    def fin(s_ref, g_ref, dinv_ref, x_ref, b_ref, gm_ref, bt_ref, o_ref):
        agg = (s_ref[0, :N] + s_ref[1, :N] + g_ref[...]) * dinv_ref[...] + b_ref[...]
        mean = jnp.mean(agg, axis=0, keepdims=True)
        ctr = agg - mean
        var = jnp.mean(ctr * ctr, axis=0, keepdims=True)
        xhat = ctr * lax.rsqrt(var + 1e-5)
        o_ref[...] = jnp.maximum(gm_ref[...] * xhat + bt_ref[...], 0.0) + x_ref[...]

    return pl.pallas_call(
        fin,
        out_shape=jax.ShapeDtypeStruct((N, D), jnp.float32),
    )(S, g, dinv, x, b.reshape(1, D), gamma.reshape(1, D), beta.reshape(1, D))


def kernel(x, edge_index, W, b, gamma, beta):
    E = edge_index.shape[1]
    per_w = E // NW
    nchunk = per_w // CHUNK
    assert per_w * NW == E and nchunk * CHUNK == per_w
    ei = edge_index.astype(jnp.int32)
    src3 = ei[0].reshape(NW, nchunk, CHUNK)
    dst3 = ei[1].reshape(NW, nchunk, CHUNK)
    zrows = jnp.zeros((RPT, D), jnp.float32)
    ones_pat = jnp.zeros((CHUNK, HW), jnp.float32).at[:, 0].set(1.0)
    zhist = jnp.zeros((RPT, HW), jnp.float32)

    h = _matmul_call(x, W)
    degp = _hist_call(dst3, ones_pat, zhist)
    g, dinv = _scale_call(h, degp)
    S = _aggregate_call(g, src3, dst3, zrows)
    return _finish_call(S, g, dinv, x, b, gamma, beta)

# --- scband reference (transcript-rebuilt; emitter-appended) ---
"""Pipeline reference for scband-res-block-6682969112862 (READ-ONLY COPY).

The authoritative reference and input builder live on the scoring server;
editing this copy changes nothing except your own understanding.
"""

import jax, jax.numpy as jnp
import numpy as np

N = 10000
E = 320000
D = 128

def setup_inputs(seed: int = 0) -> dict:
    key = jax.random.key(seed)
    k1, k2, k3 = jax.random.split(key, 3)
    x = jax.random.normal(k1, (N, D), dtype=jnp.float32)
    edge_index = jax.random.randint(k2, (2, E), 0, N)
    W = jax.random.normal(k3, (D, D), dtype=jnp.float32) * (1.0 / np.sqrt(D))
    b = jnp.zeros((D,), dtype=jnp.float32)
    gamma = jnp.ones((D,), dtype=jnp.float32)
    beta = jnp.zeros((D,), dtype=jnp.float32)
    return {"x": x, "edge_index": edge_index, "W": W, "b": b, "gamma": gamma, "beta": beta}

def reference(x, edge_index, W, b, gamma, beta):
    # GCNConv (PyG defaults: add_self_loops=True, symmetric normalization)
    loop = jnp.arange(N)
    src = jnp.concatenate([edge_index[0], loop])
    dst = jnp.concatenate([edge_index[1], loop])
    ones = jnp.ones(src.shape[0], dtype=x.dtype)
    deg = jax.ops.segment_sum(ones, dst, num_segments=N)
    dinv = jnp.where(deg > 0, 1.0 / jnp.sqrt(deg), 0.0)
    norm = dinv[src] * dinv[dst]
    h = x @ W
    msg = h[src] * norm[:, None]
    agg = jax.ops.segment_sum(msg, dst, num_segments=N) + b
    # BatchNorm1d over nodes (training-mode batch statistics, eps=1e-5)
    mean = agg.mean(axis=0)
    var = agg.var(axis=0)
    xhat = (agg - mean) / jnp.sqrt(var + 1e-5)
    out = gamma * xhat + beta
    out = jax.nn.relu(out)
    # residual: in_ch == out_ch so no projection
    return out + x

if __name__ == "__main__":
    import jax
    _d = setup_inputs()
    print(jax.jit(kernel)(*tuple(_d.values())))

</pallas_src>

<mosaic_0001>
#map = affine_map<(d0, d1) -> (0, 0)>
#map1 = affine_map<(d0, d1) -> (0, 0, 0)>
module attributes {stable_mosaic.version = 14 : i64} {
  func.func @agg_k(%arg0: i32, %arg1: i32, %arg2: memref<10000x128xf32, #tpu.memory_space<hbm>>, %arg3: memref<32x80x125xi32, #tpu.memory_space<hbm>>, %arg4: memref<32x80x125xi32, #tpu.memory_space<hbm>>, %arg5: memref<640x128xf32, #tpu.memory_space<hbm>>, %arg6: memref<2x10240x128xf32, #tpu.memory_space<hbm>>, %arg7: memref<16x125xi32, #tpu.memory_space<vmem>>, %arg8: memref<16x125xi32, #tpu.memory_space<vmem>>, %arg9: memref<125x128xf32, #tpu.memory_space<vmem>>, %arg10: memref<125x128xf32, #tpu.memory_space<vmem>>, %arg11: memref<10240x128xf32, #tpu.memory_space<vmem_shared>>, %arg12: memref<!tpu.dma_semaphore, #tpu.memory_space<semaphore_mem>>, %arg13: memref<!tpu.dma_semaphore, #tpu.memory_space<semaphore_mem>>) attributes {dimension_semantics = [#tpu.dimension_semantics<core_parallel>, #tpu.dimension_semantics<subcore_parallel>], iteration_bounds = array<i64: 2, 16>, scalar_prefetch = 0 : i64, scratch_operands = 7 : i64, tpu.core_type = #tpu.core_type<sc_vector_subcore>, window_params = [{transform_indices = #map}, {transform_indices = #map1}, {transform_indices = #map1}, {transform_indices = #map}, {transform_indices = #map1}]} {
    %mul3A = arith.constant 16 : i32
    %mul3A_0 = arith.muli %arg0, %mul3A : i32
    %add3A = arith.addi %mul3A_0, %arg1 : i32
    %mul3A_1 = arith.constant 640 : i32
    %mul3A_2 = arith.muli %arg1, %mul3A_1 : i32
    "tpu.region"() ({
      %run_scoped3A = tpu.sem_alloc : memref<!tpu.dma_semaphore, #tpu.memory_space<semaphore_mem>>
      %dma_start3A_71 = arith.constant 0 : i32
      %dma_start3A_72 = tpu.memref_slice %arg11[%mul3A_2, %dma_start3A_71] : memref<10240x128xf32, #tpu.memory_space<vmem_shared>> -> memref<640x128xf32, #tpu.memory_space<vmem_shared>>
      tpu.enqueue_dma source(%arg5 : memref<640x128xf32, #tpu.memory_space<hbm>>) target(%dma_start3A_72 : memref<640x128xf32, #tpu.memory_space<vmem_shared>>) target_semaphore(%run_scoped3A : memref<!tpu.dma_semaphore, #tpu.memory_space<semaphore_mem>>)
      %dma_wait3A = arith.constant 0 : i32
      %dma_wait3A_73 = tpu.memref_slice %arg11[%mul3A_2, %dma_wait3A] : memref<10240x128xf32, #tpu.memory_space<vmem_shared>> -> memref<640x128xf32, #tpu.memory_space<vmem_shared>>
      tpu.wait_dma2 semaphore(%run_scoped3A : memref<!tpu.dma_semaphore, #tpu.memory_space<semaphore_mem>>) src(%arg5 : memref<640x128xf32, #tpu.memory_space<hbm>>) dst(%dma_wait3A_73 : memref<640x128xf32, #tpu.memory_space<vmem_shared>>)
      tpu.yield
    }) : () -> ()
    %barrier3A = arith.constant 0 : index
    tpu.barrier barrier_id(%barrier3A)
    "tpu.region"() ({
      %run_scoped3A = tpu.sem_alloc : memref<!tpu.dma_semaphore, #tpu.memory_space<semaphore_mem>>
      %dma_start3A_71 = arith.constant 0 : i32
      %dma_start3A_72 = arith.constant 0 : i32
      %dma_start3A_73 = tpu.memref_slice %arg3[%add3A, %dma_start3A_71, %dma_start3A_72] : memref<32x80x125xi32, #tpu.memory_space<hbm>> -> memref<1x16x125xi32, #tpu.memory_space<hbm>>
      %dma_start3A_74 = tpu.memref_squeeze %dma_start3A_73 : memref<1x16x125xi32, #tpu.memory_space<hbm>> -> memref<16x125xi32, #tpu.memory_space<hbm>>
      %dma_start3A_75 = arith.constant 0 : i32
      %dma_start3A_76 = arith.constant 0 : i32
      %dma_start3A_77 = tpu.memref_slice %arg3[%add3A, %dma_start3A_75, %dma_start3A_76] : memref<32x80x125xi32, #tpu.memory_space<hbm>> -> memref<1x16x125xi32, #tpu.memory_space<hbm>>
      %dma_start3A_78 = tpu.memref_squeeze %dma_start3A_77 : memref<1x16x125xi32, #tpu.memory_space<hbm>> -> memref<16x125xi32, #tpu.memory_space<hbm>>
      tpu.enqueue_dma source(%dma_start3A_78 : memref<16x125xi32, #tpu.memory_space<hbm>>) target(%arg7 : memref<16x125xi32, #tpu.memory_space<vmem>>) target_semaphore(%run_scoped3A : memref<!tpu.dma_semaphore, #tpu.memory_space<semaphore_mem>>)
      %dma_wait3A = arith.constant 0 : i32
      %dma_wait3A_79 = arith.constant 0 : i32
      %dma_wait3A_80 = tpu.memref_slice %arg3[%add3A, %dma_wait3A, %dma_wait3A_79] : memref<32x80x125xi32, #tpu.memory_space<hbm>> -> memref<1x16x125xi32, #tpu.memory_space<hbm>>
      %dma_wait3A_81 = tpu.memref_squeeze %dma_wait3A_80 : memref<1x16x125xi32, #tpu.memory_space<hbm>> -> memref<16x125xi32, #tpu.memory_space<hbm>>
      %dma_wait3A_82 = arith.constant 0 : i32
      %dma_wait3A_83 = arith.constant 0 : i32
      %dma_wait3A_84 = tpu.memref_slice %arg3[%add3A, %dma_wait3A_82, %dma_wait3A_83] : memref<32x80x125xi32, #tpu.memory_space<hbm>> -> memref<1x16x125xi32, #tpu.memory_space<hbm>>
      %dma_wait3A_85 = tpu.memref_squeeze %dma_wait3A_84 : memref<1x16x125xi32, #tpu.memory_space<hbm>> -> memref<16x125xi32, #tpu.memory_space<hbm>>
      tpu.wait_dma2 semaphore(%run_scoped3A : memref<!tpu.dma_semaphore, #tpu.memory_space<semaphore_mem>>) src(%dma_wait3A_85 : memref<16x125xi32, #tpu.memory_space<hbm>>) dst(%arg7 : memref<16x125xi32, #tpu.memory_space<vmem>>)
      tpu.yield
    }) : () -> ()
    "tpu.region"() ({
      %run_scoped3A = tpu.sem_alloc : memref<!tpu.dma_semaphore, #tpu.memory_space<semaphore_mem>>
      %dma_start3A_71 = arith.constant 0 : i32
      %dma_start3A_72 = arith.constant 0 : i32
      %dma_start3A_73 = tpu.memref_slice %arg4[%add3A, %dma_start3A_71, %dma_start3A_72] : memref<32x80x125xi32, #tpu.memory_space<hbm>> -> memref<1x16x125xi32, #tpu.memory_space<hbm>>
      %dma_start3A_74 = tpu.memref_squeeze %dma_start3A_73 : memref<1x16x125xi32, #tpu.memory_space<hbm>> -> memref<16x125xi32, #tpu.memory_space<hbm>>
      %dma_start3A_75 = arith.constant 0 : i32
      %dma_start3A_76 = arith.constant 0 : i32
      %dma_start3A_77 = tpu.memref_slice %arg4[%add3A, %dma_start3A_75, %dma_start3A_76] : memref<32x80x125xi32, #tpu.memory_space<hbm>> -> memref<1x16x125xi32, #tpu.memory_space<hbm>>
      %dma_start3A_78 = tpu.memref_squeeze %dma_start3A_77 : memref<1x16x125xi32, #tpu.memory_space<hbm>> -> memref<16x125xi32, #tpu.memory_space<hbm>>
      tpu.enqueue_dma source(%dma_start3A_78 : memref<16x125xi32, #tpu.memory_space<hbm>>) target(%arg8 : memref<16x125xi32, #tpu.memory_space<vmem>>) target_semaphore(%run_scoped3A : memref<!tpu.dma_semaphore, #tpu.memory_space<semaphore_mem>>)
      %dma_wait3A = arith.constant 0 : i32
      %dma_wait3A_79 = arith.constant 0 : i32
      %dma_wait3A_80 = tpu.memref_slice %arg4[%add3A, %dma_wait3A, %dma_wait3A_79] : memref<32x80x125xi32, #tpu.memory_space<hbm>> -> memref<1x16x125xi32, #tpu.memory_space<hbm>>
      %dma_wait3A_81 = tpu.memref_squeeze %dma_wait3A_80 : memref<1x16x125xi32, #tpu.memory_space<hbm>> -> memref<16x125xi32, #tpu.memory_space<hbm>>
      %dma_wait3A_82 = arith.constant 0 : i32
      %dma_wait3A_83 = arith.constant 0 : i32
      %dma_wait3A_84 = tpu.memref_slice %arg4[%add3A, %dma_wait3A_82, %dma_wait3A_83] : memref<32x80x125xi32, #tpu.memory_space<hbm>> -> memref<1x16x125xi32, #tpu.memory_space<hbm>>
      %dma_wait3A_85 = tpu.memref_squeeze %dma_wait3A_84 : memref<1x16x125xi32, #tpu.memory_space<hbm>> -> memref<16x125xi32, #tpu.memory_space<hbm>>
      tpu.wait_dma2 semaphore(%run_scoped3A : memref<!tpu.dma_semaphore, #tpu.memory_space<semaphore_mem>>) src(%dma_wait3A_85 : memref<16x125xi32, #tpu.memory_space<hbm>>) dst(%arg8 : memref<16x125xi32, #tpu.memory_space<vmem>>)
      tpu.yield
    }) : () -> ()
    %dma_start3A = arith.constant 0 : i32
    %dma_start3A_3 = arith.constant 0 : i32
    %dma_start3A_4 = tpu.memref_slice %arg7[%dma_start3A, %dma_start3A_3] : memref<16x125xi32, #tpu.memory_space<vmem>> -> memref<1x125xi32, #tpu.memory_space<vmem>>
    %dma_start3A_5 = tpu.memref_squeeze %dma_start3A_4 : memref<1x125xi32, #tpu.memory_space<vmem>> -> memref<125xi32, #tpu.memory_space<vmem>>
    %dma_start3A_6 = arith.constant 0 : i32
    %dma_start3A_7 = arith.constant 0 : i32
    %dma_start3A_8 = tpu.memref_slice %arg2[%dma_start3A_6, %dma_start3A_7] : memref<10000x128xf32, #tpu.memory_space<hbm>> -> memref<10000x128xf32, #tpu.memory_space<hbm>>
    tpu.enqueue_indirect_dma source(%dma_start3A_8 : memref<10000x128xf32, #tpu.memory_space<hbm>>) target(%arg9 : memref<125x128xf32, #tpu.memory_space<vmem>>) offsets(%dma_start3A_5 : memref<125xi32, #tpu.memory_space<vmem>>) semaphore(%arg12 : memref<!tpu.dma_semaphore, #tpu.memory_space<semaphore_mem>>)
    %scan3A = arith.constant 0 : i32
    %scan3A_9 = arith.constant 0 : i32
    %scan3A_10 = arith.constant 8 : i32
    %scan3A_11 = arith.addi %scan3A_9, %scan3A_10 : i32
    %scan3A_12 = arith.constant 1 : i32
    scf.for %scan3A_71 = %scan3A_9 to %scan3A_11 step %scan3A_12  : i32 {
      %mul3A_72 = arith.constant 2 : i32
      %mul3A_73 = arith.muli %mul3A_72, %scan3A_71 : i32
      %add3A_74 = arith.constant 1 : i32
      %add3A_75 = arith.addi %mul3A_73, %add3A_74 : i32
      %dma_start3A_76 = arith.constant 0 : i32
      %dma_start3A_77 = tpu.memref_slice %arg7[%add3A_75, %dma_start3A_76] : memref<16x125xi32, #tpu.memory_space<vmem>> -> memref<1x125xi32, #tpu.memory_space<vmem>>
      %dma_start3A_78 = tpu.memref_squeeze %dma_start3A_77 : memref<1x125xi32, #tpu.memory_space<vmem>> -> memref<125xi32, #tpu.memory_space<vmem>>
      %dma_start3A_79 = arith.constant 0 : i32
      %dma_start3A_80 = arith.constant 0 : i32
      %dma_start3A_81 = tpu.memref_slice %arg2[%dma_start3A_79, %dma_start3A_80] : memref<10000x128xf32, #tpu.memory_space<hbm>> -> memref<10000x128xf32, #tpu.memory_space<hbm>>
      tpu.enqueue_indirect_dma source(%dma_start3A_81 : memref<10000x128xf32, #tpu.memory_space<hbm>>) target(%arg10 : memref<125x128xf32, #tpu.memory_space<vmem>>) offsets(%dma_start3A_78 : memref<125xi32, #tpu.memory_space<vmem>>) semaphore(%arg13 : memref<!tpu.dma_semaphore, #tpu.memory_space<semaphore_mem>>)
      %dma_wait3A = arith.constant 0 : i32
      %dma_wait3A_82 = tpu.memref_slice %arg7[%mul3A_73, %dma_wait3A] : memref<16x125xi32, #tpu.memory_space<vmem>> -> memref<1x125xi32, #tpu.memory_space<vmem>>
      %dma_wait3A_83 = tpu.memref_squeeze %dma_wait3A_82 : memref<1x125xi32, #tpu.memory_space<vmem>> -> memref<125xi32, #tpu.memory_space<vmem>>
      %dma_wait3A_84 = arith.constant 0 : i32
      %dma_wait3A_85 = arith.constant 0 : i32
      %dma_wait3A_86 = tpu.memref_slice %arg2[%dma_wait3A_84, %dma_wait3A_85] : memref<10000x128xf32, #tpu.memory_space<hbm>> -> memref<10000x128xf32, #tpu.memory_space<hbm>>
      tpu.wait_indirect_dma semaphore(%arg12 : memref<!tpu.dma_semaphore, #tpu.memory_space<semaphore_mem>>) src(%dma_wait3A_86 : memref<10000x128xf32, #tpu.memory_space<hbm>>) dst(%arg9 : memref<125x128xf32, #tpu.memory_space<vmem>>)
      "tpu.region"() ({
        %run_scoped3A = tpu.sem_alloc : memref<!tpu.dma_semaphore, #tpu.memory_space<semaphore_mem>>
        %dma_start3A_101 = arith.constant 0 : i32
        %dma_start3A_102 = tpu.memref_slice %arg8[%mul3A_73, %dma_start3A_101] : memref<16x125xi32, #tpu.memory_space<vmem>> -> memref<1x125xi32, #tpu.memory_space<vmem>>
        %dma_start3A_103 = tpu.memref_squeeze %dma_start3A_102 : memref<1x125xi32, #tpu.memory_space<vmem>> -> memref<125xi32, #tpu.memory_space<vmem>>
        %dma_start3A_104 = arith.constant 0 : i32
        %dma_start3A_105 = arith.constant 0 : i32
        %dma_start3A_106 = tpu.memref_slice %arg11[%dma_start3A_104, %dma_start3A_105] : memref<10240x128xf32, #tpu.memory_space<vmem_shared>> -> memref<10240x128xf32, #tpu.memory_space<vmem_shared>>
        tpu.enqueue_indirect_dma source(%arg9 : memref<125x128xf32, #tpu.memory_space<vmem>>) target(%dma_start3A_106 : memref<10240x128xf32, #tpu.memory_space<vmem_shared>>) offsets(%dma_start3A_103 : memref<125xi32, #tpu.memory_space<vmem>>) semaphore(%run_scoped3A : memref<!tpu.dma_semaphore, #tpu.memory_space<semaphore_mem>>) {add = true}
        %dma_wait3A_107 = arith.constant 0 : i32
        %dma_wait3A_108 = tpu.memref_slice %arg8[%mul3A_73, %dma_wait3A_107] : memref<16x125xi32, #tpu.memory_space<vmem>> -> memref<1x125xi32, #tpu.memory_space<vmem>>
        %dma_wait3A_109 = tpu.memref_squeeze %dma_wait3A_108 : memref<1x125xi32, #tpu.memory_space<vmem>> -> memref<125xi32, #tpu.memory_space<vmem>>
        %dma_wait3A_110 = arith.constant 0 : i32
        %dma_wait3A_111 = arith.constant 0 : i32
        %dma_wait3A_112 = tpu.memref_slice %arg11[%dma_wait3A_110, %dma_wait3A_111] : memref<10240x128xf32, #tpu.memory_space<vmem_shared>> -> memref<10240x128xf32, #tpu.memory_space<vmem_shared>>
        tpu.wait_indirect_dma semaphore(%run_scoped3A : memref<!tpu.dma_semaphore, #tpu.memory_space<semaphore_mem>>) src(%arg9 : memref<125x128xf32, #tpu.memory_space<vmem>>) dst(%dma_wait3A_112 : memref<10240x128xf32, #tpu.memory_space<vmem_shared>>)
        tpu.yield
      }) : () -> ()
      %add3A_87 = arith.constant 2 : i32
      %add3A_88 = arith.addi %mul3A_73, %add3A_87 : i32
      %lt3A = arith.constant 16 : i32
      %lt3A_89 = arith.cmpi slt, %add3A_88, %lt3A : i32
      %convert_element_type3A = arith.extui %lt3A_89 : i1 to i32
      %cond3A = arith.constant 0 : i32
      %cond3A_90 = arith.cmpi ne, %convert_element_type3A, %cond3A : i32
      scf.if %cond3A_90 {
        %add3A_101 = arith.constant 2 : i32
        %add3A_102 = arith.addi %mul3A_73, %add3A_101 : i32
        %dma_start3A_103 = arith.constant 0 : i32
        %dma_start3A_104 = tpu.memref_slice %arg7[%add3A_102, %dma_start3A_103] : memref<16x125xi32, #tpu.memory_space<vmem>> -> memref<1x125xi32, #tpu.memory_space<vmem>>
        %dma_start3A_105 = tpu.memref_squeeze %dma_start3A_104 : memref<1x125xi32, #tpu.memory_space<vmem>> -> memref<125xi32, #tpu.memory_space<vmem>>
        %dma_start3A_106 = arith.constant 0 : i32
        %dma_start3A_107 = arith.constant 0 : i32
        %dma_start3A_108 = tpu.memref_slice %arg2[%dma_start3A_106, %dma_start3A_107] : memref<10000x128xf32, #tpu.memory_space<hbm>> -> memref<10000x128xf32, #tpu.memory_space<hbm>>
        tpu.enqueue_indirect_dma source(%dma_start3A_108 : memref<10000x128xf32, #tpu.memory_space<hbm>>) target(%arg9 : memref<125x128xf32, #tpu.memory_space<vmem>>) offsets(%dma_start3A_105 : memref<125xi32, #tpu.memory_space<vmem>>) semaphore(%arg12 : memref<!tpu.dma_semaphore, #tpu.memory_space<semaphore_mem>>)
      } else {
      }
      %add3A_91 = arith.constant 1 : i32
      %add3A_92 = arith.addi %mul3A_73, %add3A_91 : i32
      %dma_wait3A_93 = arith.constant 0 : i32
      %dma_wait3A_94 = tpu.memref_slice %arg7[%add3A_92, %dma_wait3A_93] : memref<16x125xi32, #tpu.memory_space<vmem>> -> memref<1x125xi32, #tpu.memory_space<vmem>>
      %dma_wait3A_95 = tpu.memref_squeeze %dma_wait3A_94 : memref<1x125xi32, #tpu.memory_space<vmem>> -> memref<125xi32, #tpu.memory_space<vmem>>
      %dma_wait3A_96 = arith.constant 0 : i32
      %dma_wait3A_97 = arith.constant 0 : i32
      %dma_wait3A_98 = tpu.memref_slice %arg2[%dma_wait3A_96, %dma_wait3A_97] : memref<10000x128xf32, #tpu.memory_space<hbm>> -> memref<10000x128xf32, #tpu.memory_space<hbm>>
      tpu.wait_indirect_dma semaphore(%arg13 : memref<!tpu.dma_semaphore, #tpu.memory_space<semaphore_mem>>) src(%dma_wait3A_98 : memref<10000x128xf32, #tpu.memory_space<hbm>>) dst(%arg10 : memref<125x128xf32, #tpu.memory_space<vmem>>)
      %add3A_99 = arith.constant 1 : i32
      %add3A_100 = arith.addi %mul3A_73, %add3A_99 : i32
      "tpu.region"() ({
        %run_scoped3A = tpu.sem_alloc : memref<!tpu.dma_semaphore, #tpu.memory_space<semaphore_mem>>
        %dma_start3A_101 = arith.constant 0 : i32
        %dma_start3A_102 = tpu.memref_slice %arg8[%add3A_100, %dma_start3A_101] : memref<16x125xi32, #tpu.memory_space<vmem>> -> memref<1x125xi32, #tpu.memory_space<vmem>>
        %dma_start3A_103 = tpu.memref_squeeze %dma_start3A_102 : memref<1x125xi32, #tpu.memory_space<vmem>> -> memref<125xi32, #tpu.memory_space<vmem>>
        %dma_start3A_104 = arith.constant 0 : i32
        %dma_start3A_105 = arith.constant 0 : i32
        %dma_start3A_106 = tpu.memref_slice %arg11[%dma_start3A_104, %dma_start3A_105] : memref<10240x128xf32, #tpu.memory_space<vmem_shared>> -> memref<10240x128xf32, #tpu.memory_space<vmem_shared>>
        tpu.enqueue_indirect_dma source(%arg10 : memref<125x128xf32, #tpu.memory_space<vmem>>) target(%dma_start3A_106 : memref<10240x128xf32, #tpu.memory_space<vmem_shared>>) offsets(%dma_start3A_103 : memref<125xi32, #tpu.memory_space<vmem>>) semaphore(%run_scoped3A : memref<!tpu.dma_semaphore, #tpu.memory_space<semaphore_mem>>) {add = true}
        %dma_wait3A_107 = arith.constant 0 : i32
        %dma_wait3A_108 = tpu.memref_slice %arg8[%add3A_100, %dma_wait3A_107] : memref<16x125xi32, #tpu.memory_space<vmem>> -> memref<1x125xi32, #tpu.memory_space<vmem>>
        %dma_wait3A_109 = tpu.memref_squeeze %dma_wait3A_108 : memref<1x125xi32, #tpu.memory_space<vmem>> -> memref<125xi32, #tpu.memory_space<vmem>>
        %dma_wait3A_110 = arith.constant 0 : i32
        %dma_wait3A_111 = arith.constant 0 : i32
        %dma_wait3A_112 = tpu.memref_slice %arg11[%dma_wait3A_110, %dma_wait3A_111] : memref<10240x128xf32, #tpu.memory_space<vmem_shared>> -> memref<10240x128xf32, #tpu.memory_space<vmem_shared>>
        tpu.wait_indirect_dma semaphore(%run_scoped3A : memref<!tpu.dma_semaphore, #tpu.memory_space<semaphore_mem>>) src(%arg10 : memref<125x128xf32, #tpu.memory_space<vmem>>) dst(%dma_wait3A_112 : memref<10240x128xf32, #tpu.memory_space<vmem_shared>>)
        tpu.yield
      }) : () -> ()
    }
    %scan3A_13 = arith.constant 8 : i32
    "tpu.region"() ({
      %run_scoped3A = tpu.sem_alloc : memref<!tpu.dma_semaphore, #tpu.memory_space<semaphore_mem>>
      %dma_start3A_71 = arith.constant 16 : i32
      %dma_start3A_72 = arith.constant 0 : i32
      %dma_start3A_73 = tpu.memref_slice %arg3[%add3A, %dma_start3A_71, %dma_start3A_72] : memref<32x80x125xi32, #tpu.memory_space<hbm>> -> memref<1x16x125xi32, #tpu.memory_space<hbm>>
      %dma_start3A_74 = tpu.memref_squeeze %dma_start3A_73 : memref<1x16x125xi32, #tpu.memory_space<hbm>> -> memref<16x125xi32, #tpu.memory_space<hbm>>
      %dma_start3A_75 = arith.constant 16 : i32
      %dma_start3A_76 = arith.constant 0 : i32
      %dma_start3A_77 = tpu.memref_slice %arg3[%add3A, %dma_start3A_75, %dma_start3A_76] : memref<32x80x125xi32, #tpu.memory_space<hbm>> -> memref<1x16x125xi32, #tpu.memory_space<hbm>>
      %dma_start3A_78 = tpu.memref_squeeze %dma_start3A_77 : memref<1x16x125xi32, #tpu.memory_space<hbm>> -> memref<16x125xi32, #tpu.memory_space<hbm>>
      tpu.enqueue_dma source(%dma_start3A_78 : memref<16x125xi32, #tpu.memory_space<hbm>>) target(%arg7 : memref<16x125xi32, #tpu.memory_space<vmem>>) target_semaphore(%run_scoped3A : memref<!tpu.dma_semaphore, #tpu.memory_space<semaphore_mem>>)
      %dma_wait3A = arith.constant 16 : i32
      %dma_wait3A_79 = arith.constant 0 : i32
      %dma_wait3A_80 = tpu.memref_slice %arg3[%add3A, %dma_wait3A, %dma_wait3A_79] : memref<32x80x125xi32, #tpu.memory_space<hbm>> -> memref<1x16x125xi32, #tpu.memory_space<hbm>>
      %dma_wait3A_81 = tpu.memref_squeeze %dma_wait3A_80 : memref<1x16x125xi32, #tpu.memory_space<hbm>> -> memref<16x125xi32, #tpu.memory_space<hbm>>
      %dma_wait3A_82 = arith.constant 16 : i32
      %dma_wait3A_83 = arith.constant 0 : i32
      %dma_wait3A_84 = tpu.memref_slice %arg3[%add3A, %dma_wait3A_82, %dma_wait3A_83] : memref<32x80x125xi32, #tpu.memory_space<hbm>> -> memref<1x16x125xi32, #tpu.memory_space<hbm>>
      %dma_wait3A_85 = tpu.memref_squeeze %dma_wait3A_84 : memref<1x16x125xi32, #tpu.memory_space<hbm>> -> memref<16x125xi32, #tpu.memory_space<hbm>>
      tpu.wait_dma2 semaphore(%run_scoped3A : memref<!tpu.dma_semaphore, #tpu.memory_space<semaphore_mem>>) src(%dma_wait3A_85 : memref<16x125xi32, #tpu.memory_space<hbm>>) dst(%arg7 : memref<16x125xi32, #tpu.memory_space<vmem>>)
      tpu.yield
    }) : () -> ()
    "tpu.region"() ({
      %run_scoped3A = tpu.sem_alloc : memref<!tpu.dma_semaphore, #tpu.memory_space<semaphore_mem>>
      %dma_start3A_71 = arith.constant 16 : i32
      %dma_start3A_72 = arith.constant 0 : i32
      %dma_start3A_73 = tpu.memref_slice %arg4[%add3A, %dma_start3A_71, %dma_start3A_72] : memref<32x80x125xi32, #tpu.memory_space<hbm>> -> memref<1x16x125xi32, #tpu.memory_space<hbm>>
      %dma_start3A_74 = tpu.memref_squeeze %dma_start3A_73 : memref<1x16x125xi32, #tpu.memory_space<hbm>> -> memref<16x125xi32, #tpu.memory_space<hbm>>
      %dma_start3A_75 = arith.constant 16 : i32
      %dma_start3A_76 = arith.constant 0 : i32
      %dma_start3A_77 = tpu.memref_slice %arg4[%add3A, %dma_start3A_75, %dma_start3A_76] : memref<32x80x125xi32, #tpu.memory_space<hbm>> -> memref<1x16x125xi32, #tpu.memory_space<hbm>>
      %dma_start3A_78 = tpu.memref_squeeze %dma_start3A_77 : memref<1x16x125xi32, #tpu.memory_space<hbm>> -> memref<16x125xi32, #tpu.memory_space<hbm>>
      tpu.enqueue_dma source(%dma_start3A_78 : memref<16x125xi32, #tpu.memory_space<hbm>>) target(%arg8 : memref<16x125xi32, #tpu.memory_space<vmem>>) target_semaphore(%run_scoped3A : memref<!tpu.dma_semaphore, #tpu.memory_space<semaphore_mem>>)
      %dma_wait3A = arith.constant 16 : i32
      %dma_wait3A_79 = arith.constant 0 : i32
      %dma_wait3A_80 = tpu.memref_slice %arg4[%add3A, %dma_wait3A, %dma_wait3A_79] : memref<32x80x125xi32, #tpu.memory_space<hbm>> -> memref<1x16x125xi32, #tpu.memory_space<hbm>>
      %dma_wait3A_81 = tpu.memref_squeeze %dma_wait3A_80 : memref<1x16x125xi32, #tpu.memory_space<hbm>> -> memref<16x125xi32, #tpu.memory_space<hbm>>
      %dma_wait3A_82 = arith.constant 16 : i32
      %dma_wait3A_83 = arith.constant 0 : i32
      %dma_wait3A_84 = tpu.memref_slice %arg4[%add3A, %dma_wait3A_82, %dma_wait3A_83] : memref<32x80x125xi32, #tpu.memory_space<hbm>> -> memref<1x16x125xi32, #tpu.memory_space<hbm>>
      %dma_wait3A_85 = tpu.memref_squeeze %dma_wait3A_84 : memref<1x16x125xi32, #tpu.memory_space<hbm>> -> memref<16x125xi32, #tpu.memory_space<hbm>>
      tpu.wait_dma2 semaphore(%run_scoped3A : memref<!tpu.dma_semaphore, #tpu.memory_space<semaphore_mem>>) src(%dma_wait3A_85 : memref<16x125xi32, #tpu.memory_space<hbm>>) dst(%arg8 : memref<16x125xi32, #tpu.memory_space<vmem>>)
      tpu.yield
    }) : () -> ()
    %dma_start3A_14 = arith.constant 0 : i32
    %dma_start3A_15 = arith.constant 0 : i32
    %dma_start3A_16 = tpu.memref_slice %arg7[%dma_start3A_14, %dma_start3A_15] : memref<16x125xi32, #tpu.memory_space<vmem>> -> memref<1x125xi32, #tpu.memory_space<vmem>>
    %dma_start3A_17 = tpu.memref_squeeze %dma_start3A_16 : memref<1x125xi32, #tpu.memory_space<vmem>> -> memref<125xi32, #tpu.memory_space<vmem>>
    %dma_start3A_18 = arith.constant 0 : i32
    %dma_start3A_19 = arith.constant 0 : i32
    %dma_start3A_20 = tpu.memref_slice %arg2[%dma_start3A_18, %dma_start3A_19] : memref<10000x128xf32, #tpu.memory_space<hbm>> -> memref<10000x128xf32, #tpu.memory_space<hbm>>
    tpu.enqueue_indirect_dma source(%dma_start3A_20 : memref<10000x128xf32, #tpu.memory_space<hbm>>) target(%arg9 : memref<125x128xf32, #tpu.memory_space<vmem>>) offsets(%dma_start3A_17 : memref<125xi32, #tpu.memory_space<vmem>>) semaphore(%arg12 : memref<!tpu.dma_semaphore, #tpu.memory_space<semaphore_mem>>)
    %scan3A_21 = arith.constant 0 : i32
    %scan3A_22 = arith.constant 0 : i32
    %scan3A_23 = arith.constant 8 : i32
    %scan3A_24 = arith.addi %scan3A_22, %scan3A_23 : i32
    %scan3A_25 = arith.constant 1 : i32
    scf.for %scan3A_71 = %scan3A_22 to %scan3A_24 step %scan3A_25  : i32 {
      %mul3A_72 = arith.constant 2 : i32
      %mul3A_73 = arith.muli %mul3A_72, %scan3A_71 : i32
      %add3A_74 = arith.constant 1 : i32
      %add3A_75 = arith.addi %mul3A_73, %add3A_74 : i32
      %dma_start3A_76 = arith.constant 0 : i32
      %dma_start3A_77 = tpu.memref_slice %arg7[%add3A_75, %dma_start3A_76] : memref<16x125xi32, #tpu.memory_space<vmem>> -> memref<1x125xi32, #tpu.memory_space<vmem>>
      %dma_start3A_78 = tpu.memref_squeeze %dma_start3A_77 : memref<1x125xi32, #tpu.memory_space<vmem>> -> memref<125xi32, #tpu.memory_space<vmem>>
      %dma_start3A_79 = arith.constant 0 : i32
      %dma_start3A_80 = arith.constant 0 : i32
      %dma_start3A_81 = tpu.memref_slice %arg2[%dma_start3A_79, %dma_start3A_80] : memref<10000x128xf32, #tpu.memory_space<hbm>> -> memref<10000x128xf32, #tpu.memory_space<hbm>>
      tpu.enqueue_indirect_dma source(%dma_start3A_81 : memref<10000x128xf32, #tpu.memory_space<hbm>>) target(%arg10 : memref<125x128xf32, #tpu.memory_space<vmem>>) offsets(%dma_start3A_78 : memref<125xi32, #tpu.memory_space<vmem>>) semaphore(%arg13 : memref<!tpu.dma_semaphore, #tpu.memory_space<semaphore_mem>>)
      %dma_wait3A = arith.constant 0 : i32
      %dma_wait3A_82 = tpu.memref_slice %arg7[%mul3A_73, %dma_wait3A] : memref<16x125xi32, #tpu.memory_space<vmem>> -> memref<1x125xi32, #tpu.memory_space<vmem>>
      %dma_wait3A_83 = tpu.memref_squeeze %dma_wait3A_82 : memref<1x125xi32, #tpu.memory_space<vmem>> -> memref<125xi32, #tpu.memory_space<vmem>>
      %dma_wait3A_84 = arith.constant 0 : i32
      %dma_wait3A_85 = arith.constant 0 : i32
      %dma_wait3A_86 = tpu.memref_slice %arg2[%dma_wait3A_84, %dma_wait3A_85] : memref<10000x128xf32, #tpu.memory_space<hbm>> -> memref<10000x128xf32, #tpu.memory_space<hbm>>
      tpu.wait_indirect_dma semaphore(%arg12 : memref<!tpu.dma_semaphore, #tpu.memory_space<semaphore_mem>>) src(%dma_wait3A_86 : memref<10000x128xf32, #tpu.memory_space<hbm>>) dst(%arg9 : memref<125x128xf32, #tpu.memory_space<vmem>>)
      "tpu.region"() ({
        %run_scoped3A = tpu.sem_alloc : memref<!tpu.dma_semaphore, #tpu.memory_space<semaphore_mem>>
        %dma_start3A_101 = arith.constant 0 : i32
        %dma_start3A_102 = tpu.memref_slice %arg8[%mul3A_73, %dma_start3A_101] : memref<16x125xi32, #tpu.memory_space<vmem>> -> memref<1x125xi32, #tpu.memory_space<vmem>>
        %dma_start3A_103 = tpu.memref_squeeze %dma_start3A_102 : memref<1x125xi32, #tpu.memory_space<vmem>> -> memref<125xi32, #tpu.memory_space<vmem>>
        %dma_start3A_104 = arith.constant 0 : i32
        %dma_start3A_105 = arith.constant 0 : i32
        %dma_start3A_106 = tpu.memref_slice %arg11[%dma_start3A_104, %dma_start3A_105] : memref<10240x128xf32, #tpu.memory_space<vmem_shared>> -> memref<10240x128xf32, #tpu.memory_space<vmem_shared>>
        tpu.enqueue_indirect_dma source(%arg9 : memref<125x128xf32, #tpu.memory_space<vmem>>) target(%dma_start3A_106 : memref<10240x128xf32, #tpu.memory_space<vmem_shared>>) offsets(%dma_start3A_103 : memref<125xi32, #tpu.memory_space<vmem>>) semaphore(%run_scoped3A : memref<!tpu.dma_semaphore, #tpu.memory_space<semaphore_mem>>) {add = true}
        %dma_wait3A_107 = arith.constant 0 : i32
        %dma_wait3A_108 = tpu.memref_slice %arg8[%mul3A_73, %dma_wait3A_107] : memref<16x125xi32, #tpu.memory_space<vmem>> -> memref<1x125xi32, #tpu.memory_space<vmem>>
        %dma_wait3A_109 = tpu.memref_squeeze %dma_wait3A_108 : memref<1x125xi32, #tpu.memory_space<vmem>> -> memref<125xi32, #tpu.memory_space<vmem>>
        %dma_wait3A_110 = arith.constant 0 : i32
        %dma_wait3A_111 = arith.constant 0 : i32
        %dma_wait3A_112 = tpu.memref_slice %arg11[%dma_wait3A_110, %dma_wait3A_111] : memref<10240x128xf32, #tpu.memory_space<vmem_shared>> -> memref<10240x128xf32, #tpu.memory_space<vmem_shared>>
        tpu.wait_indirect_dma semaphore(%run_scoped3A : memref<!tpu.dma_semaphore, #tpu.memory_space<semaphore_mem>>) src(%arg9 : memref<125x128xf32, #tpu.memory_space<vmem>>) dst(%dma_wait3A_112 : memref<10240x128xf32, #tpu.memory_space<vmem_shared>>)
        tpu.yield
      }) : () -> ()
      %add3A_87 = arith.constant 2 : i32
      %add3A_88 = arith.addi %mul3A_73, %add3A_87 : i32
      %lt3A = arith.constant 16 : i32
      %lt3A_89 = arith.cmpi slt, %add3A_88, %lt3A : i32
      %convert_element_type3A = arith.extui %lt3A_89 : i1 to i32
      %cond3A = arith.constant 0 : i32
      %cond3A_90 = arith.cmpi ne, %convert_element_type3A, %cond3A : i32
      scf.if %cond3A_90 {
        %add3A_101 = arith.constant 2 : i32
        %add3A_102 = arith.addi %mul3A_73, %add3A_101 : i32
        %dma_start3A_103 = arith.constant 0 : i32
        %dma_start3A_104 = tpu.memref_slice %arg7[%add3A_102, %dma_start3A_103] : memref<16x125xi32, #tpu.memory_space<vmem>> -> memref<1x125xi32, #tpu.memory_space<vmem>>
        %dma_start3A_105 = tpu.memref_squeeze %dma_start3A_104 : memref<1x125xi32, #tpu.memory_space<vmem>> -> memref<125xi32, #tpu.memory_space<vmem>>
        %dma_start3A_106 = arith.constant 0 : i32
        %dma_start3A_107 = arith.constant 0 : i32
        %dma_start3A_108 = tpu.memref_slice %arg2[%dma_start3A_106, %dma_start3A_107] : memref<10000x128xf32, #tpu.memory_space<hbm>> -> memref<10000x128xf32, #tpu.memory_space<hbm>>
        tpu.enqueue_indirect_dma source(%dma_start3A_108 : memref<10000x128xf32, #tpu.memory_space<hbm>>) target(%arg9 : memref<125x128xf32, #tpu.memory_space<vmem>>) offsets(%dma_start3A_105 : memref<125xi32, #tpu.memory_space<vmem>>) semaphore(%arg12 : memref<!tpu.dma_semaphore, #tpu.memory_space<semaphore_mem>>)
      } else {
      }
      %add3A_91 = arith.constant 1 : i32
      %add3A_92 = arith.addi %mul3A_73, %add3A_91 : i32
      %dma_wait3A_93 = arith.constant 0 : i32
      %dma_wait3A_94 = tpu.memref_slice %arg7[%add3A_92, %dma_wait3A_93] : memref<16x125xi32, #tpu.memory_space<vmem>> -> memref<1x125xi32, #tpu.memory_space<vmem>>
      %dma_wait3A_95 = tpu.memref_squeeze %dma_wait3A_94 : memref<1x125xi32, #tpu.memory_space<vmem>> -> memref<125xi32, #tpu.memory_space<vmem>>
      %dma_wait3A_96 = arith.constant 0 : i32
      %dma_wait3A_97 = arith.constant 0 : i32
      %dma_wait3A_98 = tpu.memref_slice %arg2[%dma_wait3A_96, %dma_wait3A_97] : memref<10000x128xf32, #tpu.memory_space<hbm>> -> memref<10000x128xf32, #tpu.memory_space<hbm>>
      tpu.wait_indirect_dma semaphore(%arg13 : memref<!tpu.dma_semaphore, #tpu.memory_space<semaphore_mem>>) src(%dma_wait3A_98 : memref<10000x128xf32, #tpu.memory_space<hbm>>) dst(%arg10 : memref<125x128xf32, #tpu.memory_space<vmem>>)
      %add3A_99 = arith.constant 1 : i32
      %add3A_100 = arith.addi %mul3A_73, %add3A_99 : i32
      "tpu.region"() ({
        %run_scoped3A = tpu.sem_alloc : memref<!tpu.dma_semaphore, #tpu.memory_space<semaphore_mem>>
        %dma_start3A_101 = arith.constant 0 : i32
        %dma_start3A_102 = tpu.memref_slice %arg8[%add3A_100, %dma_start3A_101] : memref<16x125xi32, #tpu.memory_space<vmem>> -> memref<1x125xi32, #tpu.memory_space<vmem>>
        %dma_start3A_103 = tpu.memref_squeeze %dma_start3A_102 : memref<1x125xi32, #tpu.memory_space<vmem>> -> memref<125xi32, #tpu.memory_space<vmem>>
        %dma_start3A_104 = arith.constant 0 : i32
        %dma_start3A_105 = arith.constant 0 : i32
        %dma_start3A_106 = tpu.memref_slice %arg11[%dma_start3A_104, %dma_start3A_105] : memref<10240x128xf32, #tpu.memory_space<vmem_shared>> -> memref<10240x128xf32, #tpu.memory_space<vmem_shared>>
        tpu.enqueue_indirect_dma source(%arg10 : memref<125x128xf32, #tpu.memory_space<vmem>>) target(%dma_start3A_106 : memref<10240x128xf32, #tpu.memory_space<vmem_shared>>) offsets(%dma_start3A_103 : memref<125xi32, #tpu.memory_space<vmem>>) semaphore(%run_scoped3A : memref<!tpu.dma_semaphore, #tpu.memory_space<semaphore_mem>>) {add = true}
        %dma_wait3A_107 = arith.constant 0 : i32
        %dma_wait3A_108 = tpu.memref_slice %arg8[%add3A_100, %dma_wait3A_107] : memref<16x125xi32, #tpu.memory_space<vmem>> -> memref<1x125xi32, #tpu.memory_space<vmem>>
        %dma_wait3A_109 = tpu.memref_squeeze %dma_wait3A_108 : memref<1x125xi32, #tpu.memory_space<vmem>> -> memref<125xi32, #tpu.memory_space<vmem>>
        %dma_wait3A_110 = arith.constant 0 : i32
        %dma_wait3A_111 = arith.constant 0 : i32
        %dma_wait3A_112 = tpu.memref_slice %arg11[%dma_wait3A_110, %dma_wait3A_111] : memref<10240x128xf32, #tpu.memory_space<vmem_shared>> -> memref<10240x128xf32, #tpu.memory_space<vmem_shared>>
        tpu.wait_indirect_dma semaphore(%run_scoped3A : memref<!tpu.dma_semaphore, #tpu.memory_space<semaphore_mem>>) src(%arg10 : memref<125x128xf32, #tpu.memory_space<vmem>>) dst(%dma_wait3A_112 : memref<10240x128xf32, #tpu.memory_space<vmem_shared>>)
        tpu.yield
      }) : () -> ()
    }
    %scan3A_26 = arith.constant 8 : i32
    "tpu.region"() ({
      %run_scoped3A = tpu.sem_alloc : memref<!tpu.dma_semaphore, #tpu.memory_space<semaphore_mem>>
      %dma_start3A_71 = arith.constant 32 : i32
      %dma_start3A_72 = arith.constant 0 : i32
      %dma_start3A_73 = tpu.memref_slice %arg3[%add3A, %dma_start3A_71, %dma_start3A_72] : memref<32x80x125xi32, #tpu.memory_space<hbm>> -> memref<1x16x125xi32, #tpu.memory_space<hbm>>
      %dma_start3A_74 = tpu.memref_squeeze %dma_start3A_73 : memref<1x16x125xi32, #tpu.memory_space<hbm>> -> memref<16x125xi32, #tpu.memory_space<hbm>>
      %dma_start3A_75 = arith.constant 32 : i32
      %dma_start3A_76 = arith.constant 0 : i32
      %dma_start3A_77 = tpu.memref_slice %arg3[%add3A, %dma_start3A_75, %dma_start3A_76] : memref<32x80x125xi32, #tpu.memory_space<hbm>> -> memref<1x16x125xi32, #tpu.memory_space<hbm>>
      %dma_start3A_78 = tpu.memref_squeeze %dma_start3A_77 : memref<1x16x125xi32, #tpu.memory_space<hbm>> -> memref<16x125xi32, #tpu.memory_space<hbm>>
      tpu.enqueue_dma source(%dma_start3A_78 : memref<16x125xi32, #tpu.memory_space<hbm>>) target(%arg7 : memref<16x125xi32, #tpu.memory_space<vmem>>) target_semaphore(%run_scoped3A : memref<!tpu.dma_semaphore, #tpu.memory_space<semaphore_mem>>)
      %dma_wait3A = arith.constant 32 : i32
      %dma_wait3A_79 = arith.constant 0 : i32
      %dma_wait3A_80 = tpu.memref_slice %arg3[%add3A, %dma_wait3A, %dma_wait3A_79] : memref<32x80x125xi32, #tpu.memory_space<hbm>> -> memref<1x16x125xi32, #tpu.memory_space<hbm>>
      %dma_wait3A_81 = tpu.memref_squeeze %dma_wait3A_80 : memref<1x16x125xi32, #tpu.memory_space<hbm>> -> memref<16x125xi32, #tpu.memory_space<hbm>>
      %dma_wait3A_82 = arith.constant 32 : i32
      %dma_wait3A_83 = arith.constant 0 : i32
      %dma_wait3A_84 = tpu.memref_slice %arg3[%add3A, %dma_wait3A_82, %dma_wait3A_83] : memref<32x80x125xi32, #tpu.memory_space<hbm>> -> memref<1x16x125xi32, #tpu.memory_space<hbm>>
      %dma_wait3A_85 = tpu.memref_squeeze %dma_wait3A_84 : memref<1x16x125xi32, #tpu.memory_space<hbm>> -> memref<16x125xi32, #tpu.memory_space<hbm>>
      tpu.wait_dma2 semaphore(%run_scoped3A : memref<!tpu.dma_semaphore, #tpu.memory_space<semaphore_mem>>) src(%dma_wait3A_85 : memref<16x125xi32, #tpu.memory_space<hbm>>) dst(%arg7 : memref<16x125xi32, #tpu.memory_space<vmem>>)
      tpu.yield
    }) : () -> ()
    "tpu.region"() ({
      %run_scoped3A = tpu.sem_alloc : memref<!tpu.dma_semaphore, #tpu.memory_space<semaphore_mem>>
      %dma_start3A_71 = arith.constant 32 : i32
      %dma_start3A_72 = arith.constant 0 : i32
      %dma_start3A_73 = tpu.memref_slice %arg4[%add3A, %dma_start3A_71, %dma_start3A_72] : memref<32x80x125xi32, #tpu.memory_space<hbm>> -> memref<1x16x125xi32, #tpu.memory_space<hbm>>
      %dma_start3A_74 = tpu.memref_squeeze %dma_start3A_73 : memref<1x16x125xi32, #tpu.memory_space<hbm>> -> memref<16x125xi32, #tpu.memory_space<hbm>>
      %dma_start3A_75 = arith.constant 32 : i32
      %dma_start3A_76 = arith.constant 0 : i32
      %dma_start3A_77 = tpu.memref_slice %arg4[%add3A, %dma_start3A_75, %dma_start3A_76] : memref<32x80x125xi32, #tpu.memory_space<hbm>> -> memref<1x16x125xi32, #tpu.memory_space<hbm>>
      %dma_start3A_78 = tpu.memref_squeeze %dma_start3A_77 : memref<1x16x125xi32, #tpu.memory_space<hbm>> -> memref<16x125xi32, #tpu.memory_space<hbm>>
      tpu.enqueue_dma source(%dma_start3A_78 : memref<16x125xi32, #tpu.memory_space<hbm>>) target(%arg8 : memref<16x125xi32, #tpu.memory_space<vmem>>) target_semaphore(%run_scoped3A : memref<!tpu.dma_semaphore, #tpu.memory_space<semaphore_mem>>)
      %dma_wait3A = arith.constant 32 : i32
      %dma_wait3A_79 = arith.constant 0 : i32
      %dma_wait3A_80 = tpu.memref_slice %arg4[%add3A, %dma_wait3A, %dma_wait3A_79] : memref<32x80x125xi32, #tpu.memory_space<hbm>> -> memref<1x16x125xi32, #tpu.memory_space<hbm>>
      %dma_wait3A_81 = tpu.memref_squeeze %dma_wait3A_80 : memref<1x16x125xi32, #tpu.memory_space<hbm>> -> memref<16x125xi32, #tpu.memory_space<hbm>>
      %dma_wait3A_82 = arith.constant 32 : i32
      %dma_wait3A_83 = arith.constant 0 : i32
      %dma_wait3A_84 = tpu.memref_slice %arg4[%add3A, %dma_wait3A_82, %dma_wait3A_83] : memref<32x80x125xi32, #tpu.memory_space<hbm>> -> memref<1x16x125xi32, #tpu.memory_space<hbm>>
      %dma_wait3A_85 = tpu.memref_squeeze %dma_wait3A_84 : memref<1x16x125xi32, #tpu.memory_space<hbm>> -> memref<16x125xi32, #tpu.memory_space<hbm>>
      tpu.wait_dma2 semaphore(%run_scoped3A : memref<!tpu.dma_semaphore, #tpu.memory_space<semaphore_mem>>) src(%dma_wait3A_85 : memref<16x125xi32, #tpu.memory_space<hbm>>) dst(%arg8 : memref<16x125xi32, #tpu.memory_space<vmem>>)
      tpu.yield
    }) : () -> ()
    %dma_start3A_27 = arith.constant 0 : i32
    %dma_start3A_28 = arith.constant 0 : i32
    %dma_start3A_29 = tpu.memref_slice %arg7[%dma_start3A_27, %dma_start3A_28] : memref<16x125xi32, #tpu.memory_space<vmem>> -> memref<1x125xi32, #tpu.memory_space<vmem>>
    %dma_start3A_30 = tpu.memref_squeeze %dma_start3A_29 : memref<1x125xi32, #tpu.memory_space<vmem>> -> memref<125xi32, #tpu.memory_space<vmem>>
    %dma_start3A_31 = arith.constant 0 : i32
    %dma_start3A_32 = arith.constant 0 : i32
    %dma_start3A_33 = tpu.memref_slice %arg2[%dma_start3A_31, %dma_start3A_32] : memref<10000x128xf32, #tpu.memory_space<hbm>> -> memref<10000x128xf32, #tpu.memory_space<hbm>>
    tpu.enqueue_indirect_dma source(%dma_start3A_33 : memref<10000x128xf32, #tpu.memory_space<hbm>>) target(%arg9 : memref<125x128xf32, #tpu.memory_space<vmem>>) offsets(%dma_start3A_30 : memref<125xi32, #tpu.memory_space<vmem>>) semaphore(%arg12 : memref<!tpu.dma_semaphore, #tpu.memory_space<semaphore_mem>>)
    %scan3A_34 = arith.constant 0 : i32
    %scan3A_35 = arith.constant 0 : i32
    %scan3A_36 = arith.constant 8 : i32
    %scan3A_37 = arith.addi %scan3A_35, %scan3A_36 : i32
    %scan3A_38 = arith.constant 1 : i32
    scf.for %scan3A_71 = %scan3A_35 to %scan3A_37 step %scan3A_38  : i32 {
      %mul3A_72 = arith.constant 2 : i32
      %mul3A_73 = arith.muli %mul3A_72, %scan3A_71 : i32
      %add3A_74 = arith.constant 1 : i32
      %add3A_75 = arith.addi %mul3A_73, %add3A_74 : i32
      %dma_start3A_76 = arith.constant 0 : i32
      %dma_start3A_77 = tpu.memref_slice %arg7[%add3A_75, %dma_start3A_76] : memref<16x125xi32, #tpu.memory_space<vmem>> -> memref<1x125xi32, #tpu.memory_space<vmem>>
      %dma_start3A_78 = tpu.memref_squeeze %dma_start3A_77 : memref<1x125xi32, #tpu.memory_space<vmem>> -> memref<125xi32, #tpu.memory_space<vmem>>
      %dma_start3A_79 = arith.constant 0 : i32
      %dma_start3A_80 = arith.constant 0 : i32
      %dma_start3A_81 = tpu.memref_slice %arg2[%dma_start3A_79, %dma_start3A_80] : memref<10000x128xf32, #tpu.memory_space<hbm>> -> memref<10000x128xf32, #tpu.memory_space<hbm>>
      tpu.enqueue_indirect_dma source(%dma_start3A_81 : memref<10000x128xf32, #tpu.memory_space<hbm>>) target(%arg10 : memref<125x128xf32, #tpu.memory_space<vmem>>) offsets(%dma_start3A_78 : memref<125xi32, #tpu.memory_space<vmem>>) semaphore(%arg13 : memref<!tpu.dma_semaphore, #tpu.memory_space<semaphore_mem>>)
      %dma_wait3A = arith.constant 0 : i32
      %dma_wait3A_82 = tpu.memref_slice %arg7[%mul3A_73, %dma_wait3A] : memref<16x125xi32, #tpu.memory_space<vmem>> -> memref<1x125xi32, #tpu.memory_space<vmem>>
      %dma_wait3A_83 = tpu.memref_squeeze %dma_wait3A_82 : memref<1x125xi32, #tpu.memory_space<vmem>> -> memref<125xi32, #tpu.memory_space<vmem>>
      %dma_wait3A_84 = arith.constant 0 : i32
      %dma_wait3A_85 = arith.constant 0 : i32
      %dma_wait3A_86 = tpu.memref_slice %arg2[%dma_wait3A_84, %dma_wait3A_85] : memref<10000x128xf32, #tpu.memory_space<hbm>> -> memref<10000x128xf32, #tpu.memory_space<hbm>>
      tpu.wait_indirect_dma semaphore(%arg12 : memref<!tpu.dma_semaphore, #tpu.memory_space<semaphore_mem>>) src(%dma_wait3A_86 : memref<10000x128xf32, #tpu.memory_space<hbm>>) dst(%arg9 : memref<125x128xf32, #tpu.memory_space<vmem>>)
      "tpu.region"() ({
        %run_scoped3A = tpu.sem_alloc : memref<!tpu.dma_semaphore, #tpu.memory_space<semaphore_mem>>
        %dma_start3A_101 = arith.constant 0 : i32
        %dma_start3A_102 = tpu.memref_slice %arg8[%mul3A_73, %dma_start3A_101] : memref<16x125xi32, #tpu.memory_space<vmem>> -> memref<1x125xi32, #tpu.memory_space<vmem>>
        %dma_start3A_103 = tpu.memref_squeeze %dma_start3A_102 : memref<1x125xi32, #tpu.memory_space<vmem>> -> memref<125xi32, #tpu.memory_space<vmem>>
        %dma_start3A_104 = arith.constant 0 : i32
        %dma_start3A_105 = arith.constant 0 : i32
        %dma_start3A_106 = tpu.memref_slice %arg11[%dma_start3A_104, %dma_start3A_105] : memref<10240x128xf32, #tpu.memory_space<vmem_shared>> -> memref<10240x128xf32, #tpu.memory_space<vmem_shared>>
        tpu.enqueue_indirect_dma source(%arg9 : memref<125x128xf32, #tpu.memory_space<vmem>>) target(%dma_start3A_106 : memref<10240x128xf32, #tpu.memory_space<vmem_shared>>) offsets(%dma_start3A_103 : memref<125xi32, #tpu.memory_space<vmem>>) semaphore(%run_scoped3A : memref<!tpu.dma_semaphore, #tpu.memory_space<semaphore_mem>>) {add = true}
        %dma_wait3A_107 = arith.constant 0 : i32
        %dma_wait3A_108 = tpu.memref_slice %arg8[%mul3A_73, %dma_wait3A_107] : memref<16x125xi32, #tpu.memory_space<vmem>> -> memref<1x125xi32, #tpu.memory_space<vmem>>
        %dma_wait3A_109 = tpu.memref_squeeze %dma_wait3A_108 : memref<1x125xi32, #tpu.memory_space<vmem>> -> memref<125xi32, #tpu.memory_space<vmem>>
        %dma_wait3A_110 = arith.constant 0 : i32
        %dma_wait3A_111 = arith.constant 0 : i32
        %dma_wait3A_112 = tpu.memref_slice %arg11[%dma_wait3A_110, %dma_wait3A_111] : memref<10240x128xf32, #tpu.memory_space<vmem_shared>> -> memref<10240x128xf32, #tpu.memory_space<vmem_shared>>
        tpu.wait_indirect_dma semaphore(%run_scoped3A : memref<!tpu.dma_semaphore, #tpu.memory_space<semaphore_mem>>) src(%arg9 : memref<125x128xf32, #tpu.memory_space<vmem>>) dst(%dma_wait3A_112 : memref<10240x128xf32, #tpu.memory_space<vmem_shared>>)
        tpu.yield
      }) : () -> ()
      %add3A_87 = arith.constant 2 : i32
      %add3A_88 = arith.addi %mul3A_73, %add3A_87 : i32
      %lt3A = arith.constant 16 : i32
      %lt3A_89 = arith.cmpi slt, %add3A_88, %lt3A : i32
      %convert_element_type3A = arith.extui %lt3A_89 : i1 to i32
      %cond3A = arith.constant 0 : i32
      %cond3A_90 = arith.cmpi ne, %convert_element_type3A, %cond3A : i32
      scf.if %cond3A_90 {
        %add3A_101 = arith.constant 2 : i32
        %add3A_102 = arith.addi %mul3A_73, %add3A_101 : i32
        %dma_start3A_103 = arith.constant 0 : i32
        %dma_start3A_104 = tpu.memref_slice %arg7[%add3A_102, %dma_start3A_103] : memref<16x125xi32, #tpu.memory_space<vmem>> -> memref<1x125xi32, #tpu.memory_space<vmem>>
        %dma_start3A_105 = tpu.memref_squeeze %dma_start3A_104 : memref<1x125xi32, #tpu.memory_space<vmem>> -> memref<125xi32, #tpu.memory_space<vmem>>
        %dma_start3A_106 = arith.constant 0 : i32
        %dma_start3A_107 = arith.constant 0 : i32
        %dma_start3A_108 = tpu.memref_slice %arg2[%dma_start3A_106, %dma_start3A_107] : memref<10000x128xf32, #tpu.memory_space<hbm>> -> memref<10000x128xf32, #tpu.memory_space<hbm>>
        tpu.enqueue_indirect_dma source(%dma_start3A_108 : memref<10000x128xf32, #tpu.memory_space<hbm>>) target(%arg9 : memref<125x128xf32, #tpu.memory_space<vmem>>) offsets(%dma_start3A_105 : memref<125xi32, #tpu.memory_space<vmem>>) semaphore(%arg12 : memref<!tpu.dma_semaphore, #tpu.memory_space<semaphore_mem>>)
      } else {
      }
      %add3A_91 = arith.constant 1 : i32
      %add3A_92 = arith.addi %mul3A_73, %add3A_91 : i32
      %dma_wait3A_93 = arith.constant 0 : i32
      %dma_wait3A_94 = tpu.memref_slice %arg7[%add3A_92, %dma_wait3A_93] : memref<16x125xi32, #tpu.memory_space<vmem>> -> memref<1x125xi32, #tpu.memory_space<vmem>>
      %dma_wait3A_95 = tpu.memref_squeeze %dma_wait3A_94 : memref<1x125xi32, #tpu.memory_space<vmem>> -> memref<125xi32, #tpu.memory_space<vmem>>
      %dma_wait3A_96 = arith.constant 0 : i32
      %dma_wait3A_97 = arith.constant 0 : i32
      %dma_wait3A_98 = tpu.memref_slice %arg2[%dma_wait3A_96, %dma_wait3A_97] : memref<10000x128xf32, #tpu.memory_space<hbm>> -> memref<10000x128xf32, #tpu.memory_space<hbm>>
      tpu.wait_indirect_dma semaphore(%arg13 : memref<!tpu.dma_semaphore, #tpu.memory_space<semaphore_mem>>) src(%dma_wait3A_98 : memref<10000x128xf32, #tpu.memory_space<hbm>>) dst(%arg10 : memref<125x128xf32, #tpu.memory_space<vmem>>)
      %add3A_99 = arith.constant 1 : i32
      %add3A_100 = arith.addi %mul3A_73, %add3A_99 : i32
      "tpu.region"() ({
        %run_scoped3A = tpu.sem_alloc : memref<!tpu.dma_semaphore, #tpu.memory_space<semaphore_mem>>
        %dma_start3A_101 = arith.constant 0 : i32
        %dma_start3A_102 = tpu.memref_slice %arg8[%add3A_100, %dma_start3A_101] : memref<16x125xi32, #tpu.memory_space<vmem>> -> memref<1x125xi32, #tpu.memory_space<vmem>>
        %dma_start3A_103 = tpu.memref_squeeze %dma_start3A_102 : memref<1x125xi32, #tpu.memory_space<vmem>> -> memref<125xi32, #tpu.memory_space<vmem>>
        %dma_start3A_104 = arith.constant 0 : i32
        %dma_start3A_105 = arith.constant 0 : i32
        %dma_start3A_106 = tpu.memref_slice %arg11[%dma_start3A_104, %dma_start3A_105] : memref<10240x128xf32, #tpu.memory_space<vmem_shared>> -> memref<10240x128xf32, #tpu.memory_space<vmem_shared>>
        tpu.enqueue_indirect_dma source(%arg10 : memref<125x128xf32, #tpu.memory_space<vmem>>) target(%dma_start3A_106 : memref<10240x128xf32, #tpu.memory_space<vmem_shared>>) offsets(%dma_start3A_103 : memref<125xi32, #tpu.memory_space<vmem>>) semaphore(%run_scoped3A : memref<!tpu.dma_semaphore, #tpu.memory_space<semaphore_mem>>) {add = true}
        %dma_wait3A_107 = arith.constant 0 : i32
        %dma_wait3A_108 = tpu.memref_slice %arg8[%add3A_100, %dma_wait3A_107] : memref<16x125xi32, #tpu.memory_space<vmem>> -> memref<1x125xi32, #tpu.memory_space<vmem>>
        %dma_wait3A_109 = tpu.memref_squeeze %dma_wait3A_108 : memref<1x125xi32, #tpu.memory_space<vmem>> -> memref<125xi32, #tpu.memory_space<vmem>>
        %dma_wait3A_110 = arith.constant 0 : i32
        %dma_wait3A_111 = arith.constant 0 : i32
        %dma_wait3A_112 = tpu.memref_slice %arg11[%dma_wait3A_110, %dma_wait3A_111] : memref<10240x128xf32, #tpu.memory_space<vmem_shared>> -> memref<10240x128xf32, #tpu.memory_space<vmem_shared>>
        tpu.wait_indirect_dma semaphore(%run_scoped3A : memref<!tpu.dma_semaphore, #tpu.memory_space<semaphore_mem>>) src(%arg10 : memref<125x128xf32, #tpu.memory_space<vmem>>) dst(%dma_wait3A_112 : memref<10240x128xf32, #tpu.memory_space<vmem_shared>>)
        tpu.yield
      }) : () -> ()
    }
    %scan3A_39 = arith.constant 8 : i32
    "tpu.region"() ({
      %run_scoped3A = tpu.sem_alloc : memref<!tpu.dma_semaphore, #tpu.memory_space<semaphore_mem>>
      %dma_start3A_71 = arith.constant 48 : i32
      %dma_start3A_72 = arith.constant 0 : i32
      %dma_start3A_73 = tpu.memref_slice %arg3[%add3A, %dma_start3A_71, %dma_start3A_72] : memref<32x80x125xi32, #tpu.memory_space<hbm>> -> memref<1x16x125xi32, #tpu.memory_space<hbm>>
      %dma_start3A_74 = tpu.memref_squeeze %dma_start3A_73 : memref<1x16x125xi32, #tpu.memory_space<hbm>> -> memref<16x125xi32, #tpu.memory_space<hbm>>
      %dma_start3A_75 = arith.constant 48 : i32
      %dma_start3A_76 = arith.constant 0 : i32
      %dma_start3A_77 = tpu.memref_slice %arg3[%add3A, %dma_start3A_75, %dma_start3A_76] : memref<32x80x125xi32, #tpu.memory_space<hbm>> -> memref<1x16x125xi32, #tpu.memory_space<hbm>>
      %dma_start3A_78 = tpu.memref_squeeze %dma_start3A_77 : memref<1x16x125xi32, #tpu.memory_space<hbm>> -> memref<16x125xi32, #tpu.memory_space<hbm>>
      tpu.enqueue_dma source(%dma_start3A_78 : memref<16x125xi32, #tpu.memory_space<hbm>>) target(%arg7 : memref<16x125xi32, #tpu.memory_space<vmem>>) target_semaphore(%run_scoped3A : memref<!tpu.dma_semaphore, #tpu.memory_space<semaphore_mem>>)
      %dma_wait3A = arith.constant 48 : i32
      %dma_wait3A_79 = arith.constant 0 : i32
      %dma_wait3A_80 = tpu.memref_slice %arg3[%add3A, %dma_wait3A, %dma_wait3A_79] : memref<32x80x125xi32, #tpu.memory_space<hbm>> -> memref<1x16x125xi32, #tpu.memory_space<hbm>>
      %dma_wait3A_81 = tpu.memref_squeeze %dma_wait3A_80 : memref<1x16x125xi32, #tpu.memory_space<hbm>> -> memref<16x125xi32, #tpu.memory_space<hbm>>
      %dma_wait3A_82 = arith.constant 48 : i32
      %dma_wait3A_83 = arith.constant 0 : i32
      %dma_wait3A_84 = tpu.memref_slice %arg3[%add3A, %dma_wait3A_82, %dma_wait3A_83] : memref<32x80x125xi32, #tpu.memory_space<hbm>> -> memref<1x16x125xi32, #tpu.memory_space<hbm>>
      %dma_wait3A_85 = tpu.memref_squeeze %dma_wait3A_84 : memref<1x16x125xi32, #tpu.memory_space<hbm>> -> memref<16x125xi32, #tpu.memory_space<hbm>>
      tpu.wait_dma2 semaphore(%run_scoped3A : memref<!tpu.dma_semaphore, #tpu.memory_space<semaphore_mem>>) src(%dma_wait3A_85 : memref<16x125xi32, #tpu.memory_space<hbm>>) dst(%arg7 : memref<16x125xi32, #tpu.memory_space<vmem>>)
      tpu.yield
    }) : () -> ()
    "tpu.region"() ({
      %run_scoped3A = tpu.sem_alloc : memref<!tpu.dma_semaphore, #tpu.memory_space<semaphore_mem>>
      %dma_start3A_71 = arith.constant 48 : i32
      %dma_start3A_72 = arith.constant 0 : i32
      %dma_start3A_73 = tpu.memref_slice %arg4[%add3A, %dma_start3A_71, %dma_start3A_72] : memref<32x80x125xi32, #tpu.memory_space<hbm>> -> memref<1x16x125xi32, #tpu.memory_space<hbm>>
      %dma_start3A_74 = tpu.memref_squeeze %dma_start3A_73 : memref<1x16x125xi32, #tpu.memory_space<hbm>> -> memref<16x125xi32, #tpu.memory_space<hbm>>
      %dma_start3A_75 = arith.constant 48 : i32
      %dma_start3A_76 = arith.constant 0 : i32
      %dma_start3A_77 = tpu.memref_slice %arg4[%add3A, %dma_start3A_75, %dma_start3A_76] : memref<32x80x125xi32, #tpu.memory_space<hbm>> -> memref<1x16x125xi32, #tpu.memory_space<hbm>>
      %dma_start3A_78 = tpu.memref_squeeze %dma_start3A_77 : memref<1x16x125xi32, #tpu.memory_space<hbm>> -> memref<16x125xi32, #tpu.memory_space<hbm>>
      tpu.enqueue_dma source(%dma_start3A_78 : memref<16x125xi32, #tpu.memory_space<hbm>>) target(%arg8 : memref<16x125xi32, #tpu.memory_space<vmem>>) target_semaphore(%run_scoped3A : memref<!tpu.dma_semaphore, #tpu.memory_space<semaphore_mem>>)
      %dma_wait3A = arith.constant 48 : i32
      %dma_wait3A_79 = arith.constant 0 : i32
      %dma_wait3A_80 = tpu.memref_slice %arg4[%add3A, %dma_wait3A, %dma_wait3A_79] : memref<32x80x125xi32, #tpu.memory_space<hbm>> -> memref<1x16x125xi32, #tpu.memory_space<hbm>>
      %dma_wait3A_81 = tpu.memref_squeeze %dma_wait3A_80 : memref<1x16x125xi32, #tpu.memory_space<hbm>> -> memref<16x125xi32, #tpu.memory_space<hbm>>
      %dma_wait3A_82 = arith.constant 48 : i32
      %dma_wait3A_83 = arith.constant 0 : i32
      %dma_wait3A_84 = tpu.memref_slice %arg4[%add3A, %dma_wait3A_82, %dma_wait3A_83] : memref<32x80x125xi32, #tpu.memory_space<hbm>> -> memref<1x16x125xi32, #tpu.memory_space<hbm>>
      %dma_wait3A_85 = tpu.memref_squeeze %dma_wait3A_84 : memref<1x16x125xi32, #tpu.memory_space<hbm>> -> memref<16x125xi32, #tpu.memory_space<hbm>>
      tpu.wait_dma2 semaphore(%run_scoped3A : memref<!tpu.dma_semaphore, #tpu.memory_space<semaphore_mem>>) src(%dma_wait3A_85 : memref<16x125xi32, #tpu.memory_space<hbm>>) dst(%arg8 : memref<16x125xi32, #tpu.memory_space<vmem>>)
      tpu.yield
    }) : () -> ()
    %dma_start3A_40 = arith.constant 0 : i32
    %dma_start3A_41 = arith.constant 0 : i32
    %dma_start3A_42 = tpu.memref_slice %arg7[%dma_start3A_40, %dma_start3A_41] : memref<16x125xi32, #tpu.memory_space<vmem>> -> memref<1x125xi32, #tpu.memory_space<vmem>>
    %dma_start3A_43 = tpu.memref_squeeze %dma_start3A_42 : memref<1x125xi32, #tpu.memory_space<vmem>> -> memref<125xi32, #tpu.memory_space<vmem>>
    %dma_start3A_44 = arith.constant 0 : i32
    %dma_start3A_45 = arith.constant 0 : i32
    %dma_start3A_46 = tpu.memref_slice %arg2[%dma_start3A_44, %dma_start3A_45] : memref<10000x128xf32, #tpu.memory_space<hbm>> -> memref<10000x128xf32, #tpu.memory_space<hbm>>
    tpu.enqueue_indirect_dma source(%dma_start3A_46 : memref<10000x128xf32, #tpu.memory_space<hbm>>) target(%arg9 : memref<125x128xf32, #tpu.memory_space<vmem>>) offsets(%dma_start3A_43 : memref<125xi32, #tpu.memory_space<vmem>>) semaphore(%arg12 : memref<!tpu.dma_semaphore, #tpu.memory_space<semaphore_mem>>)
    %scan3A_47 = arith.constant 0 : i32
    %scan3A_48 = arith.constant 0 : i32
    %scan3A_49 = arith.constant 8 : i32
    %scan3A_50 = arith.addi %scan3A_48, %scan3A_49 : i32
    %scan3A_51 = arith.constant 1 : i32
    scf.for %scan3A_71 = %scan3A_48 to %scan3A_50 step %scan3A_51  : i32 {
      %mul3A_72 = arith.constant 2 : i32
      %mul3A_73 = arith.muli %mul3A_72, %scan3A_71 : i32
      %add3A_74 = arith.constant 1 : i32
      %add3A_75 = arith.addi %mul3A_73, %add3A_74 : i32
      %dma_start3A_76 = arith.constant 0 : i32
      %dma_start3A_77 = tpu.memref_slice %arg7[%add3A_75, %dma_start3A_76] : memref<16x125xi32, #tpu.memory_space<vmem>> -> memref<1x125xi32, #tpu.memory_space<vmem>>
      %dma_start3A_78 = tpu.memref_squeeze %dma_start3A_77 : memref<1x125xi32, #tpu.memory_space<vmem>> -> memref<125xi32, #tpu.memory_space<vmem>>
      %dma_start3A_79 = arith.constant 0 : i32
      %dma_start3A_80 = arith.constant 0 : i32
      %dma_start3A_81 = tpu.memref_slice %arg2[%dma_start3A_79, %dma_start3A_80] : memref<10000x128xf32, #tpu.memory_space<hbm>> -> memref<10000x128xf32, #tpu.memory_space<hbm>>
      tpu.enqueue_indirect_dma source(%dma_start3A_81 : memref<10000x128xf32, #tpu.memory_space<hbm>>) target(%arg10 : memref<125x128xf32, #tpu.memory_space<vmem>>) offsets(%dma_start3A_78 : memref<125xi32, #tpu.memory_space<vmem>>) semaphore(%arg13 : memref<!tpu.dma_semaphore, #tpu.memory_space<semaphore_mem>>)
      %dma_wait3A = arith.constant 0 : i32
      %dma_wait3A_82 = tpu.memref_slice %arg7[%mul3A_73, %dma_wait3A] : memref<16x125xi32, #tpu.memory_space<vmem>> -> memref<1x125xi32, #tpu.memory_space<vmem>>
      %dma_wait3A_83 = tpu.memref_squeeze %dma_wait3A_82 : memref<1x125xi32, #tpu.memory_space<vmem>> -> memref<125xi32, #tpu.memory_space<vmem>>
      %dma_wait3A_84 = arith.constant 0 : i32
      %dma_wait3A_85 = arith.constant 0 : i32
      %dma_wait3A_86 = tpu.memref_slice %arg2[%dma_wait3A_84, %dma_wait3A_85] : memref<10000x128xf32, #tpu.memory_space<hbm>> -> memref<10000x128xf32, #tpu.memory_space<hbm>>
      tpu.wait_indirect_dma semaphore(%arg12 : memref<!tpu.dma_semaphore, #tpu.memory_space<semaphore_mem>>) src(%dma_wait3A_86 : memref<10000x128xf32, #tpu.memory_space<hbm>>) dst(%arg9 : memref<125x128xf32, #tpu.memory_space<vmem>>)
      "tpu.region"() ({
        %run_scoped3A = tpu.sem_alloc : memref<!tpu.dma_semaphore, #tpu.memory_space<semaphore_mem>>
        %dma_start3A_101 = arith.constant 0 : i32
        %dma_start3A_102 = tpu.memref_slice %arg8[%mul3A_73, %dma_start3A_101] : memref<16x125xi32, #tpu.memory_space<vmem>> -> memref<1x125xi32, #tpu.memory_space<vmem>>
        %dma_start3A_103 = tpu.memref_squeeze %dma_start3A_102 : memref<1x125xi32, #tpu.memory_space<vmem>> -> memref<125xi32, #tpu.memory_space<vmem>>
        %dma_start3A_104 = arith.constant 0 : i32
        %dma_start3A_105 = arith.constant 0 : i32
        %dma_start3A_106 = tpu.memref_slice %arg11[%dma_start3A_104, %dma_start3A_105] : memref<10240x128xf32, #tpu.memory_space<vmem_shared>> -> memref<10240x128xf32, #tpu.memory_space<vmem_shared>>
        tpu.enqueue_indirect_dma source(%arg9 : memref<125x128xf32, #tpu.memory_space<vmem>>) target(%dma_start3A_106 : memref<10240x128xf32, #tpu.memory_space<vmem_shared>>) offsets(%dma_start3A_103 : memref<125xi32, #tpu.memory_space<vmem>>) semaphore(%run_scoped3A : memref<!tpu.dma_semaphore, #tpu.memory_space<semaphore_mem>>) {add = true}
        %dma_wait3A_107 = arith.constant 0 : i32
        %dma_wait3A_108 = tpu.memref_slice %arg8[%mul3A_73, %dma_wait3A_107] : memref<16x125xi32, #tpu.memory_space<vmem>> -> memref<1x125xi32, #tpu.memory_space<vmem>>
        %dma_wait3A_109 = tpu.memref_squeeze %dma_wait3A_108 : memref<1x125xi32, #tpu.memory_space<vmem>> -> memref<125xi32, #tpu.memory_space<vmem>>
        %dma_wait3A_110 = arith.constant 0 : i32
        %dma_wait3A_111 = arith.constant 0 : i32
        %dma_wait3A_112 = tpu.memref_slice %arg11[%dma_wait3A_110, %dma_wait3A_111] : memref<10240x128xf32, #tpu.memory_space<vmem_shared>> -> memref<10240x128xf32, #tpu.memory_space<vmem_shared>>
        tpu.wait_indirect_dma semaphore(%run_scoped3A : memref<!tpu.dma_semaphore, #tpu.memory_space<semaphore_mem>>) src(%arg9 : memref<125x128xf32, #tpu.memory_space<vmem>>) dst(%dma_wait3A_112 : memref<10240x128xf32, #tpu.memory_space<vmem_shared>>)
        tpu.yield
      }) : () -> ()
      %add3A_87 = arith.constant 2 : i32
      %add3A_88 = arith.addi %mul3A_73, %add3A_87 : i32
      %lt3A = arith.constant 16 : i32
      %lt3A_89 = arith.cmpi slt, %add3A_88, %lt3A : i32
      %convert_element_type3A = arith.extui %lt3A_89 : i1 to i32
      %cond3A = arith.constant 0 : i32
      %cond3A_90 = arith.cmpi ne, %convert_element_type3A, %cond3A : i32
      scf.if %cond3A_90 {
        %add3A_101 = arith.constant 2 : i32
        %add3A_102 = arith.addi %mul3A_73, %add3A_101 : i32
        %dma_start3A_103 = arith.constant 0 : i32
        %dma_start3A_104 = tpu.memref_slice %arg7[%add3A_102, %dma_start3A_103] : memref<16x125xi32, #tpu.memory_space<vmem>> -> memref<1x125xi32, #tpu.memory_space<vmem>>
        %dma_start3A_105 = tpu.memref_squeeze %dma_start3A_104 : memref<1x125xi32, #tpu.memory_space<vmem>> -> memref<125xi32, #tpu.memory_space<vmem>>
        %dma_start3A_106 = arith.constant 0 : i32
        %dma_start3A_107 = arith.constant 0 : i32
        %dma_start3A_108 = tpu.memref_slice %arg2[%dma_start3A_106, %dma_start3A_107] : memref<10000x128xf32, #tpu.memory_space<hbm>> -> memref<10000x128xf32, #tpu.memory_space<hbm>>
        tpu.enqueue_indirect_dma source(%dma_start3A_108 : memref<10000x128xf32, #tpu.memory_space<hbm>>) target(%arg9 : memref<125x128xf32, #tpu.memory_space<vmem>>) offsets(%dma_start3A_105 : memref<125xi32, #tpu.memory_space<vmem>>) semaphore(%arg12 : memref<!tpu.dma_semaphore, #tpu.memory_space<semaphore_mem>>)
      } else {
      }
      %add3A_91 = arith.constant 1 : i32
      %add3A_92 = arith.addi %mul3A_73, %add3A_91 : i32
      %dma_wait3A_93 = arith.constant 0 : i32
      %dma_wait3A_94 = tpu.memref_slice %arg7[%add3A_92, %dma_wait3A_93] : memref<16x125xi32, #tpu.memory_space<vmem>> -> memref<1x125xi32, #tpu.memory_space<vmem>>
      %dma_wait3A_95 = tpu.memref_squeeze %dma_wait3A_94 : memref<1x125xi32, #tpu.memory_space<vmem>> -> memref<125xi32, #tpu.memory_space<vmem>>
      %dma_wait3A_96 = arith.constant 0 : i32
      %dma_wait3A_97 = arith.constant 0 : i32
      %dma_wait3A_98 = tpu.memref_slice %arg2[%dma_wait3A_96, %dma_wait3A_97] : memref<10000x128xf32, #tpu.memory_space<hbm>> -> memref<10000x128xf32, #tpu.memory_space<hbm>>
      tpu.wait_indirect_dma semaphore(%arg13 : memref<!tpu.dma_semaphore, #tpu.memory_space<semaphore_mem>>) src(%dma_wait3A_98 : memref<10000x128xf32, #tpu.memory_space<hbm>>) dst(%arg10 : memref<125x128xf32, #tpu.memory_space<vmem>>)
      %add3A_99 = arith.constant 1 : i32
      %add3A_100 = arith.addi %mul3A_73, %add3A_99 : i32
      "tpu.region"() ({
        %run_scoped3A = tpu.sem_alloc : memref<!tpu.dma_semaphore, #tpu.memory_space<semaphore_mem>>
        %dma_start3A_101 = arith.constant 0 : i32
        %dma_start3A_102 = tpu.memref_slice %arg8[%add3A_100, %dma_start3A_101] : memref<16x125xi32, #tpu.memory_space<vmem>> -> memref<1x125xi32, #tpu.memory_space<vmem>>
        %dma_start3A_103 = tpu.memref_squeeze %dma_start3A_102 : memref<1x125xi32, #tpu.memory_space<vmem>> -> memref<125xi32, #tpu.memory_space<vmem>>
        %dma_start3A_104 = arith.constant 0 : i32
        %dma_start3A_105 = arith.constant 0 : i32
        %dma_start3A_106 = tpu.memref_slice %arg11[%dma_start3A_104, %dma_start3A_105] : memref<10240x128xf32, #tpu.memory_space<vmem_shared>> -> memref<10240x128xf32, #tpu.memory_space<vmem_shared>>
        tpu.enqueue_indirect_dma source(%arg10 : memref<125x128xf32, #tpu.memory_space<vmem>>) target(%dma_start3A_106 : memref<10240x128xf32, #tpu.memory_space<vmem_shared>>) offsets(%dma_start3A_103 : memref<125xi32, #tpu.memory_space<vmem>>) semaphore(%run_scoped3A : memref<!tpu.dma_semaphore, #tpu.memory_space<semaphore_mem>>) {add = true}
        %dma_wait3A_107 = arith.constant 0 : i32
        %dma_wait3A_108 = tpu.memref_slice %arg8[%add3A_100, %dma_wait3A_107] : memref<16x125xi32, #tpu.memory_space<vmem>> -> memref<1x125xi32, #tpu.memory_space<vmem>>
        %dma_wait3A_109 = tpu.memref_squeeze %dma_wait3A_108 : memref<1x125xi32, #tpu.memory_space<vmem>> -> memref<125xi32, #tpu.memory_space<vmem>>
        %dma_wait3A_110 = arith.constant 0 : i32
        %dma_wait3A_111 = arith.constant 0 : i32
        %dma_wait3A_112 = tpu.memref_slice %arg11[%dma_wait3A_110, %dma_wait3A_111] : memref<10240x128xf32, #tpu.memory_space<vmem_shared>> -> memref<10240x128xf32, #tpu.memory_space<vmem_shared>>
        tpu.wait_indirect_dma semaphore(%run_scoped3A : memref<!tpu.dma_semaphore, #tpu.memory_space<semaphore_mem>>) src(%arg10 : memref<125x128xf32, #tpu.memory_space<vmem>>) dst(%dma_wait3A_112 : memref<10240x128xf32, #tpu.memory_space<vmem_shared>>)
        tpu.yield
      }) : () -> ()
    }
    %scan3A_52 = arith.constant 8 : i32
    "tpu.region"() ({
      %run_scoped3A = tpu.sem_alloc : memref<!tpu.dma_semaphore, #tpu.memory_space<semaphore_mem>>
      %dma_start3A_71 = arith.constant 64 : i32
      %dma_start3A_72 = arith.constant 0 : i32
      %dma_start3A_73 = tpu.memref_slice %arg3[%add3A, %dma_start3A_71, %dma_start3A_72] : memref<32x80x125xi32, #tpu.memory_space<hbm>> -> memref<1x16x125xi32, #tpu.memory_space<hbm>>
      %dma_start3A_74 = tpu.memref_squeeze %dma_start3A_73 : memref<1x16x125xi32, #tpu.memory_space<hbm>> -> memref<16x125xi32, #tpu.memory_space<hbm>>
      %dma_start3A_75 = arith.constant 64 : i32
      %dma_start3A_76 = arith.constant 0 : i32
      %dma_start3A_77 = tpu.memref_slice %arg3[%add3A, %dma_start3A_75, %dma_start3A_76] : memref<32x80x125xi32, #tpu.memory_space<hbm>> -> memref<1x16x125xi32, #tpu.memory_space<hbm>>
      %dma_start3A_78 = tpu.memref_squeeze %dma_start3A_77 : memref<1x16x125xi32, #tpu.memory_space<hbm>> -> memref<16x125xi32, #tpu.memory_space<hbm>>
      tpu.enqueue_dma source(%dma_start3A_78 : memref<16x125xi32, #tpu.memory_space<hbm>>) target(%arg7 : memref<16x125xi32, #tpu.memory_space<vmem>>) target_semaphore(%run_scoped3A : memref<!tpu.dma_semaphore, #tpu.memory_space<semaphore_mem>>)
      %dma_wait3A = arith.constant 64 : i32
      %dma_wait3A_79 = arith.constant 0 : i32
      %dma_wait3A_80 = tpu.memref_slice %arg3[%add3A, %dma_wait3A, %dma_wait3A_79] : memref<32x80x125xi32, #tpu.memory_space<hbm>> -> memref<1x16x125xi32, #tpu.memory_space<hbm>>
      %dma_wait3A_81 = tpu.memref_squeeze %dma_wait3A_80 : memref<1x16x125xi32, #tpu.memory_space<hbm>> -> memref<16x125xi32, #tpu.memory_space<hbm>>
      %dma_wait3A_82 = arith.constant 64 : i32
      %dma_wait3A_83 = arith.constant 0 : i32
      %dma_wait3A_84 = tpu.memref_slice %arg3[%add3A, %dma_wait3A_82, %dma_wait3A_83] : memref<32x80x125xi32, #tpu.memory_space<hbm>> -> memref<1x16x125xi32, #tpu.memory_space<hbm>>
      %dma_wait3A_85 = tpu.memref_squeeze %dma_wait3A_84 : memref<1x16x125xi32, #tpu.memory_space<hbm>> -> memref<16x125xi32, #tpu.memory_space<hbm>>
      tpu.wait_dma2 semaphore(%run_scoped3A : memref<!tpu.dma_semaphore, #tpu.memory_space<semaphore_mem>>) src(%dma_wait3A_85 : memref<16x125xi32, #tpu.memory_space<hbm>>) dst(%arg7 : memref<16x125xi32, #tpu.memory_space<vmem>>)
      tpu.yield
    }) : () -> ()
    "tpu.region"() ({
      %run_scoped3A = tpu.sem_alloc : memref<!tpu.dma_semaphore, #tpu.memory_space<semaphore_mem>>
      %dma_start3A_71 = arith.constant 64 : i32
      %dma_start3A_72 = arith.constant 0 : i32
      %dma_start3A_73 = tpu.memref_slice %arg4[%add3A, %dma_start3A_71, %dma_start3A_72] : memref<32x80x125xi32, #tpu.memory_space<hbm>> -> memref<1x16x125xi32, #tpu.memory_space<hbm>>
      %dma_start3A_74 = tpu.memref_squeeze %dma_start3A_73 : memref<1x16x125xi32, #tpu.memory_space<hbm>> -> memref<16x125xi32, #tpu.memory_space<hbm>>
      %dma_start3A_75 = arith.constant 64 : i32
      %dma_start3A_76 = arith.constant 0 : i32
      %dma_start3A_77 = tpu.memref_slice %arg4[%add3A, %dma_start3A_75, %dma_start3A_76] : memref<32x80x125xi32, #tpu.memory_space<hbm>> -> memref<1x16x125xi32, #tpu.memory_space<hbm>>
      %dma_start3A_78 = tpu.memref_squeeze %dma_start3A_77 : memref<1x16x125xi32, #tpu.memory_space<hbm>> -> memref<16x125xi32, #tpu.memory_space<hbm>>
      tpu.enqueue_dma source(%dma_start3A_78 : memref<16x125xi32, #tpu.memory_space<hbm>>) target(%arg8 : memref<16x125xi32, #tpu.memory_space<vmem>>) target_semaphore(%run_scoped3A : memref<!tpu.dma_semaphore, #tpu.memory_space<semaphore_mem>>)
      %dma_wait3A = arith.constant 64 : i32
      %dma_wait3A_79 = arith.constant 0 : i32
      %dma_wait3A_80 = tpu.memref_slice %arg4[%add3A, %dma_wait3A, %dma_wait3A_79] : memref<32x80x125xi32, #tpu.memory_space<hbm>> -> memref<1x16x125xi32, #tpu.memory_space<hbm>>
      %dma_wait3A_81 = tpu.memref_squeeze %dma_wait3A_80 : memref<1x16x125xi32, #tpu.memory_space<hbm>> -> memref<16x125xi32, #tpu.memory_space<hbm>>
      %dma_wait3A_82 = arith.constant 64 : i32
      %dma_wait3A_83 = arith.constant 0 : i32
      %dma_wait3A_84 = tpu.memref_slice %arg4[%add3A, %dma_wait3A_82, %dma_wait3A_83] : memref<32x80x125xi32, #tpu.memory_space<hbm>> -> memref<1x16x125xi32, #tpu.memory_space<hbm>>
      %dma_wait3A_85 = tpu.memref_squeeze %dma_wait3A_84 : memref<1x16x125xi32, #tpu.memory_space<hbm>> -> memref<16x125xi32, #tpu.memory_space<hbm>>
      tpu.wait_dma2 semaphore(%run_scoped3A : memref<!tpu.dma_semaphore, #tpu.memory_space<semaphore_mem>>) src(%dma_wait3A_85 : memref<16x125xi32, #tpu.memory_space<hbm>>) dst(%arg8 : memref<16x125xi32, #tpu.memory_space<vmem>>)
      tpu.yield
    }) : () -> ()
    %dma_start3A_53 = arith.constant 0 : i32
    %dma_start3A_54 = arith.constant 0 : i32
    %dma_start3A_55 = tpu.memref_slice %arg7[%dma_start3A_53, %dma_start3A_54] : memref<16x125xi32, #tpu.memory_space<vmem>> -> memref<1x125xi32, #tpu.memory_space<vmem>>
    %dma_start3A_56 = tpu.memref_squeeze %dma_start3A_55 : memref<1x125xi32, #tpu.memory_space<vmem>> -> memref<125xi32, #tpu.memory_space<vmem>>
    %dma_start3A_57 = arith.constant 0 : i32
    %dma_start3A_58 = arith.constant 0 : i32
    %dma_start3A_59 = tpu.memref_slice %arg2[%dma_start3A_57, %dma_start3A_58] : memref<10000x128xf32, #tpu.memory_space<hbm>> -> memref<10000x128xf32, #tpu.memory_space<hbm>>
    tpu.enqueue_indirect_dma source(%dma_start3A_59 : memref<10000x128xf32, #tpu.memory_space<hbm>>) target(%arg9 : memref<125x128xf32, #tpu.memory_space<vmem>>) offsets(%dma_start3A_56 : memref<125xi32, #tpu.memory_space<vmem>>) semaphore(%arg12 : memref<!tpu.dma_semaphore, #tpu.memory_space<semaphore_mem>>)
    %scan3A_60 = arith.constant 0 : i32
    %scan3A_61 = arith.constant 0 : i32
    %scan3A_62 = arith.constant 8 : i32
    %scan3A_63 = arith.addi %scan3A_61, %scan3A_62 : i32
    %scan3A_64 = arith.constant 1 : i32
    scf.for %scan3A_71 = %scan3A_61 to %scan3A_63 step %scan3A_64  : i32 {
      %mul3A_72 = arith.constant 2 : i32
      %mul3A_73 = arith.muli %mul3A_72, %scan3A_71 : i32
      %add3A_74 = arith.constant 1 : i32
      %add3A_75 = arith.addi %mul3A_73, %add3A_74 : i32
      %dma_start3A_76 = arith.constant 0 : i32
      %dma_start3A_77 = tpu.memref_slice %arg7[%add3A_75, %dma_start3A_76] : memref<16x125xi32, #tpu.memory_space<vmem>> -> memref<1x125xi32, #tpu.memory_space<vmem>>
      %dma_start3A_78 = tpu.memref_squeeze %dma_start3A_77 : memref<1x125xi32, #tpu.memory_space<vmem>> -> memref<125xi32, #tpu.memory_space<vmem>>
      %dma_start3A_79 = arith.constant 0 : i32
      %dma_start3A_80 = arith.constant 0 : i32
      %dma_start3A_81 = tpu.memref_slice %arg2[%dma_start3A_79, %dma_start3A_80] : memref<10000x128xf32, #tpu.memory_space<hbm>> -> memref<10000x128xf32, #tpu.memory_space<hbm>>
      tpu.enqueue_indirect_dma source(%dma_start3A_81 : memref<10000x128xf32, #tpu.memory_space<hbm>>) target(%arg10 : memref<125x128xf32, #tpu.memory_space<vmem>>) offsets(%dma_start3A_78 : memref<125xi32, #tpu.memory_space<vmem>>) semaphore(%arg13 : memref<!tpu.dma_semaphore, #tpu.memory_space<semaphore_mem>>)
      %dma_wait3A = arith.constant 0 : i32
      %dma_wait3A_82 = tpu.memref_slice %arg7[%mul3A_73, %dma_wait3A] : memref<16x125xi32, #tpu.memory_space<vmem>> -> memref<1x125xi32, #tpu.memory_space<vmem>>
      %dma_wait3A_83 = tpu.memref_squeeze %dma_wait3A_82 : memref<1x125xi32, #tpu.memory_space<vmem>> -> memref<125xi32, #tpu.memory_space<vmem>>
      %dma_wait3A_84 = arith.constant 0 : i32
      %dma_wait3A_85 = arith.constant 0 : i32
      %dma_wait3A_86 = tpu.memref_slice %arg2[%dma_wait3A_84, %dma_wait3A_85] : memref<10000x128xf32, #tpu.memory_space<hbm>> -> memref<10000x128xf32, #tpu.memory_space<hbm>>
      tpu.wait_indirect_dma semaphore(%arg12 : memref<!tpu.dma_semaphore, #tpu.memory_space<semaphore_mem>>) src(%dma_wait3A_86 : memref<10000x128xf32, #tpu.memory_space<hbm>>) dst(%arg9 : memref<125x128xf32, #tpu.memory_space<vmem>>)
      "tpu.region"() ({
        %run_scoped3A = tpu.sem_alloc : memref<!tpu.dma_semaphore, #tpu.memory_space<semaphore_mem>>
        %dma_start3A_101 = arith.constant 0 : i32
        %dma_start3A_102 = tpu.memref_slice %arg8[%mul3A_73, %dma_start3A_101] : memref<16x125xi32, #tpu.memory_space<vmem>> -> memref<1x125xi32, #tpu.memory_space<vmem>>
        %dma_start3A_103 = tpu.memref_squeeze %dma_start3A_102 : memref<1x125xi32, #tpu.memory_space<vmem>> -> memref<125xi32, #tpu.memory_space<vmem>>
        %dma_start3A_104 = arith.constant 0 : i32
        %dma_start3A_105 = arith.constant 0 : i32
        %dma_start3A_106 = tpu.memref_slice %arg11[%dma_start3A_104, %dma_start3A_105] : memref<10240x128xf32, #tpu.memory_space<vmem_shared>> -> memref<10240x128xf32, #tpu.memory_space<vmem_shared>>
        tpu.enqueue_indirect_dma source(%arg9 : memref<125x128xf32, #tpu.memory_space<vmem>>) target(%dma_start3A_106 : memref<10240x128xf32, #tpu.memory_space<vmem_shared>>) offsets(%dma_start3A_103 : memref<125xi32, #tpu.memory_space<vmem>>) semaphore(%run_scoped3A : memref<!tpu.dma_semaphore, #tpu.memory_space<semaphore_mem>>) {add = true}
        %dma_wait3A_107 = arith.constant 0 : i32
        %dma_wait3A_108 = tpu.memref_slice %arg8[%mul3A_73, %dma_wait3A_107] : memref<16x125xi32, #tpu.memory_space<vmem>> -> memref<1x125xi32, #tpu.memory_space<vmem>>
        %dma_wait3A_109 = tpu.memref_squeeze %dma_wait3A_108 : memref<1x125xi32, #tpu.memory_space<vmem>> -> memref<125xi32, #tpu.memory_space<vmem>>
        %dma_wait3A_110 = arith.constant 0 : i32
        %dma_wait3A_111 = arith.constant 0 : i32
        %dma_wait3A_112 = tpu.memref_slice %arg11[%dma_wait3A_110, %dma_wait3A_111] : memref<10240x128xf32, #tpu.memory_space<vmem_shared>> -> memref<10240x128xf32, #tpu.memory_space<vmem_shared>>
        tpu.wait_indirect_dma semaphore(%run_scoped3A : memref<!tpu.dma_semaphore, #tpu.memory_space<semaphore_mem>>) src(%arg9 : memref<125x128xf32, #tpu.memory_space<vmem>>) dst(%dma_wait3A_112 : memref<10240x128xf32, #tpu.memory_space<vmem_shared>>)
        tpu.yield
      }) : () -> ()
      %add3A_87 = arith.constant 2 : i32
      %add3A_88 = arith.addi %mul3A_73, %add3A_87 : i32
      %lt3A = arith.constant 16 : i32
      %lt3A_89 = arith.cmpi slt, %add3A_88, %lt3A : i32
      %convert_element_type3A = arith.extui %lt3A_89 : i1 to i32
      %cond3A = arith.constant 0 : i32
      %cond3A_90 = arith.cmpi ne, %convert_element_type3A, %cond3A : i32
      scf.if %cond3A_90 {
        %add3A_101 = arith.constant 2 : i32
        %add3A_102 = arith.addi %mul3A_73, %add3A_101 : i32
        %dma_start3A_103 = arith.constant 0 : i32
        %dma_start3A_104 = tpu.memref_slice %arg7[%add3A_102, %dma_start3A_103] : memref<16x125xi32, #tpu.memory_space<vmem>> -> memref<1x125xi32, #tpu.memory_space<vmem>>
        %dma_start3A_105 = tpu.memref_squeeze %dma_start3A_104 : memref<1x125xi32, #tpu.memory_space<vmem>> -> memref<125xi32, #tpu.memory_space<vmem>>
        %dma_start3A_106 = arith.constant 0 : i32
        %dma_start3A_107 = arith.constant 0 : i32
        %dma_start3A_108 = tpu.memref_slice %arg2[%dma_start3A_106, %dma_start3A_107] : memref<10000x128xf32, #tpu.memory_space<hbm>> -> memref<10000x128xf32, #tpu.memory_space<hbm>>
        tpu.enqueue_indirect_dma source(%dma_start3A_108 : memref<10000x128xf32, #tpu.memory_space<hbm>>) target(%arg9 : memref<125x128xf32, #tpu.memory_space<vmem>>) offsets(%dma_start3A_105 : memref<125xi32, #tpu.memory_space<vmem>>) semaphore(%arg12 : memref<!tpu.dma_semaphore, #tpu.memory_space<semaphore_mem>>)
      } else {
      }
      %add3A_91 = arith.constant 1 : i32
      %add3A_92 = arith.addi %mul3A_73, %add3A_91 : i32
      %dma_wait3A_93 = arith.constant 0 : i32
      %dma_wait3A_94 = tpu.memref_slice %arg7[%add3A_92, %dma_wait3A_93] : memref<16x125xi32, #tpu.memory_space<vmem>> -> memref<1x125xi32, #tpu.memory_space<vmem>>
      %dma_wait3A_95 = tpu.memref_squeeze %dma_wait3A_94 : memref<1x125xi32, #tpu.memory_space<vmem>> -> memref<125xi32, #tpu.memory_space<vmem>>
      %dma_wait3A_96 = arith.constant 0 : i32
      %dma_wait3A_97 = arith.constant 0 : i32
      %dma_wait3A_98 = tpu.memref_slice %arg2[%dma_wait3A_96, %dma_wait3A_97] : memref<10000x128xf32, #tpu.memory_space<hbm>> -> memref<10000x128xf32, #tpu.memory_space<hbm>>
      tpu.wait_indirect_dma semaphore(%arg13 : memref<!tpu.dma_semaphore, #tpu.memory_space<semaphore_mem>>) src(%dma_wait3A_98 : memref<10000x128xf32, #tpu.memory_space<hbm>>) dst(%arg10 : memref<125x128xf32, #tpu.memory_space<vmem>>)
      %add3A_99 = arith.constant 1 : i32
      %add3A_100 = arith.addi %mul3A_73, %add3A_99 : i32
      "tpu.region"() ({
        %run_scoped3A = tpu.sem_alloc : memref<!tpu.dma_semaphore, #tpu.memory_space<semaphore_mem>>
        %dma_start3A_101 = arith.constant 0 : i32
        %dma_start3A_102 = tpu.memref_slice %arg8[%add3A_100, %dma_start3A_101] : memref<16x125xi32, #tpu.memory_space<vmem>> -> memref<1x125xi32, #tpu.memory_space<vmem>>
        %dma_start3A_103 = tpu.memref_squeeze %dma_start3A_102 : memref<1x125xi32, #tpu.memory_space<vmem>> -> memref<125xi32, #tpu.memory_space<vmem>>
        %dma_start3A_104 = arith.constant 0 : i32
        %dma_start3A_105 = arith.constant 0 : i32
        %dma_start3A_106 = tpu.memref_slice %arg11[%dma_start3A_104, %dma_start3A_105] : memref<10240x128xf32, #tpu.memory_space<vmem_shared>> -> memref<10240x128xf32, #tpu.memory_space<vmem_shared>>
        tpu.enqueue_indirect_dma source(%arg10 : memref<125x128xf32, #tpu.memory_space<vmem>>) target(%dma_start3A_106 : memref<10240x128xf32, #tpu.memory_space<vmem_shared>>) offsets(%dma_start3A_103 : memref<125xi32, #tpu.memory_space<vmem>>) semaphore(%run_scoped3A : memref<!tpu.dma_semaphore, #tpu.memory_space<semaphore_mem>>) {add = true}
        %dma_wait3A_107 = arith.constant 0 : i32
        %dma_wait3A_108 = tpu.memref_slice %arg8[%add3A_100, %dma_wait3A_107] : memref<16x125xi32, #tpu.memory_space<vmem>> -> memref<1x125xi32, #tpu.memory_space<vmem>>
        %dma_wait3A_109 = tpu.memref_squeeze %dma_wait3A_108 : memref<1x125xi32, #tpu.memory_space<vmem>> -> memref<125xi32, #tpu.memory_space<vmem>>
        %dma_wait3A_110 = arith.constant 0 : i32
        %dma_wait3A_111 = arith.constant 0 : i32
        %dma_wait3A_112 = tpu.memref_slice %arg11[%dma_wait3A_110, %dma_wait3A_111] : memref<10240x128xf32, #tpu.memory_space<vmem_shared>> -> memref<10240x128xf32, #tpu.memory_space<vmem_shared>>
        tpu.wait_indirect_dma semaphore(%run_scoped3A : memref<!tpu.dma_semaphore, #tpu.memory_space<semaphore_mem>>) src(%arg10 : memref<125x128xf32, #tpu.memory_space<vmem>>) dst(%dma_wait3A_112 : memref<10240x128xf32, #tpu.memory_space<vmem_shared>>)
        tpu.yield
      }) : () -> ()
    }
    %scan3A_65 = arith.constant 8 : i32
    %barrier3A_66 = arith.constant 0 : index
    tpu.barrier barrier_id(%barrier3A_66)
    %mul3A_67 = arith.constant 640 : i32
    %mul3A_68 = arith.muli %arg1, %mul3A_67 : i32
    %mul3A_69 = arith.constant 640 : i32
    %mul3A_70 = arith.muli %arg1, %mul3A_69 : i32
    "tpu.region"() ({
      %run_scoped3A = tpu.sem_alloc : memref<!tpu.dma_semaphore, #tpu.memory_space<semaphore_mem>>
      %dma_start3A_71 = arith.constant 0 : i32
      %dma_start3A_72 = tpu.memref_slice %arg6[%arg0, %mul3A_70, %dma_start3A_71] : memref<2x10240x128xf32, #tpu.memory_space<hbm>> -> memref<1x640x128xf32, #tpu.memory_space<hbm>>
      %dma_start3A_73 = tpu.memref_squeeze %dma_start3A_72 : memref<1x640x128xf32, #tpu.memory_space<hbm>> -> memref<640x128xf32, #tpu.memory_space<hbm>>
      %dma_start3A_74 = arith.constant 0 : i32
      %dma_start3A_75 = tpu.memref_slice %arg11[%mul3A_68, %dma_start3A_74] : memref<10240x128xf32, #tpu.memory_space<vmem_shared>> -> memref<640x128xf32, #tpu.memory_space<vmem_shared>>
      tpu.enqueue_dma source(%dma_start3A_75 : memref<640x128xf32, #tpu.memory_space<vmem_shared>>) target(%dma_start3A_73 : memref<640x128xf32, #tpu.memory_space<hbm>>) target_semaphore(%run_scoped3A : memref<!tpu.dma_semaphore, #tpu.memory_space<semaphore_mem>>)
      %dma_wait3A = arith.constant 0 : i32
      %dma_wait3A_76 = tpu.memref_slice %arg6[%arg0, %mul3A_70, %dma_wait3A] : memref<2x10240x128xf32, #tpu.memory_space<hbm>> -> memref<1x640x128xf32, #tpu.memory_space<hbm>>
      %dma_wait3A_77 = tpu.memref_squeeze %dma_wait3A_76 : memref<1x640x128xf32, #tpu.memory_space<hbm>> -> memref<640x128xf32, #tpu.memory_space<hbm>>
      %dma_wait3A_78 = arith.constant 0 : i32
      %dma_wait3A_79 = tpu.memref_slice %arg11[%mul3A_68, %dma_wait3A_78] : memref<10240x128xf32, #tpu.memory_space<vmem_shared>> -> memref<640x128xf32, #tpu.memory_space<vmem_shared>>
      tpu.wait_dma2 semaphore(%run_scoped3A : memref<!tpu.dma_semaphore, #tpu.memory_space<semaphore_mem>>) src(%dma_wait3A_79 : memref<640x128xf32, #tpu.memory_space<vmem_shared>>) dst(%dma_wait3A_77 : memref<640x128xf32, #tpu.memory_space<hbm>>)
      tpu.yield
    }) : () -> ()
    return
  }
}

#map = affine_map<(d0, d1) -> (0, 0, 0)>
#map1 = affine_map<(d0, d1) -> (0, 0)>
module attributes {stable_mosaic.version = 14 : i64} {
  func.func @hist(%arg0: i32, %arg1: i32, %arg2: memref<32x80x125xi32, #tpu.memory_space<hbm>>, %arg3: memref<125x128xf32, #tpu.memory_space<hbm>>, %arg4: memref<640x128xf32, #tpu.memory_space<hbm>>, %arg5: memref<2x10240x128xf32, #tpu.memory_space<hbm>>, %arg6: memref<80x125xi32, #tpu.memory_space<vmem>>, %arg7: memref<125x128xf32, #tpu.memory_space<vmem>>, %arg8: memref<10240x128xf32, #tpu.memory_space<vmem_shared>>) attributes {dimension_semantics = [#tpu.dimension_semantics<core_parallel>, #tpu.dimension_semantics<subcore_parallel>], iteration_bounds = array<i64: 2, 16>, scalar_prefetch = 0 : i64, scratch_operands = 3 : i64, tpu.core_type = #tpu.core_type<sc_vector_subcore>, window_params = [{transform_indices = #map}, {transform_indices = #map1}, {transform_indices = #map1}, {transform_indices = #map}]} {
    %mul3A = arith.constant 16 : i32
    %mul3A_0 = arith.muli %arg0, %mul3A : i32
    %add3A = arith.addi %mul3A_0, %arg1 : i32
    "tpu.region"() ({
      %run_scoped3A = tpu.sem_alloc : memref<!tpu.dma_semaphore, #tpu.memory_space<semaphore_mem>>
      %dma_start3A = arith.constant 0 : i32
      %dma_start3A_13 = arith.constant 0 : i32
      %dma_start3A_14 = tpu.memref_slice %arg2[%add3A, %dma_start3A, %dma_start3A_13] : memref<32x80x125xi32, #tpu.memory_space<hbm>> -> memref<1x80x125xi32, #tpu.memory_space<hbm>>
      %dma_start3A_15 = tpu.memref_squeeze %dma_start3A_14 : memref<1x80x125xi32, #tpu.memory_space<hbm>> -> memref<80x125xi32, #tpu.memory_space<hbm>>
      %dma_start3A_16 = arith.constant 0 : i32
      %dma_start3A_17 = arith.constant 0 : i32
      %dma_start3A_18 = tpu.memref_slice %arg2[%add3A, %dma_start3A_16, %dma_start3A_17] : memref<32x80x125xi32, #tpu.memory_space<hbm>> -> memref<1x80x125xi32, #tpu.memory_space<hbm>>
      %dma_start3A_19 = tpu.memref_squeeze %dma_start3A_18 : memref<1x80x125xi32, #tpu.memory_space<hbm>> -> memref<80x125xi32, #tpu.memory_space<hbm>>
      tpu.enqueue_dma source(%dma_start3A_19 : memref<80x125xi32, #tpu.memory_space<hbm>>) target(%arg6 : memref<80x125xi32, #tpu.memory_space<vmem>>) target_semaphore(%run_scoped3A : memref<!tpu.dma_semaphore, #tpu.memory_space<semaphore_mem>>)
      %dma_wait3A = arith.constant 0 : i32
      %dma_wait3A_20 = arith.constant 0 : i32
      %dma_wait3A_21 = tpu.memref_slice %arg2[%add3A, %dma_wait3A, %dma_wait3A_20] : memref<32x80x125xi32, #tpu.memory_space<hbm>> -> memref<1x80x125xi32, #tpu.memory_space<hbm>>
      %dma_wait3A_22 = tpu.memref_squeeze %dma_wait3A_21 : memref<1x80x125xi32, #tpu.memory_space<hbm>> -> memref<80x125xi32, #tpu.memory_space<hbm>>
      %dma_wait3A_23 = arith.constant 0 : i32
      %dma_wait3A_24 = arith.constant 0 : i32
      %dma_wait3A_25 = tpu.memref_slice %arg2[%add3A, %dma_wait3A_23, %dma_wait3A_24] : memref<32x80x125xi32, #tpu.memory_space<hbm>> -> memref<1x80x125xi32, #tpu.memory_space<hbm>>
      %dma_wait3A_26 = tpu.memref_squeeze %dma_wait3A_25 : memref<1x80x125xi32, #tpu.memory_space<hbm>> -> memref<80x125xi32, #tpu.memory_space<hbm>>
      tpu.wait_dma2 semaphore(%run_scoped3A : memref<!tpu.dma_semaphore, #tpu.memory_space<semaphore_mem>>) src(%dma_wait3A_26 : memref<80x125xi32, #tpu.memory_space<hbm>>) dst(%arg6 : memref<80x125xi32, #tpu.memory_space<vmem>>)
      tpu.yield
    }) : () -> ()
    "tpu.region"() ({
      %run_scoped3A = tpu.sem_alloc : memref<!tpu.dma_semaphore, #tpu.memory_space<semaphore_mem>>
      tpu.enqueue_dma source(%arg3 : memref<125x128xf32, #tpu.memory_space<hbm>>) target(%arg7 : memref<125x128xf32, #tpu.memory_space<vmem>>) target_semaphore(%run_scoped3A : memref<!tpu.dma_semaphore, #tpu.memory_space<semaphore_mem>>)
      tpu.wait_dma2 semaphore(%run_scoped3A : memref<!tpu.dma_semaphore, #tpu.memory_space<semaphore_mem>>) src(%arg3 : memref<125x128xf32, #tpu.memory_space<hbm>>) dst(%arg7 : memref<125x128xf32, #tpu.memory_space<vmem>>)
      tpu.yield
    }) : () -> ()
    %mul3A_1 = arith.constant 640 : i32
    %mul3A_2 = arith.muli %arg1, %mul3A_1 : i32
    "tpu.region"() ({
      %run_scoped3A = tpu.sem_alloc : memref<!tpu.dma_semaphore, #tpu.memory_space<semaphore_mem>>
      %dma_start3A = arith.constant 0 : i32
      %dma_start3A_13 = tpu.memref_slice %arg8[%mul3A_2, %dma_start3A] : memref<10240x128xf32, #tpu.memory_space<vmem_shared>> -> memref<640x128xf32, #tpu.memory_space<vmem_shared>>
      tpu.enqueue_dma source(%arg4 : memref<640x128xf32, #tpu.memory_space<hbm>>) target(%dma_start3A_13 : memref<640x128xf32, #tpu.memory_space<vmem_shared>>) target_semaphore(%run_scoped3A : memref<!tpu.dma_semaphore, #tpu.memory_space<semaphore_mem>>)
      %dma_wait3A = arith.constant 0 : i32
      %dma_wait3A_14 = tpu.memref_slice %arg8[%mul3A_2, %dma_wait3A] : memref<10240x128xf32, #tpu.memory_space<vmem_shared>> -> memref<640x128xf32, #tpu.memory_space<vmem_shared>>
      tpu.wait_dma2 semaphore(%run_scoped3A : memref<!tpu.dma_semaphore, #tpu.memory_space<semaphore_mem>>) src(%arg4 : memref<640x128xf32, #tpu.memory_space<hbm>>) dst(%dma_wait3A_14 : memref<640x128xf32, #tpu.memory_space<vmem_shared>>)
      tpu.yield
    }) : () -> ()
    %barrier3A = arith.constant 0 : index
    tpu.barrier barrier_id(%barrier3A)
    %scan3A = arith.constant 0 : i32
    %scan3A_3 = arith.constant 0 : i32
    %scan3A_4 = arith.constant 80 : i32
    %scan3A_5 = arith.addi %scan3A_3, %scan3A_4 : i32
    %scan3A_6 = arith.constant 1 : i32
    scf.for %scan3A_13 = %scan3A_3 to %scan3A_5 step %scan3A_6  : i32 {
      "tpu.region"() ({
        %run_scoped3A = tpu.sem_alloc : memref<!tpu.dma_semaphore, #tpu.memory_space<semaphore_mem>>
        %dma_start3A = arith.constant 0 : i32
        %dma_start3A_14 = tpu.memref_slice %arg6[%scan3A_13, %dma_start3A] : memref<80x125xi32, #tpu.memory_space<vmem>> -> memref<1x125xi32, #tpu.memory_space<vmem>>
        %dma_start3A_15 = tpu.memref_squeeze %dma_start3A_14 : memref<1x125xi32, #tpu.memory_space<vmem>> -> memref<125xi32, #tpu.memory_space<vmem>>
        %dma_start3A_16 = arith.constant 0 : i32
        %dma_start3A_17 = arith.constant 0 : i32
        %dma_start3A_18 = tpu.memref_slice %arg8[%dma_start3A_16, %dma_start3A_17] : memref<10240x128xf32, #tpu.memory_space<vmem_shared>> -> memref<10240x128xf32, #tpu.memory_space<vmem_shared>>
        tpu.enqueue_indirect_dma source(%arg7 : memref<125x128xf32, #tpu.memory_space<vmem>>) target(%dma_start3A_18 : memref<10240x128xf32, #tpu.memory_space<vmem_shared>>) offsets(%dma_start3A_15 : memref<125xi32, #tpu.memory_space<vmem>>) semaphore(%run_scoped3A : memref<!tpu.dma_semaphore, #tpu.memory_space<semaphore_mem>>) {add = true}
        %dma_wait3A = arith.constant 0 : i32
        %dma_wait3A_19 = tpu.memref_slice %arg6[%scan3A_13, %dma_wait3A] : memref<80x125xi32, #tpu.memory_space<vmem>> -> memref<1x125xi32, #tpu.memory_space<vmem>>
        %dma_wait3A_20 = tpu.memref_squeeze %dma_wait3A_19 : memref<1x125xi32, #tpu.memory_space<vmem>> -> memref<125xi32, #tpu.memory_space<vmem>>
        %dma_wait3A_21 = arith.constant 0 : i32
        %dma_wait3A_22 = arith.constant 0 : i32
        %dma_wait3A_23 = tpu.memref_slice %arg8[%dma_wait3A_21, %dma_wait3A_22] : memref<10240x128xf32, #tpu.memory_space<vmem_shared>> -> memref<10240x128xf32, #tpu.memory_space<vmem_shared>>
        tpu.wait_indirect_dma semaphore(%run_scoped3A : memref<!tpu.dma_semaphore, #tpu.memory_space<semaphore_mem>>) src(%arg7 : memref<125x128xf32, #tpu.memory_space<vmem>>) dst(%dma_wait3A_23 : memref<10240x128xf32, #tpu.memory_space<vmem_shared>>)
        tpu.yield
      }) : () -> ()
    }
    %scan3A_7 = arith.constant 80 : i32
    %barrier3A_8 = arith.constant 0 : index
    tpu.barrier barrier_id(%barrier3A_8)
    %mul3A_9 = arith.constant 640 : i32
    %mul3A_10 = arith.muli %arg1, %mul3A_9 : i32
    %mul3A_11 = arith.constant 640 : i32
    %mul3A_12 = arith.muli %arg1, %mul3A_11 : i32
    "tpu.region"() ({
      %run_scoped3A = tpu.sem_alloc : memref<!tpu.dma_semaphore, #tpu.memory_space<semaphore_mem>>
      %dma_start3A = arith.constant 0 : i32
      %dma_start3A_13 = tpu.memref_slice %arg5[%arg0, %mul3A_12, %dma_start3A] : memref<2x10240x128xf32, #tpu.memory_space<hbm>> -> memref<1x640x128xf32, #tpu.memory_space<hbm>>
      %dma_start3A_14 = tpu.memref_squeeze %dma_start3A_13 : memref<1x640x128xf32, #tpu.memory_space<hbm>> -> memref<640x128xf32, #tpu.memory_space<hbm>>
      %dma_start3A_15 = arith.constant 0 : i32
      %dma_start3A_16 = tpu.memref_slice %arg8[%mul3A_10, %dma_start3A_15] : memref<10240x128xf32, #tpu.memory_space<vmem_shared>> -> memref<640x128xf32, #tpu.memory_space<vmem_shared>>
      tpu.enqueue_dma source(%dma_start3A_16 : memref<640x128xf32, #tpu.memory_space<vmem_shared>>) target(%dma_start3A_14 : memref<640x128xf32, #tpu.memory_space<hbm>>) target_semaphore(%run_scoped3A : memref<!tpu.dma_semaphore, #tpu.memory_space<semaphore_mem>>)
      %dma_wait3A = arith.constant 0 : i32
      %dma_wait3A_17 = tpu.memref_slice %arg5[%arg0, %mul3A_12, %dma_wait3A] : memref<2x10240x128xf32, #tpu.memory_space<hbm>> -> memref<1x640x128xf32, #tpu.memory_space<hbm>>
      %dma_wait3A_18 = tpu.memref_squeeze %dma_wait3A_17 : memref<1x640x128xf32, #tpu.memory_space<hbm>> -> memref<640x128xf32, #tpu.memory_space<hbm>>
      %dma_wait3A_19 = arith.constant 0 : i32
      %dma_wait3A_20 = tpu.memref_slice %arg8[%mul3A_10, %dma_wait3A_19] : memref<10240x128xf32, #tpu.memory_space<vmem_shared>> -> memref<640x128xf32, #tpu.memory_space<vmem_shared>>
      tpu.wait_dma2 semaphore(%run_scoped3A : memref<!tpu.dma_semaphore, #tpu.memory_space<semaphore_mem>>) src(%dma_wait3A_20 : memref<640x128xf32, #tpu.memory_space<vmem_shared>>) dst(%dma_wait3A_18 : memref<640x128xf32, #tpu.memory_space<hbm>>)
      tpu.yield
    }) : () -> ()
    return
  }
}

module attributes {stable_mosaic.version = 14 : i64} {
  func.func @mm(%arg0: memref<10000x128xf32, #tpu.memory_space<vmem>>, %arg1: memref<128x128xf32, #tpu.memory_space<vmem>>, %arg2: memref<10000x128xf32, #tpu.memory_space<vmem>>) attributes {dimension_semantics = [], scalar_prefetch = 0 : i64, scratch_operands = 0 : i64, tpu.core_type = #tpu.core_type<tc>} {
    %get3A = arith.constant 0 : index
    %get3A_0 = arith.constant 0 : index
    %get3A_1 = vector.load %arg0[%get3A, %get3A_0] : memref<10000x128xf32, #tpu.memory_space<vmem>>, vector<10000x128xf32>
    %get3A_2 = arith.constant 0 : index
    %get3A_3 = arith.constant 0 : index
    %get3A_4 = vector.load %arg1[%get3A_2, %get3A_3] : memref<128x128xf32, #tpu.memory_space<vmem>>, vector<128x128xf32>
    %dot_general3A = arith.constant dense<0.000000e+00> : vector<10000x128xf32>
    %dot_general3A_5 = tpu.matmul %get3A_1, %get3A_4, %dot_general3A {dimension_numbers = #tpu.dot_dimension_numbers<[1], [0], [0], [1], [0, 0, 1, 1], [], []>, transpose_lhs_hint = false} : vector<10000x128xf32>, vector<128x128xf32>, vector<10000x128xf32> -> vector<10000x128xf32>
    %swap3A = arith.constant 0 : index
    %swap3A_6 = arith.constant 0 : index
    %swap3A_7 = vector.load %arg2[%swap3A, %swap3A_6] : memref<10000x128xf32, #tpu.memory_space<vmem>>, vector<10000x128xf32>
    tpu.vector_store %arg2[%swap3A, %swap3A_6], %dot_general3A_5 {strides = array<i32>} : memref<10000x128xf32, #tpu.memory_space<vmem>>, vector<10000x128xf32>,
    return
  }
}

module attributes {stable_mosaic.version = 14 : i64} {
  func.func @sc(%arg0: memref<10000x128xf32, #tpu.memory_space<vmem>>, %arg1: memref<2x10240x128xf32, #tpu.memory_space<vmem>>, %arg2: memref<10000x128xf32, #tpu.memory_space<vmem>>, %arg3: memref<10000x1xf32, #tpu.memory_space<vmem>>) attributes {dimension_semantics = [], scalar_prefetch = 0 : i64, scratch_operands = 0 : i64, tpu.core_type = #tpu.core_type<tc>} {
    %get3A = arith.constant 0 : index
    %get3A_0 = arith.constant 0 : index
    %get3A_1 = arith.constant 0 : index
    %get3A_2 = vector.load %arg1[%get3A, %get3A_0, %get3A_1] : memref<2x10240x128xf32, #tpu.memory_space<vmem>>, vector<1x10000x1xf32>
    %get3A_3 = vector.shape_cast %get3A_2 : vector<1x10000x1xf32> to vector<10000x1xf32>
    %get3A_4 = arith.constant 1 : index
    %get3A_5 = arith.constant 0 : index
    %get3A_6 = arith.constant 0 : index
    %get3A_7 = vector.load %arg1[%get3A_4, %get3A_5, %get3A_6] : memref<2x10240x128xf32, #tpu.memory_space<vmem>>, vector<1x10000x1xf32>
    %get3A_8 = vector.shape_cast %get3A_7 : vector<1x10000x1xf32> to vector<10000x1xf32>
    %add3A = arith.addf %get3A_3, %get3A_8 : vector<10000x1xf32>
    %add3A_9 = arith.constant 1.000000e+00 : f32
    %add3A_10 = vector.broadcast %add3A_9 : f32 to vector<10000x1xf32>
    %add3A_11 = arith.addf %add3A, %add3A_10 : vector<10000x1xf32>
    %rsqrt3A = math.rsqrt %add3A_11 : vector<10000x1xf32>
    %get3A_12 = arith.constant 0 : index
    %get3A_13 = arith.constant 0 : index
    %get3A_14 = vector.load %arg0[%get3A_12, %get3A_13] : memref<10000x128xf32, #tpu.memory_space<vmem>>, vector<10000x128xf32>
    %mul3A = vector.broadcast %rsqrt3A : vector<10000x1xf32> to vector<10000x128xf32>
    %mul3A_15 = arith.mulf %get3A_14, %mul3A : vector<10000x128xf32>
    %swap3A = arith.constant 0 : index
    %swap3A_16 = arith.constant 0 : index
    %swap3A_17 = vector.load %arg2[%swap3A, %swap3A_16] : memref<10000x128xf32, #tpu.memory_space<vmem>>, vector<10000x128xf32>
    tpu.vector_store %arg2[%swap3A, %swap3A_16], %mul3A_15 {strides = array<i32>} : memref<10000x128xf32, #tpu.memory_space<vmem>>, vector<10000x128xf32>,
    %swap3A_18 = arith.constant 0 : index
    %swap3A_19 = arith.constant 0 : index
    %swap3A_20 = vector.load %arg3[%swap3A_18, %swap3A_19] : memref<10000x1xf32, #tpu.memory_space<vmem>>, vector<10000x1xf32>
    tpu.vector_store %arg3[%swap3A_18, %swap3A_19], %rsqrt3A {strides = array<i32>} : memref<10000x1xf32, #tpu.memory_space<vmem>>, vector<10000x1xf32>,
    return
  }
}

module attributes {stable_mosaic.version = 14 : i64} {
  func.func @fin(%arg0: memref<2x10240x128xf32, #tpu.memory_space<vmem>>, %arg1: memref<10000x128xf32, #tpu.memory_space<vmem>>, %arg2: memref<10000x1xf32, #tpu.memory_space<vmem>>, %arg3: memref<10000x128xf32, #tpu.memory_space<vmem>>, %arg4: memref<1x128xf32, #tpu.memory_space<vmem>>, %arg5: memref<1x128xf32, #tpu.memory_space<vmem>>, %arg6: memref<1x128xf32, #tpu.memory_space<vmem>>, %arg7: memref<10000x128xf32, #tpu.memory_space<vmem>>) attributes {dimension_semantics = [], scalar_prefetch = 0 : i64, scratch_operands = 0 : i64, tpu.core_type = #tpu.core_type<tc>} {
    %get3A = arith.constant 0 : index
    %get3A_0 = arith.constant 0 : index
    %get3A_1 = arith.constant 0 : index
    %get3A_2 = vector.load %arg0[%get3A, %get3A_0, %get3A_1] : memref<2x10240x128xf32, #tpu.memory_space<vmem>>, vector<1x10000x128xf32>
    %get3A_3 = vector.shape_cast %get3A_2 : vector<1x10000x128xf32> to vector<10000x128xf32>
    %get3A_4 = arith.constant 1 : index
    %get3A_5 = arith.constant 0 : index
    %get3A_6 = arith.constant 0 : index
    %get3A_7 = vector.load %arg0[%get3A_4, %get3A_5, %get3A_6] : memref<2x10240x128xf32, #tpu.memory_space<vmem>>, vector<1x10000x128xf32>
    %get3A_8 = vector.shape_cast %get3A_7 : vector<1x10000x128xf32> to vector<10000x128xf32>
    %add3A = arith.addf %get3A_3, %get3A_8 : vector<10000x128xf32>
    %get3A_9 = arith.constant 0 : index
    %get3A_10 = arith.constant 0 : index
    %get3A_11 = vector.load %arg1[%get3A_9, %get3A_10] : memref<10000x128xf32, #tpu.memory_space<vmem>>, vector<10000x128xf32>
    %add3A_12 = arith.addf %add3A, %get3A_11 : vector<10000x128xf32>
    %get3A_13 = arith.constant 0 : index
    %get3A_14 = arith.constant 0 : index
    %get3A_15 = vector.load %arg2[%get3A_13, %get3A_14] : memref<10000x1xf32, #tpu.memory_space<vmem>>, vector<10000x1xf32>
    %mul3A = vector.broadcast %get3A_15 : vector<10000x1xf32> to vector<10000x128xf32>
    %mul3A_16 = arith.mulf %add3A_12, %mul3A : vector<10000x128xf32>
    %get3A_17 = arith.constant 0 : index
    %get3A_18 = arith.constant 0 : index
    %get3A_19 = vector.load %arg4[%get3A_17, %get3A_18] : memref<1x128xf32, #tpu.memory_space<vmem>>, vector<1x128xf32>
    %add3A_20 = vector.broadcast %get3A_19 : vector<1x128xf32> to vector<10000x128xf32>
    %add3A_21 = arith.addf %mul3A_16, %add3A_20 : vector<10000x128xf32>
    %reduce_sum3A = arith.constant dense<0.000000e+00> : vector<128xf32>
    %reduce_sum3A_22 = vector.multi_reduction <add>, %add3A_21, %reduce_sum3A [0] : vector<10000x128xf32> to vector<128xf32>
    %broadcast_in_dim3A = vector.shape_cast %reduce_sum3A_22 : vector<128xf32> to vector<1x128xf32>
    %div3A = arith.constant 1.000000e+04 : f32
    %div3A_23 = vector.broadcast %div3A : f32 to vector<1x128xf32>
    %div3A_24 = arith.divf %broadcast_in_dim3A, %div3A_23 : vector<1x128xf32>
    %sub3A = vector.broadcast %div3A_24 : vector<1x128xf32> to vector<10000x128xf32>
    %sub3A_25 = arith.subf %add3A_21, %sub3A : vector<10000x128xf32>
    %mul3A_26 = arith.mulf %sub3A_25, %sub3A_25 : vector<10000x128xf32>
    %reduce_sum3A_27 = arith.constant dense<0.000000e+00> : vector<128xf32>
    %reduce_sum3A_28 = vector.multi_reduction <add>, %mul3A_26, %reduce_sum3A_27 [0] : vector<10000x128xf32> to vector<128xf32>
    %broadcast_in_dim3A_29 = vector.shape_cast %reduce_sum3A_28 : vector<128xf32> to vector<1x128xf32>
    %div3A_30 = arith.constant 1.000000e+04 : f32
    %div3A_31 = vector.broadcast %div3A_30 : f32 to vector<1x128xf32>
    %div3A_32 = arith.divf %broadcast_in_dim3A_29, %div3A_31 : vector<1x128xf32>
    %add3A_33 = arith.constant 9.99999974E-6 : f32
    %add3A_34 = vector.broadcast %add3A_33 : f32 to vector<1x128xf32>
    %add3A_35 = arith.addf %div3A_32, %add3A_34 : vector<1x128xf32>
    %rsqrt3A = math.rsqrt %add3A_35 : vector<1x128xf32>
    %mul3A_36 = vector.broadcast %rsqrt3A : vector<1x128xf32> to vector<10000x128xf32>
    %mul3A_37 = arith.mulf %sub3A_25, %mul3A_36 : vector<10000x128xf32>
    %get3A_38 = arith.constant 0 : index
    %get3A_39 = arith.constant 0 : index
    %get3A_40 = vector.load %arg5[%get3A_38, %get3A_39] : memref<1x128xf32, #tpu.memory_space<vmem>>, vector<1x128xf32>
    %mul3A_41 = vector.broadcast %get3A_40 : vector<1x128xf32> to vector<10000x128xf32>
    %mul3A_42 = arith.mulf %mul3A_41, %mul3A_37 : vector<10000x128xf32>
    %get3A_43 = arith.constant 0 : index
    %get3A_44 = arith.constant 0 : index
    %get3A_45 = vector.load %arg6[%get3A_43, %get3A_44] : memref<1x128xf32, #tpu.memory_space<vmem>>, vector<1x128xf32>
    %add3A_46 = vector.broadcast %get3A_45 : vector<1x128xf32> to vector<10000x128xf32>
    %add3A_47 = arith.addf %mul3A_42, %add3A_46 : vector<10000x128xf32>
    %max3A = arith.constant 0.000000e+00 : f32
    %max3A_48 = vector.broadcast %max3A : f32 to vector<10000x128xf32>
    %max3A_49 = arith.maximumf %add3A_47, %max3A_48 : vector<10000x128xf32>
    %get3A_50 = arith.constant 0 : index
    %get3A_51 = arith.constant 0 : index
    %get3A_52 = vector.load %arg3[%get3A_50, %get3A_51] : memref<10000x128xf32, #tpu.memory_space<vmem>>, vector<10000x128xf32>
    %add3A_53 = arith.addf %max3A_49, %get3A_52 : vector<10000x128xf32>
    %swap3A = arith.constant 0 : index
    %swap3A_54 = arith.constant 0 : index
    %swap3A_55 = vector.load %arg7[%swap3A, %swap3A_54] : memref<10000x128xf32, #tpu.memory_space<vmem>>, vector<10000x128xf32>
    tpu.vector_store %arg7[%swap3A, %swap3A_54], %add3A_53 {strides = array<i32>} : memref<10000x128xf32, #tpu.memory_space<vmem>>, vector<10000x128xf32>,
    return
  }
}

</mosaic_0001>

<sc_bundles>
// kernel: kernel.10.cloned.1.call-start
scs
__scs_entry_jumppad:
0x0: {  	(pc) =	sbr.rel $0x88, $3  }
0x1: {  	(tag) =	ssettag $0x0;
	lr =	simm.s32 $0x1  }
0x2: {  	[smem:$0x3F9B] =	sst lr;
	_ =	strace $0xD0000000  }
0x3: {  	_ = 	snop  }
0x4: {  	_ = 	snop  }
0x5: {  	_ = 	snop  }
0x6: {  	_ = 	snop  }
0x7: {  	_ = 	snop  }
__scs_overlays_trampoline_lowered:
0x8: {  	[smem:$0x3FAA] =	sst s0  }
0x9: {  	[smem:$0x3FAB] =	sst s1  }
0xa: {  	[smem:$0x3FAC] =	sst s2  }
0xb: {  	[smem:$0x3FAD] =	sst s3  }
0xc: {  	[smem:$0x3FAE] =	sst s4  }
0xd: {  	[smem:$0x3FAF] =	sst s5  }
0xe: {  	[smem:$0x3FB0] =	sst s6  }
0xf: {  	[smem:$0x3FB1] =	sst s7  }
0x10: {  	[smem:$0x3FB2] =	sst s8  }
0x11: {  	[smem:$0x3FB3] =	sst s9;
	s0 =	simm.s32 @!p0 $0x0  }
0x12: {  	s1 =	sld [smem:$0x3F99];
	s0 =	simm.s32 @p0 $0x1  }
0x13: {  	[smem:$0x3FB4] =	sst s0;
	s0 =	simm.s32 @!p1 $0x0  }
0x14: {  	s2 =	sld [smem:$0x3F98];
	s0 =	simm.s32 @p1 $0x1  }
0x15: {  	[smem:$0x3FB5] =	sst s0;
	s0 =	simm.s32 @!p2 $0x0  }
0x16: {  	s3 =	sld [smem:$0x3FDB];
	s0 =	simm.s32 @p2 $0x1  }
0x17: {  	s4 =	simm.s32 $0x1BF5;
	[smem:$0x3FB7] =	sst s0  }
0x18: {  	s0 =	sld [smem:$0x3F9A];
	_ =	swait.ge [sflag:s4], $0x0  }
0x19: {  	s7 =	sld [smem:$0x3F9B]  }
0x1a: {  	s8 =	sadd.s32 $0xFFFFE003, lr  }
0x1b: {  	s9 =	sadd.s32 $0xFFFFFEF7, lr;
	s5 =	simm.s32 $0xFFFFFFFF;
	p2 =	slt.u32 s8, $0xFFFFF086  }
0x1c: {  	p1 =	slt.u32 s9, $0xF7A;
	s5 =	simm.s32 @!p2 $0x0  }
0x1d: {  	s5 =	simm.s32 @p1 $0x1;
	p0 =	seq.s32 s7, s2  }
0x1e: {  	s7 =	smul.u32 @!p0 $0xF7A, s2;
	p2 =	seq.s32 @!p0 s5, $0x0  }
0x1f: {  	s9 =	smul.u32 $0xF7A, s1;
	s8 =	simm.s32 @!p0 $0x1BF5;
	p2 =	por !p2, p0  }
0x20: {  	[sflag:s8] =	ssyncset.s32 @!p0 $0xFFFFF086;
	s6 =	sadd.s32 @!p0 s3, s7;
	s7 =	simm.s32 @!p0 $0x108  }
0x21: {  	s3 =	sadd.s32 s3, s9;
	s6 =	sadd.s32 @!p0 $0x88, s6;
	s7 =	simm.s32 @p2 $0x1082  }
0x22: {  	[simem:s7], [sflag:s8] =	dma.local @!p0 [hbm:s6], $0xF7A  }
0x23: {  	s9 =	sor.u32 $0xD0000000, s2;
	s6 =	simm.s32 $0x108;
	_ =	swait.ge @!p0 [sflag:s8], $0x0  }
0x24: {  	s3 =	sadd.s32 $0x88, s3;
	s6 =	simm.s32 @!p1 $0x1082;
	[sflag:s4] =	ssyncset.s32 $0xFFFFF086  }
0x25: {  	[simem:s6], [sflag:s4] =	dma.local [hbm:s3], $0xF7A  }
0x26: {  	[smem:$0x3F9B] =	sst s1;
	(tag) =	ssettag s2;
	_ =	strace s9  }
0x27: {  	s1 =	sld [smem:$0x3FAB]  }
0x28: {  	s2 =	sld [smem:$0x3FAC]  }
0x29: {  	s4 =	sld [smem:$0x3FAE]  }
0x2a: {  	p0 =	seq.s32 s5, $0x0;
	s5 =	sld [smem:$0x3FAF]  }
0x2b: {  	s6 =	sld [smem:$0x3FB0]  }
0x2c: {  	s7 =	sld [smem:$0x3FB1]  }
0x2d: {  	s3 =	simm.s32 $0x108;
	s8 =	sld [smem:$0x3FB2]  }
0x2e: {  	s3 =	simm.s32 @!p0 $0x1082;
	s9 =	sld [smem:$0x3FB3]  }
0x2f: {  	lr =	sadd.s32 s0, s3;
	s0 =	sld [smem:$0x3FAA]  }
0x30: {  	s3 =	sld [smem:$0x3FAD]  }
0x31: {  	[smem:$0x3FB6] =	sst s10  }
0x32: {  	s10 =	sld [smem:$0x3FB4];
	_ =	sdelay $0x3  }
0x33: {  	p0 =	seq.s32 s10, $0x1;
	s10 =	sld [smem:$0x3FB6];
	_ =	sdelay $0x3  }
0x34: {  	[smem:$0x3FB6] =	sst s10  }
0x35: {  	s10 =	sld [smem:$0x3FB5];
	_ =	sdelay $0x3  }
0x36: {  	p1 =	seq.s32 s10, $0x1;
	s10 =	sld [smem:$0x3FB6];
	_ =	sdelay $0x3  }
0x37: {  	[smem:$0x3FB6] =	sst s10  }
0x38: {  	s10 =	sld [smem:$0x3FB7]  }
0x39: {  	_ = 	snop;
	(pc) =	sbr.ind lr, $3  }
0x3a: {  	_ = 	snop  }
0x3b: {  	_ = 	snop  }
0x3c: {  	p2 =	seq.s32 s10, $0x1;
	s10 =	sld [smem:$0x3FB6]  }
0x3d: {  	_ =	shalt  }
0x3e: {  	_ =	shalt  }
0x3f: {  	_ =	shalt  }
0x40: {  	_ =	shalt  }
0x41: {  	_ =	shalt  }
0x42: {  	_ =	shalt  }
0x43: {  	_ =	shalt  }
0x44: {  	_ =	shalt  }
0x45: {  	_ =	shalt  }
0x46: {  	_ =	shalt  }
0x47: {  	_ =	shalt  }
0x48: {  	_ =	shalt  }
0x49: {  	_ =	shalt  }
0x4a: {  	_ =	shalt  }
0x4b: {  	_ =	shalt  }
0x4c: {  	_ =	shalt  }
0x4d: {  	_ =	shalt  }
0x4e: {  	_ =	shalt  }
0x4f: {  	_ =	shalt  }
0x50: {  	_ =	shalt  }
0x51: {  	_ =	shalt  }
0x52: {  	_ =	shalt  }
0x53: {  	_ =	shalt  }
0x54: {  	_ =	shalt  }
0x55: {  	_ =	shalt  }
0x56: {  	_ =	shalt  }
0x57: {  	_ =	shalt  }
0x58: {  	_ =	shalt  }
0x59: {  	_ =	shalt  }
0x5a: {  	_ =	shalt  }
0x5b: {  	_ =	shalt  }
0x5c: {  	_ =	shalt  }
0x5d: {  	_ =	shalt  }
0x5e: {  	_ =	shalt  }
0x5f: {  	_ =	shalt  }
0x60: {  	_ =	shalt  }
0x61: {  	_ =	shalt  }
0x62: {  	_ =	shalt  }
0x63: {  	_ =	shalt  }
0x64: {  	_ =	shalt  }
0x65: {  	_ =	shalt  }
0x66: {  	_ =	shalt  }
0x67: {  	_ =	shalt  }
0x68: {  	_ =	shalt  }
0x69: {  	_ =	shalt  }
0x6a: {  	_ =	shalt  }
0x6b: {  	_ =	shalt  }
0x6c: {  	_ =	shalt  }
0x6d: {  	_ =	shalt  }
0x6e: {  	_ =	shalt  }
0x6f: {  	_ =	shalt  }
0x70: {  	_ =	shalt  }
0x71: {  	_ =	shalt  }
0x72: {  	_ =	shalt  }
0x73: {  	_ =	shalt  }
0x74: {  	_ =	shalt  }
0x75: {  	_ =	shalt  }
0x76: {  	_ =	shalt  }
0x77: {  	_ =	shalt  }
0x78: {  	_ =	shalt  }
0x79: {  	_ =	shalt  }
0x7a: {  	_ =	shalt  }
0x7b: {  	_ =	shalt  }
0x7c: {  	_ =	shalt  }
0x7d: {  	_ =	shalt  }
0x7e: {  	_ =	shalt  }
0x7f: {  	_ =	shalt  }
0x80: {  	_ =	shalt  }
0x81: {  	_ =	shalt  }
0x82: {  	_ =	shalt  }
0x83: {  	_ =	shalt  }
0x84: {  	_ =	shalt  }
0x85: {  	_ =	shalt  }
0x86: {  	_ =	shalt  }
0x87: {  	_ =	shalt  }
.Lfunc_end0:
.L_simem_size_0:
called_computation.1_lowered:
.L_overlay_start_0:
0x88: {  	s2 =	sld [smem:$0x3FD9]  }
0x89: {  	s3 =	sld [smem:$0x3FFE];
	_ =	sdelay $0x1  }
0x8a: {  	s1 =	srdreg.scid  }
0x8b: {  	s0 =	sand.u32 $0x1, s1  }
0x8c: {  	s17 =	sshll.u32 s0, $0xA;
	s2 =	sadd.s32 s3, s2  }
0x8d: {  	s2 =	sadd.s32 s2, s17  }
0x8e: {  	[smem:$0x3FC2] =	sst s2  }
0x8f: {  	_ = 	snop  }
0x90: {  	s2 =	sld [smem:$0x3FD0];
	(tm) =	ssettm $0x1  }
0x91: {  	s18 =	sld [smem:$0x3FFB];
	_ =	sdelay $0x3  }
0x92: {  	_ =	strace s18  }
0x93: {  	s3 =	sld [smem:$0x3FFC];
	_ =	sdelay $0x3  }
0x94: {  	_ =	strace s3  }
0x95: {  	s3 =	sld [smem:$0x3FFD];
	_ =	sdelay $0x3  }
0x96: {  	_ =	strace s3  }
0x97: {  	_ =	strace $0x8FFFFFFF  }
0x98: {  	s19 =	sld [smem:$0x3FDB];
	_ =	sdelay $0x1  }
0x99: {  	s4 =	simm.s32 $_scs_section_size  }
0x9a: {  	s5 =	simm.s32 $_size__tile_overlayer_lowered;
	s6 =	simm.s32 $_tile_overlayer_lowered  }
0x9b: {  	s22 =	simm.s32 $0x1BFF;
	s21 =	sshll.u32 s6, $0x1;
	s3 =	sadd.s32 s4, s19  }
0x9c: {  	s7 =	simm.s32 $0x0;
	s20 =	sshll.u32 s5, $0x1;
	s5 =	sadd.s32 s21, s3  }
0x9d: {  	[timem:s7], [sflag:s22] =	dma.local [hbm:s5], s20  }
0x9e: {  	_ =	swait.ge [sflag:s22], s20  }
0x9f: {  	s4 =	ssub.s32 $0x0, s20;
	[sflag:s22] =	ssyncset.done $0x0  }
0xa0: {  	[sflag:s22] =	ssyncadd.s32 s4;
	_ =	sdelay $0x1  }
0xa1: {  	s23 =	simm.s32 $0x1B8B  }
0xa2: {  	_ =	swait.ge [sflag:s23], $0x1  }
0xa3: {  	[sflag:s23] =	ssyncset.done $0x0  }
0xa4: {  	s25 =	simm.s32 $0x1B8E;
	s24 =	sld [smem:$0x3FFE];
	[sflag:s23] =	ssyncadd.s32 $0xFFFFFFFF  }
0xa5: {  	s26 =	simm.s32 $execute0_lowered;
	[smem:$0x3FD2] =	sst s25  }
0xa6: {  	s5 =	sshll.u32 s26, $0x1;
	_ =	strace $0x80000049;
	[dreg:$0x1] =	wrdreg $0xFFFFFFFF  }
0xa7: {  	s28 =	simm.s32 $_size_execute0_lowered;
	s3 =	sadd.s32 s3, s5;
	[dreg:$0x0] =	wrdreg $0x0  }
0xa8: {  	s5 =	sshll.u32 s28, $0x1;
	[dreg:$0x2] =	wrdreg s3  }
0xa9: {  	[dreg:$0x3] =	wrdreg s5  }
0xaa: {  	[dreg:$0x4] =	wrdreg $0xC0  }
0xab: {  	_ =	task [dreg:s7], $0x5FFFF  }
0xac: {  	[dreg:$0x1] =	wrdreg $0xFFFFFFFF  }
0xad: {  	[dreg:$0x0] =	wrdreg $0x60  }
0xae: {  	[dreg:$0x2] =	wrdreg s2  }
0xaf: {  	[dreg:$0x3] =	wrdreg s24  }
0xb0: {  	[dreg:$0x4] =	wrdreg $0x90000  }
0xb1: {  	[dreg:$0x5] =	wrdreg $0x9  }
0xb2: {  	_ =	task.clear_ibuf [dreg:s7], $0x6FFFF;
	_ =	strace $0x90000049  }
0xb3: {  	s29 =	simm.s32 $0x9;
	_ =	strace $0x8000004B  }
0xb4: {  	_ =	swait.ge [sflag:s29], $0x1  }
0xb5: {  	[sflag:s29] =	ssyncadd.s32 $0xFFFFFFFF  }
0xb6: {  	_ =	strace $0x9000004B  }
0xb7: {  	_ =	sfence  }
0xb8: {  	s30 =	sld [smem:$0x0];
	_ =	sdelay $0x2  }
0xb9: {  	s31 =	sshll.u32 s1, $0xD;
	s1 =	sshrl.u32 s1, $0x2  }
0xba: {  	s3 =	sand.u32 $0x4000, s31;
	s1 =	sadd.s32 s1, s30  }
0xbb: {  	s0 =	sor.u32 s3, s0;
	s1 =	sshll.u32 s1, $0x11  }
0xbc: {  	s0 =	sor.u32 s1, s0  }
0xbd: {  	s0 =	sadd.s32 $0x8F2B, s0  }
0xbe: {  	[sflag:s0] =	ssyncadd.remote.s32 $0x1  }
0xbf: {  	_ =	sfence.sel $0xFFFF  }
0xc0: {  	[dreg:$0x0] =	wrdreg $0xFFFFFFFF;
	(pc) =	sbr.abs _section_cstart, $3  }
0xc1: {  	[dreg:$0x1] =	wrdreg $0xFFFFFFFF  }
0xc2: {  	_ =	task.clear_ibuf [dreg:s7], $0x2FFFF;
	_ =	strace $0x9FFFFFFF  }
0xc3: {  	(tm) =	ssettm $0x7FFFFFFF  }
tec
execute0_lowered:
.L_overlay_start_1:
0x0: {  	(tag) =	ssettag $0x1  }
0x1: {  	s2 =	rddreg [dreg:$0x0]  }
0x2: {  	s1 =	rddreg [dreg:$0x1]  }
0x3: {  	s0 =	srdreg.scid;
	s3 =	rddreg [dreg:$0x2];
	s16 =	simm.s32 $0x0  }
0x4: {  	s7 =	stileid.u32;
	s8 =	sand.u32 $0x1, s0;
	[smem:$0x7FF] =	sst s16  }
0x5: {  	s5 =	sadd.s32 $0x5DE00, s1;
	s6 =	sadd.s32 $0x1600, s1;
	s30 =	smul.u32 $0x14000, s7  }
0x6: {  	s4 =	sadd.s32 $0xB600, s1;
	s18 =	smul.u32 $0x50000, s7;
	s0 =	sshll.u32 s8, $0x4  }
0x7: {  	[dreg:$0x12] =	wrdreg s8;
	s8 =	smul.u32 $0x140000, s8;
	s0 =	sor.u32 s7, s0  }
0x8: {  	_ =	strace $0x8000004A;
	s21 =	sshrl.u32 s18, $0x2;
	s0 =	smul.u32 $0x2800, s0  }
0x9: {  	[dreg:$0x4] =	wrdreg s4;
	s4 =	sadd.s32 s30, s8;
	s22 =	sadd.s32 s21, s3  }
0xa: {  	s24 =	rddreg [dreg:$0x4];
	s26 =	sshrl.u32 s22, $0x3;
	s0 =	sshrl.u32 s0, $0x3  }
0xb: {  	s4 =	sshrl.u32 s4, $0x3;
	[dreg:$0x11] =	wrdreg s26;
	s9 =	sadd.s32 s5, s0  }
0xc: {  	s1 =	sadd.s32 s4, s1;
	s31 =	sadd.s32 s6, s0;
	[dreg:$0x5] =	wrdreg s9  }
0xd: {  	s10 =	sadd.s32 $0x100, s0;
	s25 =	sadd.s32 $0xDE00, s1;
	[dreg:$0x6] =	wrdreg s31  }
0xe: {  	s11 =	sadd.s32 s5, s10;
	[dreg:$0xf] =	wrdreg s25  }
0xf: {  	s13 =	sadd.s32 $0x200, s0;
	s12 =	sadd.s32 s6, s10;
	[dreg:$0x7] =	wrdreg s11  }
0x10: {  	s14 =	sadd.s32 s5, s13;
	[dreg:$0x8] =	wrdreg s12  }
0x11: {  	s17 =	sadd.s32 $0x300, s0;
	s15 =	sadd.s32 s6, s13;
	[dreg:$0x9] =	wrdreg s14  }
0x12: {  	s19 =	sadd.s32 s5, s17;
	[dreg:$0xa] =	wrdreg s15  }
0x13: {  	s0 =	sadd.s32 $0x400, s0;
	s20 =	sadd.s32 s6, s17;
	[dreg:$0xb] =	wrdreg s19  }
0x14: {  	s5 =	sadd.s32 s5, s0;
	[dreg:$0xc] =	wrdreg s20  }
0x15: {  	s23 =	sshll.u32 s7, $0x6;
	s0 =	sadd.s32 s6, s0;
	[dreg:$0xd] =	wrdreg s5  }
0x16: {  	s5 =	sor.u32 $0x1C03, s23;
	[dreg:$0xe] =	wrdreg s0  }
0x17: {  	s6 =	simm.s32 $0x3;
	[dreg:$0x10] =	wrdreg s5  }
0x18: {  	[spmem:s26], [sflag:s5] =	dma.local [hbm:s24], $0x2800  }
0x19: {  	_ =	swait.ge [sflag:s6], $0x2800  }
0x1a: {  	[sflag:s6] =	ssyncset.done $0x0  }
0x1b: {  	[sflag:s6] =	ssyncadd.s32 $0xFFFFD800  }
0x1c: {  	[bflag:$0x0] =	sbarrier.arrive $0xFFFF  }
0x1d: {  	s28 =	rddreg [dreg:$0x5]  }
0x1e: {  	[tilespmem:s16], [sflag:$0x3] =	stream.linear.gather [hbm4b:s28+s16], $0x800, $0x38;
	[tilespmem:$0x1D000] =	vst v63  }
0x1f: {  	_ =	swait.ge [sflag:s6], $0x800  }
0x20: {  	[sflag:s6] =	ssyncset.done $0x0  }
0x21: {  	s30 =	simm.s32 $0x800;
	s29 =	rddreg [dreg:$0x6];
	[sflag:s6] =	ssyncadd.s32 $0xFFFFF800  }
0x22: {  	[tilespmem:s30], [sflag:$0x3] =	stream.linear.gather [hbm4b:s29+s16], $0x800, $0x38;
	[tilespmem:$0x1D000] =	vst v63  }
0x23: {  	_ =	swait.ge [sflag:s6], $0x800  }
0x24: {  	[sflag:s6] =	ssyncset.done $0x0  }
0x25: {  	s9 =	simm.s32 $0x7D;
	s10 =	simm.s32 $0x1000;
	[sflag:s6] =	ssyncadd.s32 $0xFFFFF800  }
0x26: {  	[tilespmem:s10], [sflag:$0x1] =	stream.indirect.gather [hbm4b:s2+s9], $0x80, s16, s9, $0xb8;
	[tilespmem:$0x1D000] =	vst v63  }
0x27: {  	s4 =	simm.s32 $0x80;
	s13 =	simm.s32 $0x1;
	s12 =	simm.s32 $0x5000  }
0x28: {  	[tilespmem:s12], [sflag:$0x2] =	stream.indirect.gather [hbm4b:s2+s9], $0x80, s4, s9, $0xb8;
	[tilespmem:$0x1D000] =	vst v63  }
0x29: {  	_ =	swait.ge [sflag:s13], $0x3E80  }
0x2a: {  	[sflag:s13] =	ssyncset.done $0x0  }
0x2b: {  	s31 =	simm.s32 $0x800;
	[sflag:s13] =	ssyncadd.s32 $0xFFFFC180  }
0x2c: {  	[spmem:s3] =	stream.indirect.scatter.add.f32 [tilespmem:s10], [sflag:$0x3], $0x80, s31, s9, $0xb8;
	[tilespmem:$0x1D000] =	vst v63  }
0x2d: {  	_ =	swait.ge [sflag:s6], $0x3E80  }
0x2e: {  	[sflag:s6] =	ssyncset.done $0x0  }
0x2f: {  	s15 =	simm.s32 $0x2;
	s5 =	simm.s32 $0x100;
	[sflag:s6] =	ssyncadd.s32 $0xFFFFC180  }
0x30: {  	[tilespmem:s10], [sflag:$0x1] =	stream.indirect.gather [hbm4b:s2+s9], $0x80, s5, s9, $0xb8;
	[tilespmem:$0x1D000] =	vst v63  }
0x31: {  	_ =	swait.ge [sflag:s15], $0x3E80  }
0x32: {  	[sflag:s15] =	ssyncset.done $0x0  }
0x33: {  	s7 =	simm.s32 $0x880;
	[sflag:s15] =	ssyncadd.s32 $0xFFFFC180  }
0x34: {  	[spmem:s3] =	stream.indirect.scatter.add.f32 [tilespmem:s12], [sflag:$0x3], $0x80, s7, s9, $0xb8;
	[tilespmem:$0x1D000] =	vst v63  }
0x35: {  	_ =	swait.ge [sflag:s6], $0x3E80  }
0x36: {  	[sflag:s6] =	ssyncset.done $0x0  }
0x37: {  	s8 =	simm.s32 $0x180;
	[sflag:s6] =	ssyncadd.s32 $0xFFFFC180  }
0x38: {  	[tilespmem:s12], [sflag:$0x2] =	stream.indirect.gather [hbm4b:s2+s9], $0x80, s8, s9, $0xb8;
	[tilespmem:$0x1D000] =	vst v63  }
0x39: {  	_ =	swait.ge [sflag:s13], $0x3E80  }
0x3a: {  	[sflag:s13] =	ssyncset.done $0x0  }
0x3b: {  	s11 =	simm.s32 $0x900;
	[sflag:s13] =	ssyncadd.s32 $0xFFFFC180  }
0x3c: {  	[spmem:s3] =	stream.indirect.scatter.add.f32 [tilespmem:s10], [sflag:$0x3], $0x80, s11, s9, $0xb8;
	[tilespmem:$0x1D000] =	vst v63  }
0x3d: {  	_ =	swait.ge [sflag:s6], $0x3E80  }
0x3e: {  	[sflag:s6] =	ssyncset.done $0x0  }
0x3f: {  	s14 =	simm.s32 $0x200;
	[sflag:s6] =	ssyncadd.s32 $0xFFFFC180  }
0x40: {  	[tilespmem:s10], [sflag:$0x1] =	stream.indirect.gather [hbm4b:s2+s9], $0x80, s14, s9, $0xb8;
	[tilespmem:$0x1D000] =	vst v63  }
0x41: {  	_ =	swait.ge [sflag:s15], $0x3E80  }
0x42: {  	[sflag:s15] =	ssyncset.done $0x0  }
0x43: {  	s17 =	simm.s32 $0x980;
	[sflag:s15] =	ssyncadd.s32 $0xFFFFC180  }
0x44: {  	[spmem:s3] =	stream.indirect.scatter.add.f32 [tilespmem:s12], [sflag:$0x3], $0x80, s17, s9, $0xb8;
	[tilespmem:$0x1D000] =	vst v63  }
0x45: {  	_ =	swait.ge [sflag:s6], $0x3E80  }
0x46: {  	[sflag:s6] =	ssyncset.done $0x0  }
0x47: {  	s18 =	simm.s32 $0x280;
	[sflag:s6] =	ssyncadd.s32 $0xFFFFC180  }
0x48: {  	[tilespmem:s12], [sflag:$0x2] =	stream.indirect.gather [hbm4b:s2+s9], $0x80, s18, s9, $0xb8;
	[tilespmem:$0x1D000] =	vst v63  }
0x49: {  	_ =	swait.ge [sflag:s13], $0x3E80  }
0x4a: {  	[sflag:s13] =	ssyncset.done $0x0  }
0x4b: {  	s19 =	simm.s32 $0xA00;
	[sflag:s13] =	ssyncadd.s32 $0xFFFFC180  }
0x4c: {  	[spmem:s3] =	stream.indirect.scatter.add.f32 [tilespmem:s10], [sflag:$0x3], $0x80, s19, s9, $0xb8;
	[tilespmem:$0x1D000] =	vst v63  }
0x4d: {  	_ =	swait.ge [sflag:s6], $0x3E80  }
0x4e: {  	[sflag:s6] =	ssyncset.done $0x0  }
0x4f: {  	s20 =	simm.s32 $0x300;
	[sflag:s6] =	ssyncadd.s32 $0xFFFFC180  }
0x50: {  	[tilespmem:s10], [sflag:$0x1] =	stream.indirect.gather [hbm4b:s2+s9], $0x80, s20, s9, $0xb8;
	[tilespmem:$0x1D000] =	vst v63  }
0x51: {  	_ =	swait.ge [sflag:s15], $0x3E80  }
0x52: {  	[sflag:s15] =	ssyncset.done $0x0  }
0x53: {  	s21 =	simm.s32 $0xA80;
	[sflag:s15] =	ssyncadd.s32 $0xFFFFC180  }
0x54: {  	[spmem:s3] =	stream.indirect.scatter.add.f32 [tilespmem:s12], [sflag:$0x3], $0x80, s21, s9, $0xb8;
	[tilespmem:$0x1D000] =	vst v63  }
0x55: {  	_ =	swait.ge [sflag:s6], $0x3E80  }
0x56: {  	[sflag:s6] =	ssyncset.done $0x0  }
0x57: {  	s22 =	simm.s32 $0x380;
	[sflag:s6] =	ssyncadd.s32 $0xFFFFC180  }
0x58: {  	[tilespmem:s12], [sflag:$0x2] =	stream.indirect.gather [hbm4b:s2+s9], $0x80, s22, s9, $0xb8;
	[tilespmem:$0x1D000] =	vst v63  }
0x59: {  	_ =	swait.ge [sflag:s13], $0x3E80  }
0x5a: {  	[sflag:s13] =	ssyncset.done $0x0  }
0x5b: {  	s23 =	simm.s32 $0xB00;
	[sflag:s13] =	ssyncadd.s32 $0xFFFFC180  }
0x5c: {  	[spmem:s3] =	stream.indirect.scatter.add.f32 [tilespmem:s10], [sflag:$0x3], $0x80, s23, s9, $0xb8;
	[tilespmem:$0x1D000] =	vst v63  }
0x5d: {  	_ =	swait.ge [sflag:s6], $0x3E80  }
0x5e: {  	[sflag:s6] =	ssyncset.done $0x0  }
0x5f: {  	s24 =	simm.s32 $0x400;
	[sflag:s6] =	ssyncadd.s32 $0xFFFFC180  }
0x60: {  	[tilespmem:s10], [sflag:$0x1] =	stream.indirect.gather [hbm4b:s2+s9], $0x80, s24, s9, $0xb8;
	[tilespmem:$0x1D000] =	vst v63  }
0x61: {  	_ =	swait.ge [sflag:s15], $0x3E80  }
0x62: {  	[sflag:s15] =	ssyncset.done $0x0  }
0x63: {  	s25 =	simm.s32 $0xB80;
	[sflag:s15] =	ssyncadd.s32 $0xFFFFC180  }
0x64: {  	[spmem:s3] =	stream.indirect.scatter.add.f32 [tilespmem:s12], [sflag:$0x3], $0x80, s25, s9, $0xb8;
	[tilespmem:$0x1D000] =	vst v63  }
0x65: {  	_ =	swait.ge [sflag:s6], $0x3E80  }
0x66: {  	[sflag:s6] =	ssyncset.done $0x0  }
0x67: {  	s26 =	simm.s32 $0x480;
	[sflag:s6] =	ssyncadd.s32 $0xFFFFC180  }
0x68: {  	[tilespmem:s12], [sflag:$0x2] =	stream.indirect.gather [hbm4b:s2+s9], $0x80, s26, s9, $0xb8;
	[tilespmem:$0x1D000] =	vst v63  }
0x69: {  	_ =	swait.ge [sflag:s13], $0x3E80  }
0x6a: {  	[sflag:s13] =	ssyncset.done $0x0  }
0x6b: {  	s28 =	simm.s32 $0xC00;
	[sflag:s13] =	ssyncadd.s32 $0xFFFFC180  }
0x6c: {  	[spmem:s3] =	stream.indirect.scatter.add.f32 [tilespmem:s10], [sflag:$0x3], $0x80, s28, s9, $0xb8;
	[tilespmem:$0x1D000] =	vst v63  }
0x6d: {  	_ =	swait.ge [sflag:s6], $0x3E80  }
0x6e: {  	[sflag:s6] =	ssyncset.done $0x0  }
0x6f: {  	s29 =	simm.s32 $0x500;
	[sflag:s6] =	ssyncadd.s32 $0xFFFFC180  }
0x70: {  	[tilespmem:s10], [sflag:$0x1] =	stream.indirect.gather [hbm4b:s2+s9], $0x80, s29, s9, $0xb8;
	[tilespmem:$0x1D000] =	vst v63  }
0x71: {  	_ =	swait.ge [sflag:s15], $0x3E80  }
0x72: {  	[sflag:s15] =	ssyncset.done $0x0  }
0x73: {  	s30 =	simm.s32 $0xC80;
	[sflag:s15] =	ssyncadd.s32 $0xFFFFC180  }
0x74: {  	[spmem:s3] =	stream.indirect.scatter.add.f32 [tilespmem:s12], [sflag:$0x3], $0x80, s30, s9, $0xb8;
	[tilespmem:$0x1D000] =	vst v63  }
0x75: {  	_ =	swait.ge [sflag:s6], $0x3E80  }
0x76: {  	[sflag:s6] =	ssyncset.done $0x0  }
0x77: {  	s31 =	simm.s32 $0x580;
	[sflag:s6] =	ssyncadd.s32 $0xFFFFC180  }
0x78: {  	[tilespmem:s12], [sflag:$0x2] =	stream.indirect.gather [hbm4b:s2+s9], $0x80, s31, s9, $0xb8;
	[tilespmem:$0x1D000] =	vst v63  }
0x79: {  	_ =	swait.ge [sflag:s13], $0x3E80  }
0x7a: {  	[sflag:s13] =	ssyncset.done $0x0  }
0x7b: {  	s1 =	simm.s32 $0xD00;
	[sflag:s13] =	ssyncadd.s32 $0xFFFFC180  }
0x7c: {  	[spmem:s3] =	stream.indirect.scatter.add.f32 [tilespmem:s10], [sflag:$0x3], $0x80, s1, s9, $0xb8;
	[tilespmem:$0x1D000] =	vst v63  }
0x7d: {  	_ =	swait.ge [sflag:s6], $0x3E80  }
0x7e: {  	[sflag:s6] =	ssyncset.done $0x0  }
0x7f: {  	s4 =	simm.s32 $0x600;
	[sflag:s6] =	ssyncadd.s32 $0xFFFFC180  }
0x80: {  	[tilespmem:s10], [sflag:$0x1] =	stream.indirect.gather [hbm4b:s2+s9], $0x80, s4, s9, $0xb8;
	[tilespmem:$0x1D000] =	vst v63  }
0x81: {  	_ =	swait.ge [sflag:s15], $0x3E80  }
0x82: {  	[sflag:s15] =	ssyncset.done $0x0  }
0x83: {  	s5 =	simm.s32 $0xD80;
	[sflag:s15] =	ssyncadd.s32 $0xFFFFC180  }
0x84: {  	[spmem:s3] =	stream.indirect.scatter.add.f32 [tilespmem:s12], [sflag:$0x3], $0x80, s5, s9, $0xb8;
	[tilespmem:$0x1D000] =	vst v63  }
0x85: {  	_ =	swait.ge [sflag:s6], $0x3E80  }
0x86: {  	[sflag:s6] =	ssyncset.done $0x0  }
0x87: {  	s7 =	simm.s32 $0x680;
	[sflag:s6] =	ssyncadd.s32 $0xFFFFC180  }
0x88: {  	[tilespmem:s12], [sflag:$0x2] =	stream.indirect.gather [hbm4b:s2+s9], $0x80, s7, s9, $0xb8;
	[tilespmem:$0x1D000] =	vst v63  }
0x89: {  	_ =	swait.ge [sflag:s13], $0x3E80  }
0x8a: {  	[sflag:s13] =	ssyncset.done $0x0  }
0x8b: {  	s8 =	simm.s32 $0xE00;
	[sflag:s13] =	ssyncadd.s32 $0xFFFFC180  }
0x8c: {  	[spmem:s3] =	stream.indirect.scatter.add.f32 [tilespmem:s10], [sflag:$0x3], $0x80, s8, s9, $0xb8;
	[tilespmem:$0x1D000] =	vst v63  }
0x8d: {  	_ =	swait.ge [sflag:s6], $0x3E80  }
0x8e: {  	[sflag:s6] =	ssyncset.done $0x0  }
0x8f: {  	s11 =	simm.s32 $0x700;
	[sflag:s6] =	ssyncadd.s32 $0xFFFFC180  }
0x90: {  	[tilespmem:s10], [sflag:$0x1] =	stream.indirect.gather [hbm4b:s2+s9], $0x80, s11, s9, $0xb8;
	[tilespmem:$0x1D000] =	vst v63  }
0x91: {  	_ =	swait.ge [sflag:s15], $0x3E80  }
0x92: {  	[sflag:s15] =	ssyncset.done $0x0  }
0x93: {  	s14 =	simm.s32 $0xE80;
	[sflag:s15] =	ssyncadd.s32 $0xFFFFC180  }
0x94: {  	[spmem:s3] =	stream.indirect.scatter.add.f32 [tilespmem:s12], [sflag:$0x3], $0x80, s14, s9, $0xb8;
	[tilespmem:$0x1D000] =	vst v63  }
0x95: {  	_ =	swait.ge [sflag:s6], $0x3E80  }
0x96: {  	[sflag:s6] =	ssyncset.done $0x0  }
0x97: {  	s17 =	simm.s32 $0x780;
	[sflag:s6] =	ssyncadd.s32 $0xFFFFC180  }
0x98: {  	[tilespmem:s12], [sflag:$0x2] =	stream.indirect.gather [hbm4b:s2+s9], $0x80, s17, s9, $0xb8;
	[tilespmem:$0x1D000] =	vst v63  }
0x99: {  	_ =	swait.ge [sflag:s13], $0x3E80  }
0x9a: {  	[sflag:s13] =	ssyncset.done $0x0  }
0x9b: {  	s18 =	simm.s32 $0xF00;
	[sflag:s13] =	ssyncadd.s32 $0xFFFFC180  }
0x9c: {  	[spmem:s3] =	stream.indirect.scatter.add.f32 [tilespmem:s10], [sflag:$0x3], $0x80, s18, s9, $0xb8;
	[tilespmem:$0x1D000] =	vst v63  }
0x9d: {  	_ =	swait.ge [sflag:s6], $0x3E80  }
0x9e: {  	[sflag:s6] =	ssyncset.done $0x0  }
0x9f: {  	[sflag:s6] =	ssyncadd.s32 $0xFFFFC180  }
0xa0: {  	_ =	swait.ge [sflag:s15], $0x3E80  }
0xa1: {  	[sflag:s15] =	ssyncset.done $0x0  }
0xa2: {  	s19 =	simm.s32 $0xF80;
	[sflag:s15] =	ssyncadd.s32 $0xFFFFC180  }
0xa3: {  	[spmem:s3] =	stream.indirect.scatter.add.f32 [tilespmem:s12], [sflag:$0x3], $0x80, s19, s9, $0xb8;
	[tilespmem:$0x1D000] =	vst v63  }
0xa4: {  	_ =	swait.ge [sflag:s6], $0x3E80  }
0xa5: {  	[sflag:s6] =	ssyncset.done $0x0  }
0xa6: {  	s23 =	rddreg [dreg:$0x7];
	[sflag:s6] =	ssyncadd.s32 $0xFFFFC180  }
0xa7: {  	[tilespmem:s16], [sflag:$0x3] =	stream.linear.gather [hbm4b:s23+s16], $0x800, $0x38;
	[tilespmem:$0x1D000] =	vst v63  }
0xa8: {  	_ =	swait.ge [sflag:s6], $0x800  }
0xa9: {  	[sflag:s6] =	ssyncset.done $0x0  }
0xaa: {  	s21 =	simm.s32 $0x800;
	s20 =	rddreg [dreg:$0x8];
	[sflag:s6] =	ssyncadd.s32 $0xFFFFF800  }
0xab: {  	[tilespmem:s21], [sflag:$0x3] =	stream.linear.gather [hbm4b:s20+s16], $0x800, $0x38;
	[tilespmem:$0x1D000] =	vst v63  }
0xac: {  	_ =	swait.ge [sflag:s6], $0x800  }
0xad: {  	[sflag:s6] =	ssyncset.done $0x0  }
0xae: {  	[sflag:s6] =	ssyncadd.s32 $0xFFFFF800  }
0xaf: {  	[tilespmem:s10], [sflag:$0x1] =	stream.indirect.gather [hbm4b:s2+s9], $0x80, s16, s9, $0xb8;
	[tilespmem:$0x1D000] =	vst v63  }
0xb0: {  	s22 =	simm.s32 $0x80  }
0xb1: {  	[tilespmem:s12], [sflag:$0x2] =	stream.indirect.gather [hbm4b:s2+s9], $0x80, s22, s9, $0xb8;
	[tilespmem:$0x1D000] =	vst v63  }
0xb2: {  	_ =	swait.ge [sflag:s13], $0x3E80  }
0xb3: {  	[sflag:s13] =	ssyncset.done $0x0  }
0xb4: {  	[sflag:s13] =	ssyncadd.s32 $0xFFFFC180  }
0xb5: {  	[spmem:s3] =	stream.indirect.scatter.add.f32 [tilespmem:s10], [sflag:$0x3], $0x80, s21, s9, $0xb8;
	[tilespmem:$0x1D000] =	vst v63  }
0xb6: {  	_ =	swait.ge [sflag:s6], $0x3E80  }
0xb7: {  	[sflag:s6] =	ssyncset.done $0x0  }
0xb8: {  	s1 =	simm.s32 $0x100;
	[sflag:s6] =	ssyncadd.s32 $0xFFFFC180  }
0xb9: {  	[tilespmem:s10], [sflag:$0x1] =	stream.indirect.gather [hbm4b:s2+s9], $0x80, s1, s9, $0xb8;
	[tilespmem:$0x1D000] =	vst v63  }
0xba: {  	_ =	swait.ge [sflag:s15], $0x3E80  }
0xbb: {  	[sflag:s15] =	ssyncset.done $0x0  }
0xbc: {  	s4 =	simm.s32 $0x880;
	[sflag:s15] =	ssyncadd.s32 $0xFFFFC180  }
0xbd: {  	[spmem:s3] =	stream.indirect.scatter.add.f32 [tilespmem:s12], [sflag:$0x3], $0x80, s4, s9, $0xb8;
	[tilespmem:$0x1D000] =	vst v63  }
0xbe: {  	_ =	swait.ge [sflag:s6], $0x3E80  }
0xbf: {  	[sflag:s6] =	ssyncset.done $0x0  }
0xc0: {  	s5 =	simm.s32 $0x180;
	[sflag:s6] =	ssyncadd.s32 $0xFFFFC180  }
0xc1: {  	[tilespmem:s12], [sflag:$0x2] =	stream.indirect.gather [hbm4b:s2+s9], $0x80, s5, s9, $0xb8;
	[tilespmem:$0x1D000] =	vst v63  }
0xc2: {  	_ =	swait.ge [sflag:s13], $0x3E80  }
0xc3: {  	[sflag:s13] =	ssyncset.done $0x0  }
0xc4: {  	s7 =	simm.s32 $0x900;
	[sflag:s13] =	ssyncadd.s32 $0xFFFFC180  }
0xc5: {  	[spmem:s3] =	stream.indirect.scatter.add.f32 [tilespmem:s10], [sflag:$0x3], $0x80, s7, s9, $0xb8;
	[tilespmem:$0x1D000] =	vst v63  }
0xc6: {  	_ =	swait.ge [sflag:s6], $0x3E80  }
0xc7: {  	[sflag:s6] =	ssyncset.done $0x0  }
0xc8: {  	s8 =	simm.s32 $0x200;
	[sflag:s6] =	ssyncadd.s32 $0xFFFFC180  }
0xc9: {  	[tilespmem:s10], [sflag:$0x1] =	stream.indirect.gather [hbm4b:s2+s9], $0x80, s8, s9, $0xb8;
	[tilespmem:$0x1D000] =	vst v63  }
0xca: {  	_ =	swait.ge [sflag:s15], $0x3E80  }
0xcb: {  	[sflag:s15] =	ssyncset.done $0x0  }
0xcc: {  	s11 =	simm.s32 $0x980;
	[sflag:s15] =	ssyncadd.s32 $0xFFFFC180  }
0xcd: {  	[spmem:s3] =	stream.indirect.scatter.add.f32 [tilespmem:s12], [sflag:$0x3], $0x80, s11, s9, $0xb8;
	[tilespmem:$0x1D000] =	vst v63  }
0xce: {  	_ =	swait.ge [sflag:s6], $0x3E80  }
0xcf: {  	[sflag:s6] =	ssyncset.done $0x0  }
0xd0: {  	s14 =	simm.s32 $0x280;
	[sflag:s6] =	ssyncadd.s32 $0xFFFFC180  }
0xd1: {  	[tilespmem:s12], [sflag:$0x2] =	stream.indirect.gather [hbm4b:s2+s9], $0x80, s14, s9, $0xb8;
	[tilespmem:$0x1D000] =	vst v63  }
0xd2: {  	_ =	swait.ge [sflag:s13], $0x3E80  }
0xd3: {  	[sflag:s13] =	ssyncset.done $0x0  }
0xd4: {  	s17 =	simm.s32 $0xA00;
	[sflag:s13] =	ssyncadd.s32 $0xFFFFC180  }
0xd5: {  	[spmem:s3] =	stream.indirect.scatter.add.f32 [tilespmem:s10], [sflag:$0x3], $0x80, s17, s9, $0xb8;
	[tilespmem:$0x1D000] =	vst v63  }
0xd6: {  	_ =	swait.ge [sflag:s6], $0x3E80  }
0xd7: {  	[sflag:s6] =	ssyncset.done $0x0  }
0xd8: {  	s18 =	simm.s32 $0x300;
	[sflag:s6] =	ssyncadd.s32 $0xFFFFC180  }
0xd9: {  	[tilespmem:s10], [sflag:$0x1] =	stream.indirect.gather [hbm4b:s2+s9], $0x80, s18, s9, $0xb8;
	[tilespmem:$0x1D000] =	vst v63  }
0xda: {  	_ =	swait.ge [sflag:s15], $0x3E80  }
0xdb: {  	[sflag:s15] =	ssyncset.done $0x0  }
0xdc: {  	s19 =	simm.s32 $0xA80;
	[sflag:s15] =	ssyncadd.s32 $0xFFFFC180  }
0xdd: {  	[spmem:s3] =	stream.indirect.scatter.add.f32 [tilespmem:s12], [sflag:$0x3], $0x80, s19, s9, $0xb8;
	[tilespmem:$0x1D000] =	vst v63  }
0xde: {  	_ =	swait.ge [sflag:s6], $0x3E80  }
0xdf: {  	[sflag:s6] =	ssyncset.done $0x0  }
0xe0: {  	s20 =	simm.s32 $0x380;
	[sflag:s6] =	ssyncadd.s32 $0xFFFFC180  }
0xe1: {  	[tilespmem:s12], [sflag:$0x2] =	stream.indirect.gather [hbm4b:s2+s9], $0x80, s20, s9, $0xb8;
	[tilespmem:$0x1D000] =	vst v63  }
0xe2: {  	_ =	swait.ge [sflag:s13], $0x3E80  }
0xe3: {  	[sflag:s13] =	ssyncset.done $0x0  }
0xe4: {  	s21 =	simm.s32 $0xB00;
	[sflag:s13] =	ssyncadd.s32 $0xFFFFC180  }
0xe5: {  	[spmem:s3] =	stream.indirect.scatter.add.f32 [tilespmem:s10], [sflag:$0x3], $0x80, s21, s9, $0xb8;
	[tilespmem:$0x1D000] =	vst v63  }
0xe6: {  	_ =	swait.ge [sflag:s6], $0x3E80  }
0xe7: {  	[sflag:s6] =	ssyncset.done $0x0  }
0xe8: {  	s22 =	simm.s32 $0x400;
	[sflag:s6] =	ssyncadd.s32 $0xFFFFC180  }
0xe9: {  	[tilespmem:s10], [sflag:$0x1] =	stream.indirect.gather [hbm4b:s2+s9], $0x80, s22, s9, $0xb8;
	[tilespmem:$0x1D000] =	vst v63  }
0xea: {  	_ =	swait.ge [sflag:s15], $0x3E80  }
0xeb: {  	[sflag:s15] =	ssyncset.done $0x0  }
0xec: {  	s24 =	simm.s32 $0xB80;
	[sflag:s15] =	ssyncadd.s32 $0xFFFFC180  }
0xed: {  	[spmem:s3] =	stream.indirect.scatter.add.f32 [tilespmem:s12], [sflag:$0x3], $0x80, s24, s9, $0xb8;
	[tilespmem:$0x1D000] =	vst v63  }
0xee: {  	_ =	swait.ge [sflag:s6], $0x3E80  }
0xef: {  	[sflag:s6] =	ssyncset.done $0x0  }
0xf0: {  	s25 =	simm.s32 $0x480;
	[sflag:s6] =	ssyncadd.s32 $0xFFFFC180  }
0xf1: {  	[tilespmem:s12], [sflag:$0x2] =	stream.indirect.gather [hbm4b:s2+s9], $0x80, s25, s9, $0xb8;
	[tilespmem:$0x1D000] =	vst v63  }
0xf2: {  	_ =	swait.ge [sflag:s13], $0x3E80  }
0xf3: {  	[sflag:s13] =	ssyncset.done $0x0  }
0xf4: {  	s26 =	simm.s32 $0xC00;
	[sflag:s13] =	ssyncadd.s32 $0xFFFFC180  }
0xf5: {  	[spmem:s3] =	stream.indirect.scatter.add.f32 [tilespmem:s10], [sflag:$0x3], $0x80, s26, s9, $0xb8;
	[tilespmem:$0x1D000] =	vst v63  }
0xf6: {  	_ =	swait.ge [sflag:s6], $0x3E80  }
0xf7: {  	[sflag:s6] =	ssyncset.done $0x0  }
0xf8: {  	s28 =	simm.s32 $0x500;
	[sflag:s6] =	ssyncadd.s32 $0xFFFFC180  }
0xf9: {  	[tilespmem:s10], [sflag:$0x1] =	stream.indirect.gather [hbm4b:s2+s9], $0x80, s28, s9, $0xb8;
	[tilespmem:$0x1D000] =	vst v63  }
0xfa: {  	_ =	swait.ge [sflag:s15], $0x3E80  }
0xfb: {  	[sflag:s15] =	ssyncset.done $0x0  }
0xfc: {  	s29 =	simm.s32 $0xC80;
	[sflag:s15] =	ssyncadd.s32 $0xFFFFC180  }
0xfd: {  	[spmem:s3] =	stream.indirect.scatter.add.f32 [tilespmem:s12], [sflag:$0x3], $0x80, s29, s9, $0xb8;
	[tilespmem:$0x1D000] =	vst v63  }
0xfe: {  	_ =	swait.ge [sflag:s6], $0x3E80  }
0xff: {  	[sflag:s6] =	ssyncset.done $0x0  }
0x100: {  	s30 =	simm.s32 $0x580;
	[sflag:s6] =	ssyncadd.s32 $0xFFFFC180  }
0x101: {  	[tilespmem:s12], [sflag:$0x2] =	stream.indirect.gather [hbm4b:s2+s9], $0x80, s30, s9, $0xb8;
	[tilespmem:$0x1D000] =	vst v63  }
0x102: {  	_ =	swait.ge [sflag:s13], $0x3E80  }
0x103: {  	[sflag:s13] =	ssyncset.done $0x0  }
0x104: {  	s31 =	simm.s32 $0xD00;
	[sflag:s13] =	ssyncadd.s32 $0xFFFFC180  }
0x105: {  	[spmem:s3] =	stream.indirect.scatter.add.f32 [tilespmem:s10], [sflag:$0x3], $0x80, s31, s9, $0xb8;
	[tilespmem:$0x1D000] =	vst v63  }
0x106: {  	_ =	swait.ge [sflag:s6], $0x3E80  }
0x107: {  	[sflag:s6] =	ssyncset.done $0x0  }
0x108: {  	s23 =	simm.s32 $0x600;
	[sflag:s6] =	ssyncadd.s32 $0xFFFFC180  }
0x109: {  	[tilespmem:s10], [sflag:$0x1] =	stream.indirect.gather [hbm4b:s2+s9], $0x80, s23, s9, $0xb8;
	[tilespmem:$0x1D000] =	vst v63  }
0x10a: {  	_ =	swait.ge [sflag:s15], $0x3E80  }
0x10b: {  	[sflag:s15] =	ssyncset.done $0x0  }
0x10c: {  	s23 =	simm.s32 $0xD80;
	[sflag:s15] =	ssyncadd.s32 $0xFFFFC180  }
0x10d: {  	[spmem:s3] =	stream.indirect.scatter.add.f32 [tilespmem:s12], [sflag:$0x3], $0x80, s23, s9, $0xb8;
	[tilespmem:$0x1D000] =	vst v63  }
0x10e: {  	_ =	swait.ge [sflag:s6], $0x3E80  }
0x10f: {  	[sflag:s6] =	ssyncset.done $0x0  }
0x110: {  	s23 =	simm.s32 $0x680;
	[sflag:s6] =	ssyncadd.s32 $0xFFFFC180  }
0x111: {  	[tilespmem:s12], [sflag:$0x2] =	stream.indirect.gather [hbm4b:s2+s9], $0x80, s23, s9, $0xb8;
	[tilespmem:$0x1D000] =	vst v63  }
0x112: {  	_ =	swait.ge [sflag:s13], $0x3E80  }
0x113: {  	[sflag:s13] =	ssyncset.done $0x0  }
0x114: {  	s23 =	simm.s32 $0xE00;
	[sflag:s13] =	ssyncadd.s32 $0xFFFFC180  }
0x115: {  	[spmem:s3] =	stream.indirect.scatter.add.f32 [tilespmem:s10], [sflag:$0x3], $0x80, s23, s9, $0xb8;
	[tilespmem:$0x1D000] =	vst v63  }
0x116: {  	_ =	swait.ge [sflag:s6], $0x3E80  }
0x117: {  	[sflag:s6] =	ssyncset.done $0x0  }
0x118: {  	s23 =	simm.s32 $0x700;
	[sflag:s6] =	ssyncadd.s32 $0xFFFFC180  }
0x119: {  	[tilespmem:s10], [sflag:$0x1] =	stream.indirect.gather [hbm4b:s2+s9], $0x80, s23, s9, $0xb8;
	[tilespmem:$0x1D000] =	vst v63  }
0x11a: {  	_ =	swait.ge [sflag:s15], $0x3E80  }
0x11b: {  	[sflag:s15] =	ssyncset.done $0x0  }
0x11c: {  	s23 =	simm.s32 $0xE80;
	[sflag:s15] =	ssyncadd.s32 $0xFFFFC180  }
0x11d: {  	[spmem:s3] =	stream.indirect.scatter.add.f32 [tilespmem:s12], [sflag:$0x3], $0x80, s23, s9, $0xb8;
	[tilespmem:$0x1D000] =	vst v63  }
0x11e: {  	_ =	swait.ge [sflag:s6], $0x3E80  }
0x11f: {  	[sflag:s6] =	ssyncset.done $0x0  }
0x120: {  	s23 =	simm.s32 $0x780;
	[sflag:s6] =	ssyncadd.s32 $0xFFFFC180  }
0x121: {  	[tilespmem:s12], [sflag:$0x2] =	stream.indirect.gather [hbm4b:s2+s9], $0x80, s23, s9, $0xb8;
	[tilespmem:$0x1D000] =	vst v63  }
0x122: {  	_ =	swait.ge [sflag:s13], $0x3E80  }
0x123: {  	[sflag:s13] =	ssyncset.done $0x0  }
0x124: {  	s23 =	simm.s32 $0xF00;
	[sflag:s13] =	ssyncadd.s32 $0xFFFFC180  }
0x125: {  	[spmem:s3] =	stream.indirect.scatter.add.f32 [tilespmem:s10], [sflag:$0x3], $0x80, s23, s9, $0xb8;
	[tilespmem:$0x1D000] =	vst v63  }
0x126: {  	_ =	swait.ge [sflag:s6], $0x3E80  }
0x127: {  	[sflag:s6] =	ssyncset.done $0x0  }
0x128: {  	[sflag:s6] =	ssyncadd.s32 $0xFFFFC180  }
0x129: {  	_ =	swait.ge [sflag:s15], $0x3E80  }
0x12a: {  	[sflag:s15] =	ssyncset.done $0x0  }
0x12b: {  	s23 =	simm.s32 $0xF80;
	[sflag:s15] =	ssyncadd.s32 $0xFFFFC180  }
0x12c: {  	[spmem:s3] =	stream.indirect.scatter.add.f32 [tilespmem:s12], [sflag:$0x3], $0x80, s23, s9, $0xb8;
	[tilespmem:$0x1D000] =	vst v63  }
0x12d: {  	_ =	swait.ge [sflag:s6], $0x3E80  }
0x12e: {  	[sflag:s6] =	ssyncset.done $0x0  }
0x12f: {  	s23 =	rddreg [dreg:$0x9];
	[sflag:s6] =	ssyncadd.s32 $0xFFFFC180  }
0x130: {  	[tilespmem:s16], [sflag:$0x3] =	stream.linear.gather [hbm4b:s23+s16], $0x800, $0x38;
	[tilespmem:$0x1D000] =	vst v63  }
0x131: {  	_ =	swait.ge [sflag:s6], $0x800  }
0x132: {  	[sflag:s6] =	ssyncset.done $0x0  }
0x133: {  	s0 =	simm.s32 $0x800;
	s23 =	rddreg [dreg:$0xa];
	[sflag:s6] =	ssyncadd.s32 $0xFFFFF800  }
0x134: {  	[tilespmem:s0], [sflag:$0x3] =	stream.linear.gather [hbm4b:s23+s16], $0x800, $0x38;
	[tilespmem:$0x1D000] =	vst v63  }
0x135: {  	_ =	swait.ge [sflag:s6], $0x800  }
0x136: {  	[sflag:s6] =	ssyncset.done $0x0  }
0x137: {  	[sflag:s6] =	ssyncadd.s32 $0xFFFFF800  }
0x138: {  	[tilespmem:s10], [sflag:$0x1] =	stream.indirect.gather [hbm4b:s2+s9], $0x80, s16, s9, $0xb8;
	[tilespmem:$0x1D000] =	vst v63  }
0x139: {  	s23 =	simm.s32 $0x80  }
0x13a: {  	[tilespmem:s12], [sflag:$0x2] =	stream.indirect.gather [hbm4b:s2+s9], $0x80, s23, s9, $0xb8;
	[tilespmem:$0x1D000] =	vst v63  }
0x13b: {  	_ =	swait.ge [sflag:s13], $0x3E80  }
0x13c: {  	[sflag:s13] =	ssyncset.done $0x0  }
0x13d: {  	[sflag:s13] =	ssyncadd.s32 $0xFFFFC180  }
0x13e: {  	[spmem:s3] =	stream.indirect.scatter.add.f32 [tilespmem:s10], [sflag:$0x3], $0x80, s0, s9, $0xb8;
	[tilespmem:$0x1D000] =	vst v63  }
0x13f: {  	_ =	swait.ge [sflag:s6], $0x3E80  }
0x140: {  	[sflag:s6] =	ssyncset.done $0x0  }
0x141: {  	[sflag:s6] =	ssyncadd.s32 $0xFFFFC180  }
0x142: {  	[tilespmem:s10], [sflag:$0x1] =	stream.indirect.gather [hbm4b:s2+s9], $0x80, s1, s9, $0xb8;
	[tilespmem:$0x1D000] =	vst v63  }
0x143: {  	_ =	swait.ge [sflag:s15], $0x3E80  }
0x144: {  	[sflag:s15] =	ssyncset.done $0x0  }
0x145: {  	[sflag:s15] =	ssyncadd.s32 $0xFFFFC180  }
0x146: {  	[spmem:s3] =	stream.indirect.scatter.add.f32 [tilespmem:s12], [sflag:$0x3], $0x80, s4, s9, $0xb8;
	[tilespmem:$0x1D000] =	vst v63  }
0x147: {  	_ =	swait.ge [sflag:s6], $0x3E80  }
0x148: {  	[sflag:s6] =	ssyncset.done $0x0  }
0x149: {  	[sflag:s6] =	ssyncadd.s32 $0xFFFFC180  }
0x14a: {  	[tilespmem:s12], [sflag:$0x2] =	stream.indirect.gather [hbm4b:s2+s9], $0x80, s5, s9, $0xb8;
	[tilespmem:$0x1D000] =	vst v63  }
0x14b: {  	_ =	swait.ge [sflag:s13], $0x3E80  }
0x14c: {  	[sflag:s13] =	ssyncset.done $0x0  }
0x14d: {  	[sflag:s13] =	ssyncadd.s32 $0xFFFFC180  }
0x14e: {  	[spmem:s3] =	stream.indirect.scatter.add.f32 [tilespmem:s10], [sflag:$0x3], $0x80, s7, s9, $0xb8;
	[tilespmem:$0x1D000] =	vst v63  }
0x14f: {  	_ =	swait.ge [sflag:s6], $0x3E80  }
0x150: {  	[sflag:s6] =	ssyncset.done $0x0  }
0x151: {  	[sflag:s6] =	ssyncadd.s32 $0xFFFFC180  }
0x152: {  	[tilespmem:s10], [sflag:$0x1] =	stream.indirect.gather [hbm4b:s2+s9], $0x80, s8, s9, $0xb8;
	[tilespmem:$0x1D000] =	vst v63  }
0x153: {  	_ =	swait.ge [sflag:s15], $0x3E80  }
0x154: {  	[sflag:s15] =	ssyncset.done $0x0  }
0x155: {  	[sflag:s15] =	ssyncadd.s32 $0xFFFFC180  }
0x156: {  	[spmem:s3] =	stream.indirect.scatter.add.f32 [tilespmem:s12], [sflag:$0x3], $0x80, s11, s9, $0xb8;
	[tilespmem:$0x1D000] =	vst v63  }
0x157: {  	_ =	swait.ge [sflag:s6], $0x3E80  }
0x158: {  	[sflag:s6] =	ssyncset.done $0x0  }
0x159: {  	[sflag:s6] =	ssyncadd.s32 $0xFFFFC180  }
0x15a: {  	[tilespmem:s12], [sflag:$0x2] =	stream.indirect.gather [hbm4b:s2+s9], $0x80, s14, s9, $0xb8;
	[tilespmem:$0x1D000] =	vst v63  }
0x15b: {  	_ =	swait.ge [sflag:s13], $0x3E80  }
0x15c: {  	[sflag:s13] =	ssyncset.done $0x0  }
0x15d: {  	[sflag:s13] =	ssyncadd.s32 $0xFFFFC180  }
0x15e: {  	[spmem:s3] =	stream.indirect.scatter.add.f32 [tilespmem:s10], [sflag:$0x3], $0x80, s17, s9, $0xb8;
	[tilespmem:$0x1D000] =	vst v63  }
0x15f: {  	_ =	swait.ge [sflag:s6], $0x3E80  }
0x160: {  	[sflag:s6] =	ssyncset.done $0x0  }
0x161: {  	[sflag:s6] =	ssyncadd.s32 $0xFFFFC180  }
0x162: {  	[tilespmem:s10], [sflag:$0x1] =	stream.indirect.gather [hbm4b:s2+s9], $0x80, s18, s9, $0xb8;
	[tilespmem:$0x1D000] =	vst v63  }
0x163: {  	_ =	swait.ge [sflag:s15], $0x3E80  }
0x164: {  	[sflag:s15] =	ssyncset.done $0x0  }
0x165: {  	[sflag:s15] =	ssyncadd.s32 $0xFFFFC180  }
0x166: {  	[spmem:s3] =	stream.indirect.scatter.add.f32 [tilespmem:s12], [sflag:$0x3], $0x80, s19, s9, $0xb8;
	[tilespmem:$0x1D000] =	vst v63  }
0x167: {  	_ =	swait.ge [sflag:s6], $0x3E80  }
0x168: {  	[sflag:s6] =	ssyncset.done $0x0  }
0x169: {  	[sflag:s6] =	ssyncadd.s32 $0xFFFFC180  }
0x16a: {  	[tilespmem:s12], [sflag:$0x2] =	stream.indirect.gather [hbm4b:s2+s9], $0x80, s20, s9, $0xb8;
	[tilespmem:$0x1D000] =	vst v63  }
0x16b: {  	_ =	swait.ge [sflag:s13], $0x3E80  }
0x16c: {  	[sflag:s13] =	ssyncset.done $0x0  }
0x16d: {  	[sflag:s13] =	ssyncadd.s32 $0xFFFFC180  }
0x16e: {  	[spmem:s3] =	stream.indirect.scatter.add.f32 [tilespmem:s10], [sflag:$0x3], $0x80, s21, s9, $0xb8;
	[tilespmem:$0x1D000] =	vst v63  }
0x16f: {  	_ =	swait.ge [sflag:s6], $0x3E80  }
0x170: {  	[sflag:s6] =	ssyncset.done $0x0  }
0x171: {  	[sflag:s6] =	ssyncadd.s32 $0xFFFFC180  }
0x172: {  	[tilespmem:s10], [sflag:$0x1] =	stream.indirect.gather [hbm4b:s2+s9], $0x80, s22, s9, $0xb8;
	[tilespmem:$0x1D000] =	vst v63  }
0x173: {  	_ =	swait.ge [sflag:s15], $0x3E80  }
0x174: {  	[sflag:s15] =	ssyncset.done $0x0  }
0x175: {  	[sflag:s15] =	ssyncadd.s32 $0xFFFFC180  }
0x176: {  	[spmem:s3] =	stream.indirect.scatter.add.f32 [tilespmem:s12], [sflag:$0x3], $0x80, s24, s9, $0xb8;
	[tilespmem:$0x1D000] =	vst v63  }
0x177: {  	_ =	swait.ge [sflag:s6], $0x3E80  }
0x178: {  	[sflag:s6] =	ssyncset.done $0x0  }
0x179: {  	[sflag:s6] =	ssyncadd.s32 $0xFFFFC180  }
0x17a: {  	[tilespmem:s12], [sflag:$0x2] =	stream.indirect.gather [hbm4b:s2+s9], $0x80, s25, s9, $0xb8;
	[tilespmem:$0x1D000] =	vst v63  }
0x17b: {  	_ =	swait.ge [sflag:s13], $0x3E80  }
0x17c: {  	[sflag:s13] =	ssyncset.done $0x0  }
0x17d: {  	[sflag:s13] =	ssyncadd.s32 $0xFFFFC180  }
0x17e: {  	[spmem:s3] =	stream.indirect.scatter.add.f32 [tilespmem:s10], [sflag:$0x3], $0x80, s26, s9, $0xb8;
	[tilespmem:$0x1D000] =	vst v63  }
0x17f: {  	_ =	swait.ge [sflag:s6], $0x3E80  }
0x180: {  	[sflag:s6] =	ssyncset.done $0x0  }
0x181: {  	[sflag:s6] =	ssyncadd.s32 $0xFFFFC180  }
0x182: {  	[tilespmem:s10], [sflag:$0x1] =	stream.indirect.gather [hbm4b:s2+s9], $0x80, s28, s9, $0xb8;
	[tilespmem:$0x1D000] =	vst v63  }
0x183: {  	_ =	swait.ge [sflag:s15], $0x3E80  }
0x184: {  	[sflag:s15] =	ssyncset.done $0x0  }
0x185: {  	[sflag:s15] =	ssyncadd.s32 $0xFFFFC180  }
0x186: {  	[spmem:s3] =	stream.indirect.scatter.add.f32 [tilespmem:s12], [sflag:$0x3], $0x80, s29, s9, $0xb8;
	[tilespmem:$0x1D000] =	vst v63  }
0x187: {  	_ =	swait.ge [sflag:s6], $0x3E80  }
0x188: {  	[sflag:s6] =	ssyncset.done $0x0  }
0x189: {  	[sflag:s6] =	ssyncadd.s32 $0xFFFFC180  }
0x18a: {  	[tilespmem:s12], [sflag:$0x2] =	stream.indirect.gather [hbm4b:s2+s9], $0x80, s30, s9, $0xb8;
	[tilespmem:$0x1D000] =	vst v63  }
0x18b: {  	_ =	swait.ge [sflag:s13], $0x3E80  }
0x18c: {  	[sflag:s13] =	ssyncset.done $0x0  }
0x18d: {  	[sflag:s13] =	ssyncadd.s32 $0xFFFFC180  }
0x18e: {  	[spmem:s3] =	stream.indirect.scatter.add.f32 [tilespmem:s10], [sflag:$0x3], $0x80, s31, s9, $0xb8;
	[tilespmem:$0x1D000] =	vst v63  }
0x18f: {  	_ =	swait.ge [sflag:s6], $0x3E80  }
0x190: {  	[sflag:s6] =	ssyncset.done $0x0  }
0x191: {  	s23 =	simm.s32 $0x600;
	[sflag:s6] =	ssyncadd.s32 $0xFFFFC180  }
0x192: {  	[tilespmem:s10], [sflag:$0x1] =	stream.indirect.gather [hbm4b:s2+s9], $0x80, s23, s9, $0xb8;
	[tilespmem:$0x1D000] =	vst v63  }
0x193: {  	_ =	swait.ge [sflag:s15], $0x3E80  }
0x194: {  	[sflag:s15] =	ssyncset.done $0x0  }
0x195: {  	s24 =	simm.s32 $0xD80;
	[sflag:s15] =	ssyncadd.s32 $0xFFFFC180  }
0x196: {  	[spmem:s3] =	stream.indirect.scatter.add.f32 [tilespmem:s12], [sflag:$0x3], $0x80, s24, s9, $0xb8;
	[tilespmem:$0x1D000] =	vst v63  }
0x197: {  	_ =	swait.ge [sflag:s6], $0x3E80  }
0x198: {  	[sflag:s6] =	ssyncset.done $0x0  }
0x199: {  	s25 =	simm.s32 $0x680;
	[sflag:s6] =	ssyncadd.s32 $0xFFFFC180  }
0x19a: {  	[tilespmem:s12], [sflag:$0x2] =	stream.indirect.gather [hbm4b:s2+s9], $0x80, s25, s9, $0xb8;
	[tilespmem:$0x1D000] =	vst v63  }
0x19b: {  	_ =	swait.ge [sflag:s13], $0x3E80  }
0x19c: {  	[sflag:s13] =	ssyncset.done $0x0  }
0x19d: {  	s26 =	simm.s32 $0xE00;
	[sflag:s13] =	ssyncadd.s32 $0xFFFFC180  }
0x19e: {  	[spmem:s3] =	stream.indirect.scatter.add.f32 [tilespmem:s10], [sflag:$0x3], $0x80, s26, s9, $0xb8;
	[tilespmem:$0x1D000] =	vst v63  }
0x19f: {  	_ =	swait.ge [sflag:s6], $0x3E80  }
0x1a0: {  	[sflag:s6] =	ssyncset.done $0x0  }
0x1a1: {  	s28 =	simm.s32 $0x700;
	[sflag:s6] =	ssyncadd.s32 $0xFFFFC180  }
0x1a2: {  	[tilespmem:s10], [sflag:$0x1] =	stream.indirect.gather [hbm4b:s2+s9], $0x80, s28, s9, $0xb8;
	[tilespmem:$0x1D000] =	vst v63  }
0x1a3: {  	_ =	swait.ge [sflag:s15], $0x3E80  }
0x1a4: {  	[sflag:s15] =	ssyncset.done $0x0  }
0x1a5: {  	s29 =	simm.s32 $0xE80;
	[sflag:s15] =	ssyncadd.s32 $0xFFFFC180  }
0x1a6: {  	[spmem:s3] =	stream.indirect.scatter.add.f32 [tilespmem:s12], [sflag:$0x3], $0x80, s29, s9, $0xb8;
	[tilespmem:$0x1D000] =	vst v63  }
0x1a7: {  	_ =	swait.ge [sflag:s6], $0x3E80  }
0x1a8: {  	[sflag:s6] =	ssyncset.done $0x0  }
0x1a9: {  	s30 =	simm.s32 $0x780;
	[sflag:s6] =	ssyncadd.s32 $0xFFFFC180  }
0x1aa: {  	[tilespmem:s12], [sflag:$0x2] =	stream.indirect.gather [hbm4b:s2+s9], $0x80, s30, s9, $0xb8;
	[tilespmem:$0x1D000] =	vst v63  }
0x1ab: {  	_ =	swait.ge [sflag:s13], $0x3E80  }
0x1ac: {  	[sflag:s13] =	ssyncset.done $0x0  }
0x1ad: {  	s31 =	simm.s32 $0xF00;
	[sflag:s13] =	ssyncadd.s32 $0xFFFFC180  }
0x1ae: {  	[spmem:s3] =	stream.indirect.scatter.add.f32 [tilespmem:s10], [sflag:$0x3], $0x80, s31, s9, $0xb8;
	[tilespmem:$0x1D000] =	vst v63  }
0x1af: {  	_ =	swait.ge [sflag:s6], $0x3E80  }
0x1b0: {  	[sflag:s6] =	ssyncset.done $0x0  }
0x1b1: {  	[sflag:s6] =	ssyncadd.s32 $0xFFFFC180  }
0x1b2: {  	_ =	swait.ge [sflag:s15], $0x3E80  }
0x1b3: {  	[sflag:s15] =	ssyncset.done $0x0  }
0x1b4: {  	s1 =	simm.s32 $0xF80;
	[sflag:s15] =	ssyncadd.s32 $0xFFFFC180  }
0x1b5: {  	[spmem:s3] =	stream.indirect.scatter.add.f32 [tilespmem:s12], [sflag:$0x3], $0x80, s1, s9, $0xb8;
	[tilespmem:$0x1D000] =	vst v63  }
0x1b6: {  	_ =	swait.ge [sflag:s6], $0x3E80  }
0x1b7: {  	[sflag:s6] =	ssyncset.done $0x0  }
0x1b8: {  	s4 =	rddreg [dreg:$0xb];
	[sflag:s6] =	ssyncadd.s32 $0xFFFFC180  }
0x1b9: {  	[tilespmem:s16], [sflag:$0x3] =	stream.linear.gather [hbm4b:s4+s16], $0x800, $0x38;
	[tilespmem:$0x1D000] =	vst v63  }
0x1ba: {  	_ =	swait.ge [sflag:s6], $0x800  }
0x1bb: {  	[sflag:s6] =	ssyncset.done $0x0  }
0x1bc: {  	s7 =	simm.s32 $0x800;
	s5 =	rddreg [dreg:$0xc];
	[sflag:s6] =	ssyncadd.s32 $0xFFFFF800  }
0x1bd: {  	[tilespmem:s7], [sflag:$0x3] =	stream.linear.gather [hbm4b:s5+s16], $0x800, $0x38;
	[tilespmem:$0x1D000] =	vst v63  }
0x1be: {  	_ =	swait.ge [sflag:s6], $0x800  }
0x1bf: {  	[sflag:s6] =	ssyncset.done $0x0  }
0x1c0: {  	[sflag:s6] =	ssyncadd.s32 $0xFFFFF800  }
0x1c1: {  	[tilespmem:s10], [sflag:$0x1] =	stream.indirect.gather [hbm4b:s2+s9], $0x80, s16, s9, $0xb8;
	[tilespmem:$0x1D000] =	vst v63  }
0x1c2: {  	s8 =	simm.s32 $0x80  }
0x1c3: {  	[tilespmem:s12], [sflag:$0x2] =	stream.indirect.gather [hbm4b:s2+s9], $0x80, s8, s9, $0xb8;
	[tilespmem:$0x1D000] =	vst v63  }
0x1c4: {  	_ =	swait.ge [sflag:s13], $0x3E80  }
0x1c5: {  	[sflag:s13] =	ssyncset.done $0x0  }
0x1c6: {  	[sflag:s13] =	ssyncadd.s32 $0xFFFFC180  }
0x1c7: {  	[spmem:s3] =	stream.indirect.scatter.add.f32 [tilespmem:s10], [sflag:$0x3], $0x80, s7, s9, $0xb8;
	[tilespmem:$0x1D000] =	vst v63  }
0x1c8: {  	_ =	swait.ge [sflag:s6], $0x3E80  }
0x1c9: {  	[sflag:s6] =	ssyncset.done $0x0  }
0x1ca: {  	s1 =	simm.s32 $0x100;
	[sflag:s6] =	ssyncadd.s32 $0xFFFFC180  }
0x1cb: {  	[tilespmem:s10], [sflag:$0x1] =	stream.indirect.gather [hbm4b:s2+s9], $0x80, s1, s9, $0xb8;
	[tilespmem:$0x1D000] =	vst v63  }
0x1cc: {  	_ =	swait.ge [sflag:s15], $0x3E80  }
0x1cd: {  	[sflag:s15] =	ssyncset.done $0x0  }
0x1ce: {  	s11 =	simm.s32 $0x880;
	[sflag:s15] =	ssyncadd.s32 $0xFFFFC180  }
0x1cf: {  	[spmem:s3] =	stream.indirect.scatter.add.f32 [tilespmem:s12], [sflag:$0x3], $0x80, s11, s9, $0xb8;
	[tilespmem:$0x1D000] =	vst v63  }
0x1d0: {  	_ =	swait.ge [sflag:s6], $0x3E80  }
0x1d1: {  	[sflag:s6] =	ssyncset.done $0x0  }
0x1d2: {  	s4 =	simm.s32 $0x180;
	[sflag:s6] =	ssyncadd.s32 $0xFFFFC180  }
0x1d3: {  	[tilespmem:s12], [sflag:$0x2] =	stream.indirect.gather [hbm4b:s2+s9], $0x80, s4, s9, $0xb8;
	[tilespmem:$0x1D000] =	vst v63  }
0x1d4: {  	_ =	swait.ge [sflag:s13], $0x3E80  }
0x1d5: {  	[sflag:s13] =	ssyncset.done $0x0  }
0x1d6: {  	s14 =	simm.s32 $0x900;
	[sflag:s13] =	ssyncadd.s32 $0xFFFFC180  }
0x1d7: {  	[spmem:s3] =	stream.indirect.scatter.add.f32 [tilespmem:s10], [sflag:$0x3], $0x80, s14, s9, $0xb8;
	[tilespmem:$0x1D000] =	vst v63  }
0x1d8: {  	_ =	swait.ge [sflag:s6], $0x3E80  }
0x1d9: {  	[sflag:s6] =	ssyncset.done $0x0  }
0x1da: {  	s5 =	simm.s32 $0x200;
	[sflag:s6] =	ssyncadd.s32 $0xFFFFC180  }
0x1db: {  	[tilespmem:s10], [sflag:$0x1] =	stream.indirect.gather [hbm4b:s2+s9], $0x80, s5, s9, $0xb8;
	[tilespmem:$0x1D000] =	vst v63  }
0x1dc: {  	_ =	swait.ge [sflag:s15], $0x3E80  }
0x1dd: {  	[sflag:s15] =	ssyncset.done $0x0  }
0x1de: {  	s18 =	simm.s32 $0x980;
	[sflag:s15] =	ssyncadd.s32 $0xFFFFC180  }
0x1df: {  	[spmem:s3] =	stream.indirect.scatter.add.f32 [tilespmem:s12], [sflag:$0x3], $0x80, s18, s9, $0xb8;
	[tilespmem:$0x1D000] =	vst v63  }
0x1e0: {  	_ =	swait.ge [sflag:s6], $0x3E80  }
0x1e1: {  	[sflag:s6] =	ssyncset.done $0x0  }
0x1e2: {  	s7 =	simm.s32 $0x280;
	[sflag:s6] =	ssyncadd.s32 $0xFFFFC180  }
0x1e3: {  	[tilespmem:s12], [sflag:$0x2] =	stream.indirect.gather [hbm4b:s2+s9], $0x80, s7, s9, $0xb8;
	[tilespmem:$0x1D000] =	vst v63  }
0x1e4: {  	_ =	swait.ge [sflag:s13], $0x3E80  }
0x1e5: {  	[sflag:s13] =	ssyncset.done $0x0  }
0x1e6: {  	s20 =	simm.s32 $0xA00;
	[sflag:s13] =	ssyncadd.s32 $0xFFFFC180  }
0x1e7: {  	[spmem:s3] =	stream.indirect.scatter.add.f32 [tilespmem:s10], [sflag:$0x3], $0x80, s20, s9, $0xb8;
	[tilespmem:$0x1D000] =	vst v63  }
0x1e8: {  	_ =	swait.ge [sflag:s6], $0x3E80  }
0x1e9: {  	[sflag:s6] =	ssyncset.done $0x0  }
0x1ea: {  	s8 =	simm.s32 $0x300;
	[sflag:s6] =	ssyncadd.s32 $0xFFFFC180  }
0x1eb: {  	[tilespmem:s10], [sflag:$0x1] =	stream.indirect.gather [hbm4b:s2+s9], $0x80, s8, s9, $0xb8;
	[tilespmem:$0x1D000] =	vst v63  }
0x1ec: {  	_ =	swait.ge [sflag:s15], $0x3E80  }
0x1ed: {  	[sflag:s15] =	ssyncset.done $0x0  }
0x1ee: {  	s22 =	simm.s32 $0xA80;
	[sflag:s15] =	ssyncadd.s32 $0xFFFFC180  }
0x1ef: {  	[spmem:s3] =	stream.indirect.scatter.add.f32 [tilespmem:s12], [sflag:$0x3], $0x80, s22, s9, $0xb8;
	[tilespmem:$0x1D000] =	vst v63  }
0x1f0: {  	_ =	swait.ge [sflag:s6], $0x3E80  }
0x1f1: {  	[sflag:s6] =	ssyncset.done $0x0  }
0x1f2: {  	s11 =	simm.s32 $0x380;
	[sflag:s6] =	ssyncadd.s32 $0xFFFFC180  }
0x1f3: {  	[tilespmem:s12], [sflag:$0x2] =	stream.indirect.gather [hbm4b:s2+s9], $0x80, s11, s9, $0xb8;
	[tilespmem:$0x1D000] =	vst v63  }
0x1f4: {  	_ =	swait.ge [sflag:s13], $0x3E80  }
0x1f5: {  	[sflag:s13] =	ssyncset.done $0x0  }
0x1f6: {  	s23 =	simm.s32 $0xB00;
	[sflag:s13] =	ssyncadd.s32 $0xFFFFC180  }
0x1f7: {  	[spmem:s3] =	stream.indirect.scatter.add.f32 [tilespmem:s10], [sflag:$0x3], $0x80, s23, s9, $0xb8;
	[tilespmem:$0x1D000] =	vst v63  }
0x1f8: {  	_ =	swait.ge [sflag:s6], $0x3E80  }
0x1f9: {  	[sflag:s6] =	ssyncset.done $0x0  }
0x1fa: {  	s14 =	simm.s32 $0x400;
	[sflag:s6] =	ssyncadd.s32 $0xFFFFC180  }
0x1fb: {  	[tilespmem:s10], [sflag:$0x1] =	stream.indirect.gather [hbm4b:s2+s9], $0x80, s14, s9, $0xb8;
	[tilespmem:$0x1D000] =	vst v63  }
0x1fc: {  	_ =	swait.ge [sflag:s15], $0x3E80  }
0x1fd: {  	[sflag:s15] =	ssyncset.done $0x0  }
0x1fe: {  	s25 =	simm.s32 $0xB80;
	[sflag:s15] =	ssyncadd.s32 $0xFFFFC180  }
0x1ff: {  	[spmem:s3] =	stream.indirect.scatter.add.f32 [tilespmem:s12], [sflag:$0x3], $0x80, s25, s9, $0xb8;
	[tilespmem:$0x1D000] =	vst v63  }
0x200: {  	_ =	swait.ge [sflag:s6], $0x3E80  }
0x201: {  	[sflag:s6] =	ssyncset.done $0x0  }
0x202: {  	s26 =	simm.s32 $0x480;
	[sflag:s6] =	ssyncadd.s32 $0xFFFFC180  }
0x203: {  	[tilespmem:s12], [sflag:$0x2] =	stream.indirect.gather [hbm4b:s2+s9], $0x80, s26, s9, $0xb8;
	[tilespmem:$0x1D000] =	vst v63  }
0x204: {  	_ =	swait.ge [sflag:s13], $0x3E80  }
0x205: {  	[sflag:s13] =	ssyncset.done $0x0  }
0x206: {  	s28 =	simm.s32 $0xC00;
	[sflag:s13] =	ssyncadd.s32 $0xFFFFC180  }
0x207: {  	[spmem:s3] =	stream.indirect.scatter.add.f32 [tilespmem:s10], [sflag:$0x3], $0x80, s28, s9, $0xb8;
	[tilespmem:$0x1D000] =	vst v63  }
0x208: {  	_ =	swait.ge [sflag:s6], $0x3E80  }
0x209: {  	[sflag:s6] =	ssyncset.done $0x0  }
0x20a: {  	s29 =	simm.s32 $0x500;
	[sflag:s6] =	ssyncadd.s32 $0xFFFFC180  }
0x20b: {  	[tilespmem:s10], [sflag:$0x1] =	stream.indirect.gather [hbm4b:s2+s9], $0x80, s29, s9, $0xb8;
	[tilespmem:$0x1D000] =	vst v63  }
0x20c: {  	_ =	swait.ge [sflag:s15], $0x3E80  }
0x20d: {  	[sflag:s15] =	ssyncset.done $0x0  }
0x20e: {  	s30 =	simm.s32 $0xC80;
	[sflag:s15] =	ssyncadd.s32 $0xFFFFC180  }
0x20f: {  	[spmem:s3] =	stream.indirect.scatter.add.f32 [tilespmem:s12], [sflag:$0x3], $0x80, s30, s9, $0xb8;
	[tilespmem:$0x1D000] =	vst v63  }
0x210: {  	_ =	swait.ge [sflag:s6], $0x3E80  }
0x211: {  	[sflag:s6] =	ssyncset.done $0x0  }
0x212: {  	s31 =	simm.s32 $0x580;
	[sflag:s6] =	ssyncadd.s32 $0xFFFFC180  }
0x213: {  	[tilespmem:s12], [sflag:$0x2] =	stream.indirect.gather [hbm4b:s2+s9], $0x80, s31, s9, $0xb8;
	[tilespmem:$0x1D000] =	vst v63  }
0x214: {  	_ =	swait.ge [sflag:s13], $0x3E80  }
0x215: {  	[sflag:s13] =	ssyncset.done $0x0  }
0x216: {  	s23 =	simm.s32 $0xD00;
	[sflag:s13] =	ssyncadd.s32 $0xFFFFC180  }
0x217: {  	[spmem:s3] =	stream.indirect.scatter.add.f32 [tilespmem:s10], [sflag:$0x3], $0x80, s23, s9, $0xb8;
	[tilespmem:$0x1D000] =	vst v63  }
0x218: {  	_ =	swait.ge [sflag:s6], $0x3E80  }
0x219: {  	[sflag:s6] =	ssyncset.done $0x0  }
0x21a: {  	s23 =	simm.s32 $0x600;
	[sflag:s6] =	ssyncadd.s32 $0xFFFFC180  }
0x21b: {  	[tilespmem:s10], [sflag:$0x1] =	stream.indirect.gather [hbm4b:s2+s9], $0x80, s23, s9, $0xb8;
	[tilespmem:$0x1D000] =	vst v63  }
0x21c: {  	_ =	swait.ge [sflag:s15], $0x3E80  }
0x21d: {  	[sflag:s15] =	ssyncset.done $0x0  }
0x21e: {  	s23 =	simm.s32 $0xD80;
	[sflag:s15] =	ssyncadd.s32 $0xFFFFC180  }
0x21f: {  	[spmem:s3] =	stream.indirect.scatter.add.f32 [tilespmem:s12], [sflag:$0x3], $0x80, s23, s9, $0xb8;
	[tilespmem:$0x1D000] =	vst v63  }
0x220: {  	_ =	swait.ge [sflag:s6], $0x3E80  }
0x221: {  	[sflag:s6] =	ssyncset.done $0x0  }
0x222: {  	s23 =	simm.s32 $0x680;
	[sflag:s6] =	ssyncadd.s32 $0xFFFFC180  }
0x223: {  	[tilespmem:s12], [sflag:$0x2] =	stream.indirect.gather [hbm4b:s2+s9], $0x80, s23, s9, $0xb8;
	[tilespmem:$0x1D000] =	vst v63  }
0x224: {  	_ =	swait.ge [sflag:s13], $0x3E80  }
0x225: {  	[sflag:s13] =	ssyncset.done $0x0  }
0x226: {  	s23 =	simm.s32 $0xE00;
	[sflag:s13] =	ssyncadd.s32 $0xFFFFC180  }
0x227: {  	[spmem:s3] =	stream.indirect.scatter.add.f32 [tilespmem:s10], [sflag:$0x3], $0x80, s23, s9, $0xb8;
	[tilespmem:$0x1D000] =	vst v63  }
0x228: {  	_ =	swait.ge [sflag:s6], $0x3E80  }
0x229: {  	[sflag:s6] =	ssyncset.done $0x0  }
0x22a: {  	s23 =	simm.s32 $0x700;
	[sflag:s6] =	ssyncadd.s32 $0xFFFFC180  }
0x22b: {  	[tilespmem:s10], [sflag:$0x1] =	stream.indirect.gather [hbm4b:s2+s9], $0x80, s23, s9, $0xb8;
	[tilespmem:$0x1D000] =	vst v63  }
0x22c: {  	_ =	swait.ge [sflag:s15], $0x3E80  }
0x22d: {  	[sflag:s15] =	ssyncset.done $0x0  }
0x22e: {  	s23 =	simm.s32 $0xE80;
	[sflag:s15] =	ssyncadd.s32 $0xFFFFC180  }
0x22f: {  	[spmem:s3] =	stream.indirect.scatter.add.f32 [tilespmem:s12], [sflag:$0x3], $0x80, s23, s9, $0xb8;
	[tilespmem:$0x1D000] =	vst v63  }
0x230: {  	_ =	swait.ge [sflag:s6], $0x3E80  }
0x231: {  	[sflag:s6] =	ssyncset.done $0x0  }
0x232: {  	s23 =	simm.s32 $0x780;
	[sflag:s6] =	ssyncadd.s32 $0xFFFFC180  }
0x233: {  	[tilespmem:s12], [sflag:$0x2] =	stream.indirect.gather [hbm4b:s2+s9], $0x80, s23, s9, $0xb8;
	[tilespmem:$0x1D000] =	vst v63  }
0x234: {  	_ =	swait.ge [sflag:s13], $0x3E80  }
0x235: {  	[sflag:s13] =	ssyncset.done $0x0  }
0x236: {  	s23 =	simm.s32 $0xF00;
	[sflag:s13] =	ssyncadd.s32 $0xFFFFC180  }
0x237: {  	[spmem:s3] =	stream.indirect.scatter.add.f32 [tilespmem:s10], [sflag:$0x3], $0x80, s23, s9, $0xb8;
	[tilespmem:$0x1D000] =	vst v63  }
0x238: {  	_ =	swait.ge [sflag:s6], $0x3E80  }
0x239: {  	[sflag:s6] =	ssyncset.done $0x0  }
0x23a: {  	[sflag:s6] =	ssyncadd.s32 $0xFFFFC180  }
0x23b: {  	_ =	swait.ge [sflag:s15], $0x3E80  }
0x23c: {  	[sflag:s15] =	ssyncset.done $0x0  }
0x23d: {  	s23 =	simm.s32 $0xF80;
	[sflag:s15] =	ssyncadd.s32 $0xFFFFC180  }
0x23e: {  	[spmem:s3] =	stream.indirect.scatter.add.f32 [tilespmem:s12], [sflag:$0x3], $0x80, s23, s9, $0xb8;
	[tilespmem:$0x1D000] =	vst v63  }
0x23f: {  	_ =	swait.ge [sflag:s6], $0x3E80  }
0x240: {  	[sflag:s6] =	ssyncset.done $0x0  }
0x241: {  	s23 =	rddreg [dreg:$0xd];
	[sflag:s6] =	ssyncadd.s32 $0xFFFFC180  }
0x242: {  	[tilespmem:s16], [sflag:$0x3] =	stream.linear.gather [hbm4b:s23+s16], $0x800, $0x38;
	[tilespmem:$0x1D000] =	vst v63  }
0x243: {  	_ =	swait.ge [sflag:s6], $0x800  }
0x244: {  	[sflag:s6] =	ssyncset.done $0x0  }
0x245: {  	s0 =	simm.s32 $0x800;
	s23 =	rddreg [dreg:$0xe];
	[sflag:s6] =	ssyncadd.s32 $0xFFFFF800  }
0x246: {  	[tilespmem:s0], [sflag:$0x3] =	stream.linear.gather [hbm4b:s23+s16], $0x800, $0x38;
	[tilespmem:$0x1D000] =	vst v63  }
0x247: {  	_ =	swait.ge [sflag:s6], $0x800  }
0x248: {  	[sflag:s6] =	ssyncset.done $0x0  }
0x249: {  	[sflag:s6] =	ssyncadd.s32 $0xFFFFF800  }
0x24a: {  	[tilespmem:s10], [sflag:$0x1] =	stream.indirect.gather [hbm4b:s2+s9], $0x80, s16, s9, $0xb8;
	[tilespmem:$0x1D000] =	vst v63  }
0x24b: {  	s17 =	simm.s32 $0x80  }
0x24c: {  	[tilespmem:s12], [sflag:$0x2] =	stream.indirect.gather [hbm4b:s2+s9], $0x80, s17, s9, $0xb8;
	[tilespmem:$0x1D000] =	vst v63  }
0x24d: {  	_ =	swait.ge [sflag:s13], $0x3E80  }
0x24e: {  	[sflag:s13] =	ssyncset.done $0x0  }
0x24f: {  	[sflag:s13] =	ssyncadd.s32 $0xFFFFC180  }
0x250: {  	[spmem:s3] =	stream.indirect.scatter.add.f32 [tilespmem:s10], [sflag:$0x3], $0x80, s0, s9, $0xb8;
	[tilespmem:$0x1D000] =	vst v63  }
0x251: {  	_ =	swait.ge [sflag:s6], $0x3E80  }
0x252: {  	[sflag:s6] =	ssyncset.done $0x0  }
0x253: {  	[sflag:s6] =	ssyncadd.s32 $0xFFFFC180  }
0x254: {  	[tilespmem:s10], [sflag:$0x1] =	stream.indirect.gather [hbm4b:s2+s9], $0x80, s1, s9, $0xb8;
	[tilespmem:$0x1D000] =	vst v63  }
0x255: {  	_ =	swait.ge [sflag:s15], $0x3E80  }
0x256: {  	[sflag:s15] =	ssyncset.done $0x0  }
0x257: {  	s21 =	simm.s32 $0x880;
	[sflag:s15] =	ssyncadd.s32 $0xFFFFC180  }
0x258: {  	[spmem:s3] =	stream.indirect.scatter.add.f32 [tilespmem:s12], [sflag:$0x3], $0x80, s21, s9, $0xb8;
	[tilespmem:$0x1D000] =	vst v63  }
0x259: {  	_ =	swait.ge [sflag:s6], $0x3E80  }
0x25a: {  	[sflag:s6] =	ssyncset.done $0x0  }
0x25b: {  	[sflag:s6] =	ssyncadd.s32 $0xFFFFC180  }
0x25c: {  	[tilespmem:s12], [sflag:$0x2] =	stream.indirect.gather [hbm4b:s2+s9], $0x80, s4, s9, $0xb8;
	[tilespmem:$0x1D000] =	vst v63  }
0x25d: {  	_ =	swait.ge [sflag:s13], $0x3E80  }
0x25e: {  	[sflag:s13] =	ssyncset.done $0x0  }
0x25f: {  	s19 =	simm.s32 $0x900;
	[sflag:s13] =	ssyncadd.s32 $0xFFFFC180  }
0x260: {  	[spmem:s3] =	stream.indirect.scatter.add.f32 [tilespmem:s10], [sflag:$0x3], $0x80, s19, s9, $0xb8;
	[tilespmem:$0x1D000] =	vst v63  }
0x261: {  	_ =	swait.ge [sflag:s6], $0x3E80  }
0x262: {  	[sflag:s6] =	ssyncset.done $0x0  }
0x263: {  	[sflag:s6] =	ssyncadd.s32 $0xFFFFC180  }
0x264: {  	[tilespmem:s10], [sflag:$0x1] =	stream.indirect.gather [hbm4b:s2+s9], $0x80, s5, s9, $0xb8;
	[tilespmem:$0x1D000] =	vst v63  }
0x265: {  	_ =	swait.ge [sflag:s15], $0x3E80  }
0x266: {  	[sflag:s15] =	ssyncset.done $0x0  }
0x267: {  	s24 =	simm.s32 $0x980;
	[sflag:s15] =	ssyncadd.s32 $0xFFFFC180  }
0x268: {  	[spmem:s3] =	stream.indirect.scatter.add.f32 [tilespmem:s12], [sflag:$0x3], $0x80, s24, s9, $0xb8;
	[tilespmem:$0x1D000] =	vst v63  }
0x269: {  	_ =	swait.ge [sflag:s6], $0x3E80  }
0x26a: {  	[sflag:s6] =	ssyncset.done $0x0  }
0x26b: {  	[sflag:s6] =	ssyncadd.s32 $0xFFFFC180  }
0x26c: {  	[tilespmem:s12], [sflag:$0x2] =	stream.indirect.gather [hbm4b:s2+s9], $0x80, s7, s9, $0xb8;
	[tilespmem:$0x1D000] =	vst v63  }
0x26d: {  	_ =	swait.ge [sflag:s13], $0x3E80  }
0x26e: {  	[sflag:s13] =	ssyncset.done $0x0  }
0x26f: {  	s18 =	simm.s32 $0xA00;
	[sflag:s13] =	ssyncadd.s32 $0xFFFFC180  }
0x270: {  	[spmem:s3] =	stream.indirect.scatter.add.f32 [tilespmem:s10], [sflag:$0x3], $0x80, s18, s9, $0xb8;
	[tilespmem:$0x1D000] =	vst v63  }
0x271: {  	_ =	swait.ge [sflag:s6], $0x3E80  }
0x272: {  	[sflag:s6] =	ssyncset.done $0x0  }
0x273: {  	[sflag:s6] =	ssyncadd.s32 $0xFFFFC180  }
0x274: {  	[tilespmem:s10], [sflag:$0x1] =	stream.indirect.gather [hbm4b:s2+s9], $0x80, s8, s9, $0xb8;
	[tilespmem:$0x1D000] =	vst v63  }
0x275: {  	_ =	swait.ge [sflag:s15], $0x3E80  }
0x276: {  	[sflag:s15] =	ssyncset.done $0x0  }
0x277: {  	s20 =	simm.s32 $0xA80;
	[sflag:s15] =	ssyncadd.s32 $0xFFFFC180  }
0x278: {  	[spmem:s3] =	stream.indirect.scatter.add.f32 [tilespmem:s12], [sflag:$0x3], $0x80, s20, s9, $0xb8;
	[tilespmem:$0x1D000] =	vst v63  }
0x279: {  	_ =	swait.ge [sflag:s6], $0x3E80  }
0x27a: {  	[sflag:s6] =	ssyncset.done $0x0  }
0x27b: {  	[sflag:s6] =	ssyncadd.s32 $0xFFFFC180  }
0x27c: {  	[tilespmem:s12], [sflag:$0x2] =	stream.indirect.gather [hbm4b:s2+s9], $0x80, s11, s9, $0xb8;
	[tilespmem:$0x1D000] =	vst v63  }
0x27d: {  	_ =	swait.ge [sflag:s13], $0x3E80  }
0x27e: {  	[sflag:s13] =	ssyncset.done $0x0  }
0x27f: {  	s22 =	simm.s32 $0xB00;
	[sflag:s13] =	ssyncadd.s32 $0xFFFFC180  }
0x280: {  	[spmem:s3] =	stream.indirect.scatter.add.f32 [tilespmem:s10], [sflag:$0x3], $0x80, s22, s9, $0xb8;
	[tilespmem:$0x1D000] =	vst v63  }
0x281: {  	_ =	swait.ge [sflag:s6], $0x3E80  }
0x282: {  	[sflag:s6] =	ssyncset.done $0x0  }
0x283: {  	[sflag:s6] =	ssyncadd.s32 $0xFFFFC180  }
0x284: {  	[tilespmem:s10], [sflag:$0x1] =	stream.indirect.gather [hbm4b:s2+s9], $0x80, s14, s9, $0xb8;
	[tilespmem:$0x1D000] =	vst v63  }
0x285: {  	_ =	swait.ge [sflag:s15], $0x3E80  }
0x286: {  	[sflag:s15] =	ssyncset.done $0x0  }
0x287: {  	s25 =	simm.s32 $0xB80;
	[sflag:s15] =	ssyncadd.s32 $0xFFFFC180  }
0x288: {  	[spmem:s3] =	stream.indirect.scatter.add.f32 [tilespmem:s12], [sflag:$0x3], $0x80, s25, s9, $0xb8;
	[tilespmem:$0x1D000] =	vst v63  }
0x289: {  	_ =	swait.ge [sflag:s6], $0x3E80  }
0x28a: {  	[sflag:s6] =	ssyncset.done $0x0  }
0x28b: {  	s26 =	simm.s32 $0x480;
	[sflag:s6] =	ssyncadd.s32 $0xFFFFC180  }
0x28c: {  	[tilespmem:s12], [sflag:$0x2] =	stream.indirect.gather [hbm4b:s2+s9], $0x80, s26, s9, $0xb8;
	[tilespmem:$0x1D000] =	vst v63  }
0x28d: {  	_ =	swait.ge [sflag:s13], $0x3E80  }
0x28e: {  	[sflag:s13] =	ssyncset.done $0x0  }
0x28f: {  	s28 =	simm.s32 $0xC00;
	[sflag:s13] =	ssyncadd.s32 $0xFFFFC180  }
0x290: {  	[spmem:s3] =	stream.indirect.scatter.add.f32 [tilespmem:s10], [sflag:$0x3], $0x80, s28, s9, $0xb8;
	[tilespmem:$0x1D000] =	vst v63  }
0x291: {  	_ =	swait.ge [sflag:s6], $0x3E80  }
0x292: {  	[sflag:s6] =	ssyncset.done $0x0  }
0x293: {  	s29 =	simm.s32 $0x500;
	[sflag:s6] =	ssyncadd.s32 $0xFFFFC180  }
0x294: {  	[tilespmem:s10], [sflag:$0x1] =	stream.indirect.gather [hbm4b:s2+s9], $0x80, s29, s9, $0xb8;
	[tilespmem:$0x1D000] =	vst v63  }
0x295: {  	_ =	swait.ge [sflag:s15], $0x3E80  }
0x296: {  	[sflag:s15] =	ssyncset.done $0x0  }
0x297: {  	s30 =	simm.s32 $0xC80;
	[sflag:s15] =	ssyncadd.s32 $0xFFFFC180  }
0x298: {  	[spmem:s3] =	stream.indirect.scatter.add.f32 [tilespmem:s12], [sflag:$0x3], $0x80, s30, s9, $0xb8;
	[tilespmem:$0x1D000] =	vst v63  }
0x299: {  	_ =	swait.ge [sflag:s6], $0x3E80  }
0x29a: {  	[sflag:s6] =	ssyncset.done $0x0  }
0x29b: {  	s31 =	simm.s32 $0x580;
	[sflag:s6] =	ssyncadd.s32 $0xFFFFC180  }
0x29c: {  	[tilespmem:s12], [sflag:$0x2] =	stream.indirect.gather [hbm4b:s2+s9], $0x80, s31, s9, $0xb8;
	[tilespmem:$0x1D000] =	vst v63  }
0x29d: {  	_ =	swait.ge [sflag:s13], $0x3E80  }
0x29e: {  	[sflag:s13] =	ssyncset.done $0x0  }
0x29f: {  	s14 =	simm.s32 $0xD00;
	[sflag:s13] =	ssyncadd.s32 $0xFFFFC180  }
0x2a0: {  	[spmem:s3] =	stream.indirect.scatter.add.f32 [tilespmem:s10], [sflag:$0x3], $0x80, s14, s9, $0xb8;
	[tilespmem:$0x1D000] =	vst v63  }
0x2a1: {  	_ =	swait.ge [sflag:s6], $0x3E80  }
0x2a2: {  	[sflag:s6] =	ssyncset.done $0x0  }
0x2a3: {  	s17 =	simm.s32 $0x600;
	[sflag:s6] =	ssyncadd.s32 $0xFFFFC180  }
0x2a4: {  	[tilespmem:s10], [sflag:$0x1] =	stream.indirect.gather [hbm4b:s2+s9], $0x80, s17, s9, $0xb8;
	[tilespmem:$0x1D000] =	vst v63  }
0x2a5: {  	_ =	swait.ge [sflag:s15], $0x3E80  }
0x2a6: {  	[sflag:s15] =	ssyncset.done $0x0  }
0x2a7: {  	s18 =	simm.s32 $0xD80;
	[sflag:s15] =	ssyncadd.s32 $0xFFFFC180  }
0x2a8: {  	[spmem:s3] =	stream.indirect.scatter.add.f32 [tilespmem:s12], [sflag:$0x3], $0x80, s18, s9, $0xb8;
	[tilespmem:$0x1D000] =	vst v63  }
0x2a9: {  	_ =	swait.ge [sflag:s6], $0x3E80  }
0x2aa: {  	[sflag:s6] =	ssyncset.done $0x0  }
0x2ab: {  	s19 =	simm.s32 $0x680;
	[sflag:s6] =	ssyncadd.s32 $0xFFFFC180  }
0x2ac: {  	[tilespmem:s12], [sflag:$0x2] =	stream.indirect.gather [hbm4b:s2+s9], $0x80, s19, s9, $0xb8;
	[tilespmem:$0x1D000] =	vst v63  }
0x2ad: {  	_ =	swait.ge [sflag:s13], $0x3E80  }
0x2ae: {  	[sflag:s13] =	ssyncset.done $0x0  }
0x2af: {  	s20 =	simm.s32 $0xE00;
	[sflag:s13] =	ssyncadd.s32 $0xFFFFC180  }
0x2b0: {  	[spmem:s3] =	stream.indirect.scatter.add.f32 [tilespmem:s10], [sflag:$0x3], $0x80, s20, s9, $0xb8;
	[tilespmem:$0x1D000] =	vst v63  }
0x2b1: {  	_ =	swait.ge [sflag:s6], $0x3E80  }
0x2b2: {  	[sflag:s6] =	ssyncset.done $0x0  }
0x2b3: {  	s21 =	simm.s32 $0x700;
	[sflag:s6] =	ssyncadd.s32 $0xFFFFC180  }
0x2b4: {  	[tilespmem:s10], [sflag:$0x1] =	stream.indirect.gather [hbm4b:s2+s9], $0x80, s21, s9, $0xb8;
	[tilespmem:$0x1D000] =	vst v63  }
0x2b5: {  	_ =	swait.ge [sflag:s15], $0x3E80  }
0x2b6: {  	[sflag:s15] =	ssyncset.done $0x0  }
0x2b7: {  	s22 =	simm.s32 $0xE80;
	[sflag:s15] =	ssyncadd.s32 $0xFFFFC180  }
0x2b8: {  	[spmem:s3] =	stream.indirect.scatter.add.f32 [tilespmem:s12], [sflag:$0x3], $0x80, s22, s9, $0xb8;
	[tilespmem:$0x1D000] =	vst v63  }
0x2b9: {  	_ =	swait.ge [sflag:s6], $0x3E80  }
0x2ba: {  	[sflag:s6] =	ssyncset.done $0x0  }
0x2bb: {  	s23 =	simm.s32 $0x780;
	[sflag:s6] =	ssyncadd.s32 $0xFFFFC180  }
0x2bc: {  	[tilespmem:s12], [sflag:$0x2] =	stream.indirect.gather [hbm4b:s2+s9], $0x80, s23, s9, $0xb8;
	[tilespmem:$0x1D000] =	vst v63  }
0x2bd: {  	_ =	swait.ge [sflag:s13], $0x3E80  }
0x2be: {  	[sflag:s13] =	ssyncset.done $0x0  }
0x2bf: {  	s24 =	simm.s32 $0xF00;
	[sflag:s13] =	ssyncadd.s32 $0xFFFFC180  }
0x2c0: {  	[spmem:s3] =	stream.indirect.scatter.add.f32 [tilespmem:s10], [sflag:$0x3], $0x80, s24, s9, $0xb8;
	[tilespmem:$0x1D000] =	vst v63  }
0x2c1: {  	_ =	swait.ge [sflag:s6], $0x3E80  }
0x2c2: {  	[sflag:s6] =	ssyncset.done $0x0  }
0x2c3: {  	[sflag:s6] =	ssyncadd.s32 $0xFFFFC180  }
0x2c4: {  	_ =	swait.ge [sflag:s15], $0x3E80  }
0x2c5: {  	[sflag:s15] =	ssyncset.done $0x0  }
0x2c6: {  	s25 =	simm.s32 $0xF80;
	[sflag:s15] =	ssyncadd.s32 $0xFFFFC180  }
0x2c7: {  	[spmem:s3] =	stream.indirect.scatter.add.f32 [tilespmem:s12], [sflag:$0x3], $0x80, s25, s9, $0xb8;
	[tilespmem:$0x1D000] =	vst v63  }
0x2c8: {  	_ =	swait.ge [sflag:s6], $0x3E80  }
0x2c9: {  	[sflag:s6] =	ssyncset.done $0x0  }
0x2ca: {  	[sflag:s6] =	ssyncadd.s32 $0xFFFFC180  }
0x2cb: {  	[bflag:$0x0] =	sbarrier.arrive $0xFFFF  }
0x2cc: {  	s26 =	rddreg [dreg:$0x12]  }
0x2cd: {  	s0 =	ssub.s32 $0x2, s26  }
0x2ce: {  	s29 =	sshrl.u32 s0, $0x1  }
0x2cf: {  	s23 =	ssub.s32 s0, s29  }
0x2d0: {  	s23 =	smax.u32 s23, $0x1  }
0x2d1: {  	p0 =	sne.s32 s23, $0x1  }
.Ltmp0:
0x2d2: {  	s28 =	rddreg [dreg:$0xf];
	(pc) =	sbr.rel @!p0 .LBB2_2-.Ltmp0, $4  }
0x2d3: {  	s30 =	rddreg [dreg:$0x10]  }
0x2d4: {  	s31 =	rddreg [dreg:$0x11]  }
0x2d5: {  	[hbm:s28], [sflag:s30] =	dma.local [spmem:s31], $0x2800  }
0x2d6: {  	_ =	swait.ge [sflag:s6], $0x2800;
	s23 =	sadd.s32 $0xFFFFFFFF, s23  }
.LBB2_1:
0x2d7: {  	s24 =	rddreg [dreg:$0x4]  }
0x2d8: {  	[sflag:s6] =	ssyncset.done $0x0;
	s0 =	rddreg [dreg:$0x10]  }
0x2d9: {  	s1 =	rddreg [dreg:$0x11];
	[sflag:s6] =	ssyncadd.s32 $0xFFFFD800  }
0x2da: {  	[spmem:s1], [sflag:s0] =	dma.local [hbm:s24], $0x2800  }
0x2db: {  	_ =	swait.ge [sflag:s6], $0x2800  }
0x2dc: {  	[sflag:s6] =	ssyncset.done $0x0  }
0x2dd: {  	[sflag:s6] =	ssyncadd.s32 $0xFFFFD800  }
0x2de: {  	[bflag:$0x0] =	sbarrier.arrive $0xFFFF  }
0x2df: {  	s29 =	rddreg [dreg:$0x5]  }
0x2e0: {  	[tilespmem:s16], [sflag:$0x3] =	stream.linear.gather [hbm4b:s29+s16], $0x800, $0x38;
	[tilespmem:$0x1D000] =	vst v63  }
0x2e1: {  	_ =	swait.ge [sflag:s6], $0x800  }
0x2e2: {  	[sflag:s6] =	ssyncset.done $0x0  }
0x2e3: {  	s0 =	simm.s32 $0x800;
	s30 =	rddreg [dreg:$0x6];
	[sflag:s6] =	ssyncadd.s32 $0xFFFFF800  }
0x2e4: {  	[tilespmem:s0], [sflag:$0x3] =	stream.linear.gather [hbm4b:s30+s16], $0x800, $0x38;
	[tilespmem:$0x1D000] =	vst v63  }
0x2e5: {  	_ =	swait.ge [sflag:s6], $0x800  }
0x2e6: {  	[sflag:s6] =	ssyncset.done $0x0  }
0x2e7: {  	[sflag:s6] =	ssyncadd.s32 $0xFFFFF800  }
0x2e8: {  	[tilespmem:s10], [sflag:$0x1] =	stream.indirect.gather [hbm4b:s2+s9], $0x80, s16, s9, $0xb8;
	[tilespmem:$0x1D000] =	vst v63  }
0x2e9: {  	s31 =	simm.s32 $0x80  }
0x2ea: {  	[tilespmem:s12], [sflag:$0x2] =	stream.indirect.gather [hbm4b:s2+s9], $0x80, s31, s9, $0xb8;
	[tilespmem:$0x1D000] =	vst v63  }
0x2eb: {  	_ =	swait.ge [sflag:s13], $0x3E80  }
0x2ec: {  	[sflag:s13] =	ssyncset.done $0x0  }
0x2ed: {  	[sflag:s13] =	ssyncadd.s32 $0xFFFFC180  }
0x2ee: {  	[spmem:s3] =	stream.indirect.scatter.add.f32 [tilespmem:s10], [sflag:$0x3], $0x80, s0, s9, $0xb8;
	[tilespmem:$0x1D000] =	vst v63  }
0x2ef: {  	_ =	swait.ge [sflag:s6], $0x3E80  }
0x2f0: {  	[sflag:s6] =	ssyncset.done $0x0  }
0x2f1: {  	s4 =	simm.s32 $0x100;
	[sflag:s6] =	ssyncadd.s32 $0xFFFFC180  }
0x2f2: {  	[tilespmem:s10], [sflag:$0x1] =	stream.indirect.gather [hbm4b:s2+s9], $0x80, s4, s9, $0xb8;
	[tilespmem:$0x1D000] =	vst v63  }
0x2f3: {  	_ =	swait.ge [sflag:s15], $0x3E80  }
0x2f4: {  	[sflag:s15] =	ssyncset.done $0x0  }
0x2f5: {  	s5 =	simm.s32 $0x880;
	[sflag:s15] =	ssyncadd.s32 $0xFFFFC180  }
0x2f6: {  	[spmem:s3] =	stream.indirect.scatter.add.f32 [tilespmem:s12], [sflag:$0x3], $0x80, s5, s9, $0xb8;
	[tilespmem:$0x1D000] =	vst v63  }
0x2f7: {  	_ =	swait.ge [sflag:s6], $0x3E80  }
0x2f8: {  	[sflag:s6] =	ssyncset.done $0x0  }
0x2f9: {  	s8 =	simm.s32 $0x180;
	[sflag:s6] =	ssyncadd.s32 $0xFFFFC180  }
0x2fa: {  	[tilespmem:s12], [sflag:$0x2] =	stream.indirect.gather [hbm4b:s2+s9], $0x80, s8, s9, $0xb8;
	[tilespmem:$0x1D000] =	vst v63  }
0x2fb: {  	_ =	swait.ge [sflag:s13], $0x3E80  }
0x2fc: {  	[sflag:s13] =	ssyncset.done $0x0  }
0x2fd: {  	s17 =	simm.s32 $0x900;
	[sflag:s13] =	ssyncadd.s32 $0xFFFFC180  }
0x2fe: {  	[spmem:s3] =	stream.indirect.scatter.add.f32 [tilespmem:s10], [sflag:$0x3], $0x80, s17, s9, $0xb8;
	[tilespmem:$0x1D000] =	vst v63  }
0x2ff: {  	_ =	swait.ge [sflag:s6], $0x3E80  }
0x300: {  	[sflag:s6] =	ssyncset.done $0x0  }
0x301: {  	s5 =	simm.s32 $0x200;
	[sflag:s6] =	ssyncadd.s32 $0xFFFFC180  }
0x302: {  	[tilespmem:s10], [sflag:$0x1] =	stream.indirect.gather [hbm4b:s2+s9], $0x80, s5, s9, $0xb8;
	[tilespmem:$0x1D000] =	vst v63  }
0x303: {  	_ =	swait.ge [sflag:s15], $0x3E80  }
0x304: {  	[sflag:s15] =	ssyncset.done $0x0  }
0x305: {  	s18 =	simm.s32 $0x980;
	[sflag:s15] =	ssyncadd.s32 $0xFFFFC180  }
0x306: {  	[spmem:s3] =	stream.indirect.scatter.add.f32 [tilespmem:s12], [sflag:$0x3], $0x80, s18, s9, $0xb8;
	[tilespmem:$0x1D000] =	vst v63  }
0x307: {  	_ =	swait.ge [sflag:s6], $0x3E80  }
0x308: {  	[sflag:s6] =	ssyncset.done $0x0  }
0x309: {  	s19 =	simm.s32 $0x280;
	[sflag:s6] =	ssyncadd.s32 $0xFFFFC180  }
0x30a: {  	[tilespmem:s12], [sflag:$0x2] =	stream.indirect.gather [hbm4b:s2+s9], $0x80, s19, s9, $0xb8;
	[tilespmem:$0x1D000] =	vst v63  }
0x30b: {  	_ =	swait.ge [sflag:s13], $0x3E80  }
0x30c: {  	[sflag:s13] =	ssyncset.done $0x0  }
0x30d: {  	s20 =	simm.s32 $0xA00;
	[sflag:s13] =	ssyncadd.s32 $0xFFFFC180  }
0x30e: {  	[spmem:s3] =	stream.indirect.scatter.add.f32 [tilespmem:s10], [sflag:$0x3], $0x80, s20, s9, $0xb8;
	[tilespmem:$0x1D000] =	vst v63  }
0x30f: {  	_ =	swait.ge [sflag:s6], $0x3E80  }
0x310: {  	[sflag:s6] =	ssyncset.done $0x0  }
0x311: {  	s22 =	simm.s32 $0x300;
	[sflag:s6] =	ssyncadd.s32 $0xFFFFC180  }
0x312: {  	[tilespmem:s10], [sflag:$0x1] =	stream.indirect.gather [hbm4b:s2+s9], $0x80, s22, s9, $0xb8;
	[tilespmem:$0x1D000] =	vst v63  }
0x313: {  	_ =	swait.ge [sflag:s15], $0x3E80  }
0x314: {  	[sflag:s15] =	ssyncset.done $0x0  }
0x315: {  	s24 =	simm.s32 $0xA80;
	[sflag:s15] =	ssyncadd.s32 $0xFFFFC180  }
0x316: {  	[spmem:s3] =	stream.indirect.scatter.add.f32 [tilespmem:s12], [sflag:$0x3], $0x80, s24, s9, $0xb8;
	[tilespmem:$0x1D000] =	vst v63  }
0x317: {  	_ =	swait.ge [sflag:s6], $0x3E80  }
0x318: {  	[sflag:s6] =	ssyncset.done $0x0  }
0x319: {  	s26 =	simm.s32 $0x380;
	[sflag:s6] =	ssyncadd.s32 $0xFFFFC180  }
0x31a: {  	[tilespmem:s12], [sflag:$0x2] =	stream.indirect.gather [hbm4b:s2+s9], $0x80, s26, s9, $0xb8;
	[tilespmem:$0x1D000] =	vst v63  }
0x31b: {  	_ =	swait.ge [sflag:s13], $0x3E80  }
0x31c: {  	[sflag:s13] =	ssyncset.done $0x0  }
0x31d: {  	s28 =	simm.s32 $0xB00;
	[sflag:s13] =	ssyncadd.s32 $0xFFFFC180  }
0x31e: {  	[spmem:s3] =	stream.indirect.scatter.add.f32 [tilespmem:s10], [sflag:$0x3], $0x80, s28, s9, $0xb8;
	[tilespmem:$0x1D000] =	vst v63  }
0x31f: {  	_ =	swait.ge [sflag:s6], $0x3E80  }
0x320: {  	[sflag:s6] =	ssyncset.done $0x0  }
0x321: {  	s29 =	simm.s32 $0x400;
	[sflag:s6] =	ssyncadd.s32 $0xFFFFC180  }
0x322: {  	[tilespmem:s10], [sflag:$0x1] =	stream.indirect.gather [hbm4b:s2+s9], $0x80, s29, s9, $0xb8;
	[tilespmem:$0x1D000] =	vst v63  }
0x323: {  	_ =	swait.ge [sflag:s15], $0x3E80  }
0x324: {  	[sflag:s15] =	ssyncset.done $0x0  }
0x325: {  	s30 =	simm.s32 $0xB80;
	[sflag:s15] =	ssyncadd.s32 $0xFFFFC180  }
0x326: {  	[spmem:s3] =	stream.indirect.scatter.add.f32 [tilespmem:s12], [sflag:$0x3], $0x80, s30, s9, $0xb8;
	[tilespmem:$0x1D000] =	vst v63  }
0x327: {  	_ =	swait.ge [sflag:s6], $0x3E80  }
0x328: {  	[sflag:s6] =	ssyncset.done $0x0  }
0x329: {  	s4 =	simm.s32 $0x480;
	[sflag:s6] =	ssyncadd.s32 $0xFFFFC180  }
0x32a: {  	[tilespmem:s12], [sflag:$0x2] =	stream.indirect.gather [hbm4b:s2+s9], $0x80, s4, s9, $0xb8;
	[tilespmem:$0x1D000] =	vst v63  }
0x32b: {  	_ =	swait.ge [sflag:s13], $0x3E80  }
0x32c: {  	[sflag:s13] =	ssyncset.done $0x0  }
0x32d: {  	s31 =	simm.s32 $0xC00;
	[sflag:s13] =	ssyncadd.s32 $0xFFFFC180  }
0x32e: {  	[spmem:s3] =	stream.indirect.scatter.add.f32 [tilespmem:s10], [sflag:$0x3], $0x80, s31, s9, $0xb8;
	[tilespmem:$0x1D000] =	vst v63  }
0x32f: {  	_ =	swait.ge [sflag:s6], $0x3E80  }
0x330: {  	[sflag:s6] =	ssyncset.done $0x0  }
0x331: {  	s4 =	simm.s32 $0x500;
	[sflag:s6] =	ssyncadd.s32 $0xFFFFC180  }
0x332: {  	[tilespmem:s10], [sflag:$0x1] =	stream.indirect.gather [hbm4b:s2+s9], $0x80, s4, s9, $0xb8;
	[tilespmem:$0x1D000] =	vst v63  }
0x333: {  	_ =	swait.ge [sflag:s15], $0x3E80  }
0x334: {  	[sflag:s15] =	ssyncset.done $0x0  }
0x335: {  	s5 =	simm.s32 $0xC80;
	[sflag:s15] =	ssyncadd.s32 $0xFFFFC180  }
0x336: {  	[spmem:s3] =	stream.indirect.scatter.add.f32 [tilespmem:s12], [sflag:$0x3], $0x80, s5, s9, $0xb8;
	[tilespmem:$0x1D000] =	vst v63  }
0x337: {  	_ =	swait.ge [sflag:s6], $0x3E80  }
0x338: {  	[sflag:s6] =	ssyncset.done $0x0  }
0x339: {  	s8 =	simm.s32 $0x580;
	[sflag:s6] =	ssyncadd.s32 $0xFFFFC180  }
0x33a: {  	[tilespmem:s12], [sflag:$0x2] =	stream.indirect.gather [hbm4b:s2+s9], $0x80, s8, s9, $0xb8;
	[tilespmem:$0x1D000] =	vst v63  }
0x33b: {  	_ =	swait.ge [sflag:s13], $0x3E80  }
0x33c: {  	[sflag:s13] =	ssyncset.done $0x0  }
0x33d: {  	s17 =	simm.s32 $0xD00;
	[sflag:s13] =	ssyncadd.s32 $0xFFFFC180  }
0x33e: {  	[spmem:s3] =	stream.indirect.scatter.add.f32 [tilespmem:s10], [sflag:$0x3], $0x80, s17, s9, $0xb8;
	[tilespmem:$0x1D000] =	vst v63  }
0x33f: {  	_ =	swait.ge [sflag:s6], $0x3E80  }
0x340: {  	[sflag:s6] =	ssyncset.done $0x0  }
0x341: {  	s18 =	simm.s32 $0x600;
	[sflag:s6] =	ssyncadd.s32 $0xFFFFC180  }
0x342: {  	[tilespmem:s10], [sflag:$0x1] =	stream.indirect.gather [hbm4b:s2+s9], $0x80, s18, s9, $0xb8;
	[tilespmem:$0x1D000] =	vst v63  }
0x343: {  	_ =	swait.ge [sflag:s15], $0x3E80  }
0x344: {  	[sflag:s15] =	ssyncset.done $0x0  }
0x345: {  	s19 =	simm.s32 $0xD80;
	[sflag:s15] =	ssyncadd.s32 $0xFFFFC180  }
0x346: {  	[spmem:s3] =	stream.indirect.scatter.add.f32 [tilespmem:s12], [sflag:$0x3], $0x80, s19, s9, $0xb8;
	[tilespmem:$0x1D000] =	vst v63  }
0x347: {  	_ =	swait.ge [sflag:s6], $0x3E80  }
0x348: {  	[sflag:s6] =	ssyncset.done $0x0  }
0x349: {  	s20 =	simm.s32 $0x680;
	[sflag:s6] =	ssyncadd.s32 $0xFFFFC180  }
0x34a: {  	[tilespmem:s12], [sflag:$0x2] =	stream.indirect.gather [hbm4b:s2+s9], $0x80, s20, s9, $0xb8;
	[tilespmem:$0x1D000] =	vst v63  }
0x34b: {  	_ =	swait.ge [sflag:s13], $0x3E80  }
0x34c: {  	[sflag:s13] =	ssyncset.done $0x0  }
0x34d: {  	s22 =	simm.s32 $0xE00;
	[sflag:s13] =	ssyncadd.s32 $0xFFFFC180  }
0x34e: {  	[spmem:s3] =	stream.indirect.scatter.add.f32 [tilespmem:s10], [sflag:$0x3], $0x80, s22, s9, $0xb8;
	[tilespmem:$0x1D000] =	vst v63  }
0x34f: {  	_ =	swait.ge [sflag:s6], $0x3E80  }
0x350: {  	[sflag:s6] =	ssyncset.done $0x0  }
0x351: {  	s26 =	simm.s32 $0x700;
	[sflag:s6] =	ssyncadd.s32 $0xFFFFC180  }
0x352: {  	[tilespmem:s10], [sflag:$0x1] =	stream.indirect.gather [hbm4b:s2+s9], $0x80, s26, s9, $0xb8;
	[tilespmem:$0x1D000] =	vst v63  }
0x353: {  	_ =	swait.ge [sflag:s15], $0x3E80  }
0x354: {  	[sflag:s15] =	ssyncset.done $0x0  }
0x355: {  	s28 =	simm.s32 $0xE80;
	[sflag:s15] =	ssyncadd.s32 $0xFFFFC180  }
0x356: {  	[spmem:s3] =	stream.indirect.scatter.add.f32 [tilespmem:s12], [sflag:$0x3], $0x80, s28, s9, $0xb8;
	[tilespmem:$0x1D000] =	vst v63  }
0x357: {  	_ =	swait.ge [sflag:s6], $0x3E80  }
0x358: {  	[sflag:s6] =	ssyncset.done $0x0  }
0x359: {  	s29 =	simm.s32 $0x780;
	[sflag:s6] =	ssyncadd.s32 $0xFFFFC180  }
0x35a: {  	[tilespmem:s12], [sflag:$0x2] =	stream.indirect.gather [hbm4b:s2+s9], $0x80, s29, s9, $0xb8;
	[tilespmem:$0x1D000] =	vst v63  }
0x35b: {  	_ =	swait.ge [sflag:s13], $0x3E80  }
0x35c: {  	[sflag:s13] =	ssyncset.done $0x0  }
0x35d: {  	s30 =	simm.s32 $0xF00;
	[sflag:s13] =	ssyncadd.s32 $0xFFFFC180  }
0x35e: {  	[spmem:s3] =	stream.indirect.scatter.add.f32 [tilespmem:s10], [sflag:$0x3], $0x80, s30, s9, $0xb8;
	[tilespmem:$0x1D000] =	vst v63  }
0x35f: {  	_ =	swait.ge [sflag:s6], $0x3E80  }
0x360: {  	[sflag:s6] =	ssyncset.done $0x0  }
0x361: {  	[sflag:s6] =	ssyncadd.s32 $0xFFFFC180  }
0x362: {  	_ =	swait.ge [sflag:s15], $0x3E80  }
0x363: {  	[sflag:s15] =	ssyncset.done $0x0  }
0x364: {  	s31 =	simm.s32 $0xF80;
	[sflag:s15] =	ssyncadd.s32 $0xFFFFC180  }
0x365: {  	[spmem:s3] =	stream.indirect.scatter.add.f32 [tilespmem:s12], [sflag:$0x3], $0x80, s31, s9, $0xb8;
	[tilespmem:$0x1D000] =	vst v63  }
0x366: {  	_ =	swait.ge [sflag:s6], $0x3E80  }
0x367: {  	[sflag:s6] =	ssyncset.done $0x0  }
0x368: {  	s4 =	rddreg [dreg:$0x7];
	[sflag:s6] =	ssyncadd.s32 $0xFFFFC180  }
0x369: {  	[tilespmem:s16], [sflag:$0x3] =	stream.linear.gather [hbm4b:s4+s16], $0x800, $0x38;
	[tilespmem:$0x1D000] =	vst v63  }
0x36a: {  	_ =	swait.ge [sflag:s6], $0x800  }
0x36b: {  	[sflag:s6] =	ssyncset.done $0x0  }
0x36c: {  	s22 =	rddreg [dreg:$0x8];
	[sflag:s6] =	ssyncadd.s32 $0xFFFFF800  }
0x36d: {  	[tilespmem:s0], [sflag:$0x3] =	stream.linear.gather [hbm4b:s22+s16], $0x800, $0x38;
	[tilespmem:$0x1D000] =	vst v63  }
0x36e: {  	_ =	swait.ge [sflag:s6], $0x800  }
0x36f: {  	[sflag:s6] =	ssyncset.done $0x0  }
0x370: {  	[sflag:s6] =	ssyncadd.s32 $0xFFFFF800  }
0x371: {  	[tilespmem:s10], [sflag:$0x1] =	stream.indirect.gather [hbm4b:s2+s9], $0x80, s16, s9, $0xb8;
	[tilespmem:$0x1D000] =	vst v63  }
0x372: {  	s7 =	simm.s32 $0x80  }
0x373: {  	[tilespmem:s12], [sflag:$0x2] =	stream.indirect.gather [hbm4b:s2+s9], $0x80, s7, s9, $0xb8;
	[tilespmem:$0x1D000] =	vst v63  }
0x374: {  	_ =	swait.ge [sflag:s13], $0x3E80  }
0x375: {  	[sflag:s13] =	ssyncset.done $0x0  }
0x376: {  	[sflag:s13] =	ssyncadd.s32 $0xFFFFC180  }
0x377: {  	[spmem:s3] =	stream.indirect.scatter.add.f32 [tilespmem:s10], [sflag:$0x3], $0x80, s0, s9, $0xb8;
	[tilespmem:$0x1D000] =	vst v63  }
0x378: {  	_ =	swait.ge [sflag:s6], $0x3E80  }
0x379: {  	[sflag:s6] =	ssyncset.done $0x0  }
0x37a: {  	s11 =	simm.s32 $0x100;
	[sflag:s6] =	ssyncadd.s32 $0xFFFFC180  }
0x37b: {  	[tilespmem:s10], [sflag:$0x1] =	stream.indirect.gather [hbm4b:s2+s9], $0x80, s11, s9, $0xb8;
	[tilespmem:$0x1D000] =	vst v63  }
0x37c: {  	_ =	swait.ge [sflag:s15], $0x3E80  }
0x37d: {  	[sflag:s15] =	ssyncset.done $0x0  }
0x37e: {  	s14 =	simm.s32 $0x880;
	[sflag:s15] =	ssyncadd.s32 $0xFFFFC180  }
0x37f: {  	[spmem:s3] =	stream.indirect.scatter.add.f32 [tilespmem:s12], [sflag:$0x3], $0x80, s14, s9, $0xb8;
	[tilespmem:$0x1D000] =	vst v63  }
0x380: {  	_ =	swait.ge [sflag:s6], $0x3E80  }
0x381: {  	[sflag:s6] =	ssyncset.done $0x0  }
0x382: {  	s21 =	simm.s32 $0x180;
	[sflag:s6] =	ssyncadd.s32 $0xFFFFC180  }
0x383: {  	[tilespmem:s12], [sflag:$0x2] =	stream.indirect.gather [hbm4b:s2+s9], $0x80, s21, s9, $0xb8;
	[tilespmem:$0x1D000] =	vst v63  }
0x384: {  	_ =	swait.ge [sflag:s13], $0x3E80  }
0x385: {  	[sflag:s13] =	ssyncset.done $0x0  }
0x386: {  	s1 =	simm.s32 $0x900;
	[sflag:s13] =	ssyncadd.s32 $0xFFFFC180  }
0x387: {  	[spmem:s3] =	stream.indirect.scatter.add.f32 [tilespmem:s10], [sflag:$0x3], $0x80, s1, s9, $0xb8;
	[tilespmem:$0x1D000] =	vst v63  }
0x388: {  	_ =	swait.ge [sflag:s6], $0x3E80  }
0x389: {  	[sflag:s6] =	ssyncset.done $0x0  }
0x38a: {  	s4 =	simm.s32 $0x200;
	[sflag:s6] =	ssyncadd.s32 $0xFFFFC180  }
0x38b: {  	[tilespmem:s10], [sflag:$0x1] =	stream.indirect.gather [hbm4b:s2+s9], $0x80, s4, s9, $0xb8;
	[tilespmem:$0x1D000] =	vst v63  }
0x38c: {  	_ =	swait.ge [sflag:s15], $0x3E80  }
0x38d: {  	[sflag:s15] =	ssyncset.done $0x0  }
0x38e: {  	s21 =	simm.s32 $0x980;
	[sflag:s15] =	ssyncadd.s32 $0xFFFFC180  }
0x38f: {  	[spmem:s3] =	stream.indirect.scatter.add.f32 [tilespmem:s12], [sflag:$0x3], $0x80, s21, s9, $0xb8;
	[tilespmem:$0x1D000] =	vst v63  }
0x390: {  	_ =	swait.ge [sflag:s6], $0x3E80  }
0x391: {  	[sflag:s6] =	ssyncset.done $0x0  }
0x392: {  	s22 =	simm.s32 $0x280;
	[sflag:s6] =	ssyncadd.s32 $0xFFFFC180  }
0x393: {  	[tilespmem:s12], [sflag:$0x2] =	stream.indirect.gather [hbm4b:s2+s9], $0x80, s22, s9, $0xb8;
	[tilespmem:$0x1D000] =	vst v63  }
0x394: {  	_ =	swait.ge [sflag:s13], $0x3E80  }
0x395: {  	[sflag:s13] =	ssyncset.done $0x0  }
0x396: {  	s25 =	simm.s32 $0xA00;
	[sflag:s13] =	ssyncadd.s32 $0xFFFFC180  }
0x397: {  	[spmem:s3] =	stream.indirect.scatter.add.f32 [tilespmem:s10], [sflag:$0x3], $0x80, s25, s9, $0xb8;
	[tilespmem:$0x1D000] =	vst v63  }
0x398: {  	_ =	swait.ge [sflag:s6], $0x3E80  }
0x399: {  	[sflag:s6] =	ssyncset.done $0x0  }
0x39a: {  	s1 =	simm.s32 $0x300;
	[sflag:s6] =	ssyncadd.s32 $0xFFFFC180  }
0x39b: {  	[tilespmem:s10], [sflag:$0x1] =	stream.indirect.gather [hbm4b:s2+s9], $0x80, s1, s9, $0xb8;
	[tilespmem:$0x1D000] =	vst v63  }
0x39c: {  	_ =	swait.ge [sflag:s15], $0x3E80  }
0x39d: {  	[sflag:s15] =	ssyncset.done $0x0  }
0x39e: {  	s26 =	simm.s32 $0xA80;
	[sflag:s15] =	ssyncadd.s32 $0xFFFFC180  }
0x39f: {  	[spmem:s3] =	stream.indirect.scatter.add.f32 [tilespmem:s12], [sflag:$0x3], $0x80, s26, s9, $0xb8;
	[tilespmem:$0x1D000] =	vst v63  }
0x3a0: {  	_ =	swait.ge [sflag:s6], $0x3E80  }
0x3a1: {  	[sflag:s6] =	ssyncset.done $0x0  }
0x3a2: {  	s28 =	simm.s32 $0x380;
	[sflag:s6] =	ssyncadd.s32 $0xFFFFC180  }
0x3a3: {  	[tilespmem:s12], [sflag:$0x2] =	stream.indirect.gather [hbm4b:s2+s9], $0x80, s28, s9, $0xb8;
	[tilespmem:$0x1D000] =	vst v63  }
0x3a4: {  	_ =	swait.ge [sflag:s13], $0x3E80  }
0x3a5: {  	[sflag:s13] =	ssyncset.done $0x0  }
0x3a6: {  	s29 =	simm.s32 $0xB00;
	[sflag:s13] =	ssyncadd.s32 $0xFFFFC180  }
0x3a7: {  	[spmem:s3] =	stream.indirect.scatter.add.f32 [tilespmem:s10], [sflag:$0x3], $0x80, s29, s9, $0xb8;
	[tilespmem:$0x1D000] =	vst v63  }
0x3a8: {  	_ =	swait.ge [sflag:s6], $0x3E80  }
0x3a9: {  	[sflag:s6] =	ssyncset.done $0x0  }
0x3aa: {  	s30 =	simm.s32 $0x400;
	[sflag:s6] =	ssyncadd.s32 $0xFFFFC180  }
0x3ab: {  	[tilespmem:s10], [sflag:$0x1] =	stream.indirect.gather [hbm4b:s2+s9], $0x80, s30, s9, $0xb8;
	[tilespmem:$0x1D000] =	vst v63  }
0x3ac: {  	_ =	swait.ge [sflag:s15], $0x3E80  }
0x3ad: {  	[sflag:s15] =	ssyncset.done $0x0  }
0x3ae: {  	s31 =	simm.s32 $0xB80;
	[sflag:s15] =	ssyncadd.s32 $0xFFFFC180  }
0x3af: {  	[spmem:s3] =	stream.indirect.scatter.add.f32 [tilespmem:s12], [sflag:$0x3], $0x80, s31, s9, $0xb8;
	[tilespmem:$0x1D000] =	vst v63  }
0x3b0: {  	_ =	swait.ge [sflag:s6], $0x3E80  }
0x3b1: {  	[sflag:s6] =	ssyncset.done $0x0  }
0x3b2: {  	s7 =	simm.s32 $0x480;
	[sflag:s6] =	ssyncadd.s32 $0xFFFFC180  }
0x3b3: {  	[tilespmem:s12], [sflag:$0x2] =	stream.indirect.gather [hbm4b:s2+s9], $0x80, s7, s9, $0xb8;
	[tilespmem:$0x1D000] =	vst v63  }
0x3b4: {  	_ =	swait.ge [sflag:s13], $0x3E80  }
0x3b5: {  	[sflag:s13] =	ssyncset.done $0x0  }
0x3b6: {  	s11 =	simm.s32 $0xC00;
	[sflag:s13] =	ssyncadd.s32 $0xFFFFC180  }
0x3b7: {  	[spmem:s3] =	stream.indirect.scatter.add.f32 [tilespmem:s10], [sflag:$0x3], $0x80, s11, s9, $0xb8;
	[tilespmem:$0x1D000] =	vst v63  }
0x3b8: {  	_ =	swait.ge [sflag:s6], $0x3E80  }
0x3b9: {  	[sflag:s6] =	ssyncset.done $0x0  }
0x3ba: {  	s25 =	simm.s32 $0x500;
	[sflag:s6] =	ssyncadd.s32 $0xFFFFC180  }
0x3bb: {  	[tilespmem:s10], [sflag:$0x1] =	stream.indirect.gather [hbm4b:s2+s9], $0x80, s25, s9, $0xb8;
	[tilespmem:$0x1D000] =	vst v63  }
0x3bc: {  	_ =	swait.ge [sflag:s15], $0x3E80  }
0x3bd: {  	[sflag:s15] =	ssyncset.done $0x0  }
0x3be: {  	s14 =	simm.s32 $0xC80;
	[sflag:s15] =	ssyncadd.s32 $0xFFFFC180  }
0x3bf: {  	[spmem:s3] =	stream.indirect.scatter.add.f32 [tilespmem:s12], [sflag:$0x3], $0x80, s14, s9, $0xb8;
	[tilespmem:$0x1D000] =	vst v63  }
0x3c0: {  	_ =	swait.ge [sflag:s6], $0x3E80  }
0x3c1: {  	[sflag:s6] =	ssyncset.done $0x0  }
0x3c2: {  	s24 =	simm.s32 $0x580;
	[sflag:s6] =	ssyncadd.s32 $0xFFFFC180  }
0x3c3: {  	[tilespmem:s12], [sflag:$0x2] =	stream.indirect.gather [hbm4b:s2+s9], $0x80, s24, s9, $0xb8;
	[tilespmem:$0x1D000] =	vst v63  }
0x3c4: {  	_ =	swait.ge [sflag:s13], $0x3E80  }
0x3c5: {  	[sflag:s13] =	ssyncset.done $0x0  }
0x3c6: {  	s5 =	simm.s32 $0xD00;
	[sflag:s13] =	ssyncadd.s32 $0xFFFFC180  }
0x3c7: {  	[spmem:s3] =	stream.indirect.scatter.add.f32 [tilespmem:s10], [sflag:$0x3], $0x80, s5, s9, $0xb8;
	[tilespmem:$0x1D000] =	vst v63  }
0x3c8: {  	_ =	swait.ge [sflag:s6], $0x3E80  }
0x3c9: {  	[sflag:s6] =	ssyncset.done $0x0  }
0x3ca: {  	s24 =	simm.s32 $0x600;
	[sflag:s6] =	ssyncadd.s32 $0xFFFFC180  }
0x3cb: {  	[tilespmem:s10], [sflag:$0x1] =	stream.indirect.gather [hbm4b:s2+s9], $0x80, s24, s9, $0xb8;
	[tilespmem:$0x1D000] =	vst v63  }
0x3cc: {  	_ =	swait.ge [sflag:s15], $0x3E80  }
0x3cd: {  	[sflag:s15] =	ssyncset.done $0x0  }
0x3ce: {  	s8 =	simm.s32 $0xD80;
	[sflag:s15] =	ssyncadd.s32 $0xFFFFC180  }
0x3cf: {  	[spmem:s3] =	stream.indirect.scatter.add.f32 [tilespmem:s12], [sflag:$0x3], $0x80, s8, s9, $0xb8;
	[tilespmem:$0x1D000] =	vst v63  }
0x3d0: {  	_ =	swait.ge [sflag:s6], $0x3E80  }
0x3d1: {  	[sflag:s6] =	ssyncset.done $0x0  }
0x3d2: {  	s24 =	simm.s32 $0x680;
	[sflag:s6] =	ssyncadd.s32 $0xFFFFC180  }
0x3d3: {  	[tilespmem:s12], [sflag:$0x2] =	stream.indirect.gather [hbm4b:s2+s9], $0x80, s24, s9, $0xb8;
	[tilespmem:$0x1D000] =	vst v63  }
0x3d4: {  	_ =	swait.ge [sflag:s13], $0x3E80  }
0x3d5: {  	[sflag:s13] =	ssyncset.done $0x0  }
0x3d6: {  	s24 =	simm.s32 $0xE00;
	[sflag:s13] =	ssyncadd.s32 $0xFFFFC180  }
0x3d7: {  	[spmem:s3] =	stream.indirect.scatter.add.f32 [tilespmem:s10], [sflag:$0x3], $0x80, s24, s9, $0xb8;
	[tilespmem:$0x1D000] =	vst v63  }
0x3d8: {  	_ =	swait.ge [sflag:s6], $0x3E80  }
0x3d9: {  	[sflag:s6] =	ssyncset.done $0x0  }
0x3da: {  	s24 =	simm.s32 $0x700;
	[sflag:s6] =	ssyncadd.s32 $0xFFFFC180  }
0x3db: {  	[tilespmem:s10], [sflag:$0x1] =	stream.indirect.gather [hbm4b:s2+s9], $0x80, s24, s9, $0xb8;
	[tilespmem:$0x1D000] =	vst v63  }
0x3dc: {  	_ =	swait.ge [sflag:s15], $0x3E80  }
0x3dd: {  	[sflag:s15] =	ssyncset.done $0x0  }
0x3de: {  	s17 =	simm.s32 $0xE80;
	[sflag:s15] =	ssyncadd.s32 $0xFFFFC180  }
0x3df: {  	[spmem:s3] =	stream.indirect.scatter.add.f32 [tilespmem:s12], [sflag:$0x3], $0x80, s17, s9, $0xb8;
	[tilespmem:$0x1D000] =	vst v63  }
0x3e0: {  	_ =	swait.ge [sflag:s6], $0x3E80  }
0x3e1: {  	[sflag:s6] =	ssyncset.done $0x0  }
0x3e2: {  	s18 =	simm.s32 $0x780;
	[sflag:s6] =	ssyncadd.s32 $0xFFFFC180  }
0x3e3: {  	[tilespmem:s12], [sflag:$0x2] =	stream.indirect.gather [hbm4b:s2+s9], $0x80, s18, s9, $0xb8;
	[tilespmem:$0x1D000] =	vst v63  }
0x3e4: {  	_ =	swait.ge [sflag:s13], $0x3E80  }
0x3e5: {  	[sflag:s13] =	ssyncset.done $0x0  }
0x3e6: {  	s19 =	simm.s32 $0xF00;
	[sflag:s13] =	ssyncadd.s32 $0xFFFFC180  }
0x3e7: {  	[spmem:s3] =	stream.indirect.scatter.add.f32 [tilespmem:s10], [sflag:$0x3], $0x80, s19, s9, $0xb8;
	[tilespmem:$0x1D000] =	vst v63  }
0x3e8: {  	_ =	swait.ge [sflag:s6], $0x3E80  }
0x3e9: {  	[sflag:s6] =	ssyncset.done $0x0  }
0x3ea: {  	[sflag:s6] =	ssyncadd.s32 $0xFFFFC180  }
0x3eb: {  	_ =	swait.ge [sflag:s15], $0x3E80  }
0x3ec: {  	[sflag:s15] =	ssyncset.done $0x0  }
0x3ed: {  	s20 =	simm.s32 $0xF80;
	[sflag:s15] =	ssyncadd.s32 $0xFFFFC180  }
0x3ee: {  	[spmem:s3] =	stream.indirect.scatter.add.f32 [tilespmem:s12], [sflag:$0x3], $0x80, s20, s9, $0xb8;
	[tilespmem:$0x1D000] =	vst v63  }
0x3ef: {  	_ =	swait.ge [sflag:s6], $0x3E80  }
0x3f0: {  	[sflag:s6] =	ssyncset.done $0x0  }
0x3f1: {  	s24 =	rddreg [dreg:$0x9];
	[sflag:s6] =	ssyncadd.s32 $0xFFFFC180  }
0x3f2: {  	[tilespmem:s16], [sflag:$0x3] =	stream.linear.gather [hbm4b:s24+s16], $0x800, $0x38;
	[tilespmem:$0x1D000] =	vst v63  }
0x3f3: {  	_ =	swait.ge [sflag:s6], $0x800  }
0x3f4: {  	[sflag:s6] =	ssyncset.done $0x0  }
0x3f5: {  	s24 =	rddreg [dreg:$0xa];
	[sflag:s6] =	ssyncadd.s32 $0xFFFFF800  }
0x3f6: {  	[tilespmem:s0], [sflag:$0x3] =	stream.linear.gather [hbm4b:s24+s16], $0x800, $0x38;
	[tilespmem:$0x1D000] =	vst v63  }
0x3f7: {  	_ =	swait.ge [sflag:s6], $0x800  }
0x3f8: {  	[sflag:s6] =	ssyncset.done $0x0  }
0x3f9: {  	[sflag:s6] =	ssyncadd.s32 $0xFFFFF800  }
0x3fa: {  	[tilespmem:s10], [sflag:$0x1] =	stream.indirect.gather [hbm4b:s2+s9], $0x80, s16, s9, $0xb8;
	[tilespmem:$0x1D000] =	vst v63  }
0x3fb: {  	s24 =	simm.s32 $0x80  }
0x3fc: {  	[tilespmem:s12], [sflag:$0x2] =	stream.indirect.gather [hbm4b:s2+s9], $0x80, s24, s9, $0xb8;
	[tilespmem:$0x1D000] =	vst v63  }
0x3fd: {  	_ =	swait.ge [sflag:s13], $0x3E80  }
0x3fe: {  	[sflag:s13] =	ssyncset.done $0x0  }
0x3ff: {  	[sflag:s13] =	ssyncadd.s32 $0xFFFFC180  }
0x400: {  	[spmem:s3] =	stream.indirect.scatter.add.f32 [tilespmem:s10], [sflag:$0x3], $0x80, s0, s9, $0xb8;
	[tilespmem:$0x1D000] =	vst v63  }
0x401: {  	_ =	swait.ge [sflag:s6], $0x3E80  }
0x402: {  	[sflag:s6] =	ssyncset.done $0x0  }
0x403: {  	s24 =	simm.s32 $0x100;
	[sflag:s6] =	ssyncadd.s32 $0xFFFFC180  }
0x404: {  	[tilespmem:s10], [sflag:$0x1] =	stream.indirect.gather [hbm4b:s2+s9], $0x80, s24, s9, $0xb8;
	[tilespmem:$0x1D000] =	vst v63  }
0x405: {  	_ =	swait.ge [sflag:s15], $0x3E80  }
0x406: {  	[sflag:s15] =	ssyncset.done $0x0  }
0x407: {  	s24 =	simm.s32 $0x880;
	[sflag:s15] =	ssyncadd.s32 $0xFFFFC180  }
0x408: {  	[spmem:s3] =	stream.indirect.scatter.add.f32 [tilespmem:s12], [sflag:$0x3], $0x80, s24, s9, $0xb8;
	[tilespmem:$0x1D000] =	vst v63  }
0x409: {  	_ =	swait.ge [sflag:s6], $0x3E80  }
0x40a: {  	[sflag:s6] =	ssyncset.done $0x0  }
0x40b: {  	s24 =	simm.s32 $0x180;
	[sflag:s6] =	ssyncadd.s32 $0xFFFFC180  }
0x40c: {  	[tilespmem:s12], [sflag:$0x2] =	stream.indirect.gather [hbm4b:s2+s9], $0x80, s24, s9, $0xb8;
	[tilespmem:$0x1D000] =	vst v63  }
0x40d: {  	_ =	swait.ge [sflag:s13], $0x3E80  }
0x40e: {  	[sflag:s13] =	ssyncset.done $0x0  }
0x40f: {  	s24 =	simm.s32 $0x900;
	[sflag:s13] =	ssyncadd.s32 $0xFFFFC180  }
0x410: {  	[spmem:s3] =	stream.indirect.scatter.add.f32 [tilespmem:s10], [sflag:$0x3], $0x80, s24, s9, $0xb8;
	[tilespmem:$0x1D000] =	vst v63  }
0x411: {  	_ =	swait.ge [sflag:s6], $0x3E80  }
0x412: {  	[sflag:s6] =	ssyncset.done $0x0  }
0x413: {  	[sflag:s6] =	ssyncadd.s32 $0xFFFFC180  }
0x414: {  	[tilespmem:s10], [sflag:$0x1] =	stream.indirect.gather [hbm4b:s2+s9], $0x80, s4, s9, $0xb8;
	[tilespmem:$0x1D000] =	vst v63  }
0x415: {  	_ =	swait.ge [sflag:s15], $0x3E80  }
0x416: {  	[sflag:s15] =	ssyncset.done $0x0  }
0x417: {  	[sflag:s15] =	ssyncadd.s32 $0xFFFFC180  }
0x418: {  	[spmem:s3] =	stream.indirect.scatter.add.f32 [tilespmem:s12], [sflag:$0x3], $0x80, s21, s9, $0xb8;
	[tilespmem:$0x1D000] =	vst v63  }
0x419: {  	_ =	swait.ge [sflag:s6], $0x3E80  }
0x41a: {  	[sflag:s6] =	ssyncset.done $0x0  }
0x41b: {  	[sflag:s6] =	ssyncadd.s32 $0xFFFFC180  }
0x41c: {  	[tilespmem:s12], [sflag:$0x2] =	stream.indirect.gather [hbm4b:s2+s9], $0x80, s22, s9, $0xb8;
	[tilespmem:$0x1D000] =	vst v63  }
0x41d: {  	_ =	swait.ge [sflag:s13], $0x3E80  }
0x41e: {  	[sflag:s13] =	ssyncset.done $0x0  }
0x41f: {  	s24 =	simm.s32 $0xA00;
	[sflag:s13] =	ssyncadd.s32 $0xFFFFC180  }
0x420: {  	[spmem:s3] =	stream.indirect.scatter.add.f32 [tilespmem:s10], [sflag:$0x3], $0x80, s24, s9, $0xb8;
	[tilespmem:$0x1D000] =	vst v63  }
0x421: {  	_ =	swait.ge [sflag:s6], $0x3E80  }
0x422: {  	[sflag:s6] =	ssyncset.done $0x0  }
0x423: {  	[sflag:s6] =	ssyncadd.s32 $0xFFFFC180  }
0x424: {  	[tilespmem:s10], [sflag:$0x1] =	stream.indirect.gather [hbm4b:s2+s9], $0x80, s1, s9, $0xb8;
	[tilespmem:$0x1D000] =	vst v63  }
0x425: {  	_ =	swait.ge [sflag:s15], $0x3E80  }
0x426: {  	[sflag:s15] =	ssyncset.done $0x0  }
0x427: {  	[sflag:s15] =	ssyncadd.s32 $0xFFFFC180  }
0x428: {  	[spmem:s3] =	stream.indirect.scatter.add.f32 [tilespmem:s12], [sflag:$0x3], $0x80, s26, s9, $0xb8;
	[tilespmem:$0x1D000] =	vst v63  }
0x429: {  	_ =	swait.ge [sflag:s6], $0x3E80  }
0x42a: {  	[sflag:s6] =	ssyncset.done $0x0  }
0x42b: {  	[sflag:s6] =	ssyncadd.s32 $0xFFFFC180  }
0x42c: {  	[tilespmem:s12], [sflag:$0x2] =	stream.indirect.gather [hbm4b:s2+s9], $0x80, s28, s9, $0xb8;
	[tilespmem:$0x1D000] =	vst v63  }
0x42d: {  	_ =	swait.ge [sflag:s13], $0x3E80  }
0x42e: {  	[sflag:s13] =	ssyncset.done $0x0  }
0x42f: {  	[sflag:s13] =	ssyncadd.s32 $0xFFFFC180  }
0x430: {  	[spmem:s3] =	stream.indirect.scatter.add.f32 [tilespmem:s10], [sflag:$0x3], $0x80, s29, s9, $0xb8;
	[tilespmem:$0x1D000] =	vst v63  }
0x431: {  	_ =	swait.ge [sflag:s6], $0x3E80  }
0x432: {  	[sflag:s6] =	ssyncset.done $0x0  }
0x433: {  	[sflag:s6] =	ssyncadd.s32 $0xFFFFC180  }
0x434: {  	[tilespmem:s10], [sflag:$0x1] =	stream.indirect.gather [hbm4b:s2+s9], $0x80, s30, s9, $0xb8;
	[tilespmem:$0x1D000] =	vst v63  }
0x435: {  	_ =	swait.ge [sflag:s15], $0x3E80  }
0x436: {  	[sflag:s15] =	ssyncset.done $0x0  }
0x437: {  	[sflag:s15] =	ssyncadd.s32 $0xFFFFC180  }
0x438: {  	[spmem:s3] =	stream.indirect.scatter.add.f32 [tilespmem:s12], [sflag:$0x3], $0x80, s31, s9, $0xb8;
	[tilespmem:$0x1D000] =	vst v63  }
0x439: {  	_ =	swait.ge [sflag:s6], $0x3E80  }
0x43a: {  	[sflag:s6] =	ssyncset.done $0x0  }
0x43b: {  	[sflag:s6] =	ssyncadd.s32 $0xFFFFC180  }
0x43c: {  	[tilespmem:s12], [sflag:$0x2] =	stream.indirect.gather [hbm4b:s2+s9], $0x80, s7, s9, $0xb8;
	[tilespmem:$0x1D000] =	vst v63  }
0x43d: {  	_ =	swait.ge [sflag:s13], $0x3E80  }
0x43e: {  	[sflag:s13] =	ssyncset.done $0x0  }
0x43f: {  	[sflag:s13] =	ssyncadd.s32 $0xFFFFC180  }
0x440: {  	[spmem:s3] =	stream.indirect.scatter.add.f32 [tilespmem:s10], [sflag:$0x3], $0x80, s11, s9, $0xb8;
	[tilespmem:$0x1D000] =	vst v63  }
0x441: {  	_ =	swait.ge [sflag:s6], $0x3E80  }
0x442: {  	[sflag:s6] =	ssyncset.done $0x0  }
0x443: {  	[sflag:s6] =	ssyncadd.s32 $0xFFFFC180  }
0x444: {  	[tilespmem:s10], [sflag:$0x1] =	stream.indirect.gather [hbm4b:s2+s9], $0x80, s25, s9, $0xb8;
	[tilespmem:$0x1D000] =	vst v63  }
0x445: {  	_ =	swait.ge [sflag:s15], $0x3E80  }
0x446: {  	[sflag:s15] =	ssyncset.done $0x0  }
0x447: {  	[sflag:s15] =	ssyncadd.s32 $0xFFFFC180  }
0x448: {  	[spmem:s3] =	stream.indirect.scatter.add.f32 [tilespmem:s12], [sflag:$0x3], $0x80, s14, s9, $0xb8;
	[tilespmem:$0x1D000] =	vst v63  }
0x449: {  	_ =	swait.ge [sflag:s6], $0x3E80  }
0x44a: {  	[sflag:s6] =	ssyncset.done $0x0  }
0x44b: {  	s25 =	simm.s32 $0x580;
	[sflag:s6] =	ssyncadd.s32 $0xFFFFC180  }
0x44c: {  	[tilespmem:s12], [sflag:$0x2] =	stream.indirect.gather [hbm4b:s2+s9], $0x80, s25, s9, $0xb8;
	[tilespmem:$0x1D000] =	vst v63  }
0x44d: {  	_ =	swait.ge [sflag:s13], $0x3E80  }
0x44e: {  	[sflag:s13] =	ssyncset.done $0x0  }
0x44f: {  	s5 =	simm.s32 $0xD00;
	[sflag:s13] =	ssyncadd.s32 $0xFFFFC180  }
0x450: {  	[spmem:s3] =	stream.indirect.scatter.add.f32 [tilespmem:s10], [sflag:$0x3], $0x80, s5, s9, $0xb8;
	[tilespmem:$0x1D000] =	vst v63  }
0x451: {  	_ =	swait.ge [sflag:s6], $0x3E80  }
0x452: {  	[sflag:s6] =	ssyncset.done $0x0  }
0x453: {  	s7 =	simm.s32 $0x600;
	[sflag:s6] =	ssyncadd.s32 $0xFFFFC180  }
0x454: {  	[tilespmem:s10], [sflag:$0x1] =	stream.indirect.gather [hbm4b:s2+s9], $0x80, s7, s9, $0xb8;
	[tilespmem:$0x1D000] =	vst v63  }
0x455: {  	_ =	swait.ge [sflag:s15], $0x3E80  }
0x456: {  	[sflag:s15] =	ssyncset.done $0x0  }
0x457: {  	s8 =	simm.s32 $0xD80;
	[sflag:s15] =	ssyncadd.s32 $0xFFFFC180  }
0x458: {  	[spmem:s3] =	stream.indirect.scatter.add.f32 [tilespmem:s12], [sflag:$0x3], $0x80, s8, s9, $0xb8;
	[tilespmem:$0x1D000] =	vst v63  }
0x459: {  	_ =	swait.ge [sflag:s6], $0x3E80  }
0x45a: {  	[sflag:s6] =	ssyncset.done $0x0  }
0x45b: {  	s8 =	simm.s32 $0x680;
	[sflag:s6] =	ssyncadd.s32 $0xFFFFC180  }
0x45c: {  	[tilespmem:s12], [sflag:$0x2] =	stream.indirect.gather [hbm4b:s2+s9], $0x80, s8, s9, $0xb8;
	[tilespmem:$0x1D000] =	vst v63  }
0x45d: {  	_ =	swait.ge [sflag:s13], $0x3E80  }
0x45e: {  	[sflag:s13] =	ssyncset.done $0x0  }
0x45f: {  	s24 =	simm.s32 $0xE00;
	[sflag:s13] =	ssyncadd.s32 $0xFFFFC180  }
0x460: {  	[spmem:s3] =	stream.indirect.scatter.add.f32 [tilespmem:s10], [sflag:$0x3], $0x80, s24, s9, $0xb8;
	[tilespmem:$0x1D000] =	vst v63  }
0x461: {  	_ =	swait.ge [sflag:s6], $0x3E80  }
0x462: {  	[sflag:s6] =	ssyncset.done $0x0  }
0x463: {  	s7 =	simm.s32 $0x700;
	[sflag:s6] =	ssyncadd.s32 $0xFFFFC180  }
0x464: {  	[tilespmem:s10], [sflag:$0x1] =	stream.indirect.gather [hbm4b:s2+s9], $0x80, s7, s9, $0xb8;
	[tilespmem:$0x1D000] =	vst v63  }
0x465: {  	_ =	swait.ge [sflag:s15], $0x3E80  }
0x466: {  	[sflag:s15] =	ssyncset.done $0x0  }
0x467: {  	s17 =	simm.s32 $0xE80;
	[sflag:s15] =	ssyncadd.s32 $0xFFFFC180  }
0x468: {  	[spmem:s3] =	stream.indirect.scatter.add.f32 [tilespmem:s12], [sflag:$0x3], $0x80, s17, s9, $0xb8;
	[tilespmem:$0x1D000] =	vst v63  }
0x469: {  	_ =	swait.ge [sflag:s6], $0x3E80  }
0x46a: {  	[sflag:s6] =	ssyncset.done $0x0  }
0x46b: {  	s18 =	simm.s32 $0x780;
	[sflag:s6] =	ssyncadd.s32 $0xFFFFC180  }
0x46c: {  	[tilespmem:s12], [sflag:$0x2] =	stream.indirect.gather [hbm4b:s2+s9], $0x80, s18, s9, $0xb8;
	[tilespmem:$0x1D000] =	vst v63  }
0x46d: {  	_ =	swait.ge [sflag:s13], $0x3E80  }
0x46e: {  	[sflag:s13] =	ssyncset.done $0x0  }
0x46f: {  	s19 =	simm.s32 $0xF00;
	[sflag:s13] =	ssyncadd.s32 $0xFFFFC180  }
0x470: {  	[spmem:s3] =	stream.indirect.scatter.add.f32 [tilespmem:s10], [sflag:$0x3], $0x80, s19, s9, $0xb8;
	[tilespmem:$0x1D000] =	vst v63  }
0x471: {  	_ =	swait.ge [sflag:s6], $0x3E80  }
0x472: {  	[sflag:s6] =	ssyncset.done $0x0  }
0x473: {  	[sflag:s6] =	ssyncadd.s32 $0xFFFFC180  }
0x474: {  	_ =	swait.ge [sflag:s15], $0x3E80  }
0x475: {  	[sflag:s15] =	ssyncset.done $0x0  }
0x476: {  	s20 =	simm.s32 $0xF80;
	[sflag:s15] =	ssyncadd.s32 $0xFFFFC180  }
0x477: {  	[spmem:s3] =	stream.indirect.scatter.add.f32 [tilespmem:s12], [sflag:$0x3], $0x80, s20, s9, $0xb8;
	[tilespmem:$0x1D000] =	vst v63  }
0x478: {  	_ =	swait.ge [sflag:s6], $0x3E80  }
0x479: {  	[sflag:s6] =	ssyncset.done $0x0  }
0x47a: {  	s8 =	rddreg [dreg:$0xb];
	[sflag:s6] =	ssyncadd.s32 $0xFFFFC180  }
0x47b: {  	[tilespmem:s16], [sflag:$0x3] =	stream.linear.gather [hbm4b:s8+s16], $0x800, $0x38;
	[tilespmem:$0x1D000] =	vst v63  }
0x47c: {  	_ =	swait.ge [sflag:s6], $0x800  }
0x47d: {  	[sflag:s6] =	ssyncset.done $0x0  }
0x47e: {  	s17 =	rddreg [dreg:$0xc];
	[sflag:s6] =	ssyncadd.s32 $0xFFFFF800  }
0x47f: {  	[tilespmem:s0], [sflag:$0x3] =	stream.linear.gather [hbm4b:s17+s16], $0x800, $0x38;
	[tilespmem:$0x1D000] =	vst v63  }
0x480: {  	_ =	swait.ge [sflag:s6], $0x800  }
0x481: {  	[sflag:s6] =	ssyncset.done $0x0  }
0x482: {  	[sflag:s6] =	ssyncadd.s32 $0xFFFFF800  }
0x483: {  	[tilespmem:s10], [sflag:$0x1] =	stream.indirect.gather [hbm4b:s2+s9], $0x80, s16, s9, $0xb8;
	[tilespmem:$0x1D000] =	vst v63  }
0x484: {  	s18 =	simm.s32 $0x80  }
0x485: {  	[tilespmem:s12], [sflag:$0x2] =	stream.indirect.gather [hbm4b:s2+s9], $0x80, s18, s9, $0xb8;
	[tilespmem:$0x1D000] =	vst v63  }
0x486: {  	_ =	swait.ge [sflag:s13], $0x3E80  }
0x487: {  	[sflag:s13] =	ssyncset.done $0x0  }
0x488: {  	[sflag:s13] =	ssyncadd.s32 $0xFFFFC180  }
0x489: {  	[spmem:s3] =	stream.indirect.scatter.add.f32 [tilespmem:s10], [sflag:$0x3], $0x80, s0, s9, $0xb8;
	[tilespmem:$0x1D000] =	vst v63  }
0x48a: {  	_ =	swait.ge [sflag:s6], $0x3E80  }
0x48b: {  	[sflag:s6] =	ssyncset.done $0x0  }
0x48c: {  	s19 =	simm.s32 $0x100;
	[sflag:s6] =	ssyncadd.s32 $0xFFFFC180  }
0x48d: {  	[tilespmem:s10], [sflag:$0x1] =	stream.indirect.gather [hbm4b:s2+s9], $0x80, s19, s9, $0xb8;
	[tilespmem:$0x1D000] =	vst v63  }
0x48e: {  	_ =	swait.ge [sflag:s15], $0x3E80  }
0x48f: {  	[sflag:s15] =	ssyncset.done $0x0  }
0x490: {  	s20 =	simm.s32 $0x880;
	[sflag:s15] =	ssyncadd.s32 $0xFFFFC180  }
0x491: {  	[spmem:s3] =	stream.indirect.scatter.add.f32 [tilespmem:s12], [sflag:$0x3], $0x80, s20, s9, $0xb8;
	[tilespmem:$0x1D000] =	vst v63  }
0x492: {  	_ =	swait.ge [sflag:s6], $0x3E80  }
0x493: {  	[sflag:s6] =	ssyncset.done $0x0  }
0x494: {  	s24 =	simm.s32 $0x180;
	[sflag:s6] =	ssyncadd.s32 $0xFFFFC180  }
0x495: {  	[tilespmem:s12], [sflag:$0x2] =	stream.indirect.gather [hbm4b:s2+s9], $0x80, s24, s9, $0xb8;
	[tilespmem:$0x1D000] =	vst v63  }
0x496: {  	_ =	swait.ge [sflag:s13], $0x3E80  }
0x497: {  	[sflag:s13] =	ssyncset.done $0x0  }
0x498: {  	s7 =	simm.s32 $0x900;
	[sflag:s13] =	ssyncadd.s32 $0xFFFFC180  }
0x499: {  	[spmem:s3] =	stream.indirect.scatter.add.f32 [tilespmem:s10], [sflag:$0x3], $0x80, s7, s9, $0xb8;
	[tilespmem:$0x1D000] =	vst v63  }
0x49a: {  	_ =	swait.ge [sflag:s6], $0x3E80  }
0x49b: {  	[sflag:s6] =	ssyncset.done $0x0  }
0x49c: {  	s4 =	simm.s32 $0x200;
	[sflag:s6] =	ssyncadd.s32 $0xFFFFC180  }
0x49d: {  	[tilespmem:s10], [sflag:$0x1] =	stream.indirect.gather [hbm4b:s2+s9], $0x80, s4, s9, $0xb8;
	[tilespmem:$0x1D000] =	vst v63  }
0x49e: {  	_ =	swait.ge [sflag:s15], $0x3E80  }
0x49f: {  	[sflag:s15] =	ssyncset.done $0x0  }
0x4a0: {  	s21 =	simm.s32 $0x980;
	[sflag:s15] =	ssyncadd.s32 $0xFFFFC180  }
0x4a1: {  	[spmem:s3] =	stream.indirect.scatter.add.f32 [tilespmem:s12], [sflag:$0x3], $0x80, s21, s9, $0xb8;
	[tilespmem:$0x1D000] =	vst v63  }
0x4a2: {  	_ =	swait.ge [sflag:s6], $0x3E80  }
0x4a3: {  	[sflag:s6] =	ssyncset.done $0x0  }
0x4a4: {  	s22 =	simm.s32 $0x280;
	[sflag:s6] =	ssyncadd.s32 $0xFFFFC180  }
0x4a5: {  	[tilespmem:s12], [sflag:$0x2] =	stream.indirect.gather [hbm4b:s2+s9], $0x80, s22, s9, $0xb8;
	[tilespmem:$0x1D000] =	vst v63  }
0x4a6: {  	_ =	swait.ge [sflag:s13], $0x3E80  }
0x4a7: {  	[sflag:s13] =	ssyncset.done $0x0  }
0x4a8: {  	s8 =	simm.s32 $0xA00;
	[sflag:s13] =	ssyncadd.s32 $0xFFFFC180  }
0x4a9: {  	[spmem:s3] =	stream.indirect.scatter.add.f32 [tilespmem:s10], [sflag:$0x3], $0x80, s8, s9, $0xb8;
	[tilespmem:$0x1D000] =	vst v63  }
0x4aa: {  	_ =	swait.ge [sflag:s6], $0x3E80  }
0x4ab: {  	[sflag:s6] =	ssyncset.done $0x0  }
0x4ac: {  	s18 =	simm.s32 $0x300;
	[sflag:s6] =	ssyncadd.s32 $0xFFFFC180  }
0x4ad: {  	[tilespmem:s10], [sflag:$0x1] =	stream.indirect.gather [hbm4b:s2+s9], $0x80, s18, s9, $0xb8;
	[tilespmem:$0x1D000] =	vst v63  }
0x4ae: {  	_ =	swait.ge [sflag:s15], $0x3E80  }
0x4af: {  	[sflag:s15] =	ssyncset.done $0x0  }
0x4b0: {  	s26 =	simm.s32 $0xA80;
	[sflag:s15] =	ssyncadd.s32 $0xFFFFC180  }
0x4b1: {  	[spmem:s3] =	stream.indirect.scatter.add.f32 [tilespmem:s12], [sflag:$0x3], $0x80, s26, s9, $0xb8;
	[tilespmem:$0x1D000] =	vst v63  }
0x4b2: {  	_ =	swait.ge [sflag:s6], $0x3E80  }
0x4b3: {  	[sflag:s6] =	ssyncset.done $0x0  }
0x4b4: {  	s28 =	simm.s32 $0x380;
	[sflag:s6] =	ssyncadd.s32 $0xFFFFC180  }
0x4b5: {  	[tilespmem:s12], [sflag:$0x2] =	stream.indirect.gather [hbm4b:s2+s9], $0x80, s28, s9, $0xb8;
	[tilespmem:$0x1D000] =	vst v63  }
0x4b6: {  	_ =	swait.ge [sflag:s13], $0x3E80  }
0x4b7: {  	[sflag:s13] =	ssyncset.done $0x0  }
0x4b8: {  	s29 =	simm.s32 $0xB00;
	[sflag:s13] =	ssyncadd.s32 $0xFFFFC180  }
0x4b9: {  	[spmem:s3] =	stream.indirect.scatter.add.f32 [tilespmem:s10], [sflag:$0x3], $0x80, s29, s9, $0xb8;
	[tilespmem:$0x1D000] =	vst v63  }
0x4ba: {  	_ =	swait.ge [sflag:s6], $0x3E80  }
0x4bb: {  	[sflag:s6] =	ssyncset.done $0x0  }
0x4bc: {  	s30 =	simm.s32 $0x400;
	[sflag:s6] =	ssyncadd.s32 $0xFFFFC180  }
0x4bd: {  	[tilespmem:s10], [sflag:$0x1] =	stream.indirect.gather [hbm4b:s2+s9], $0x80, s30, s9, $0xb8;
	[tilespmem:$0x1D000] =	vst v63  }
0x4be: {  	_ =	swait.ge [sflag:s15], $0x3E80  }
0x4bf: {  	[sflag:s15] =	ssyncset.done $0x0  }
0x4c0: {  	s31 =	simm.s32 $0xB80;
	[sflag:s15] =	ssyncadd.s32 $0xFFFFC180  }
0x4c1: {  	[spmem:s3] =	stream.indirect.scatter.add.f32 [tilespmem:s12], [sflag:$0x3], $0x80, s31, s9, $0xb8;
	[tilespmem:$0x1D000] =	vst v63  }
0x4c2: {  	_ =	swait.ge [sflag:s6], $0x3E80  }
0x4c3: {  	[sflag:s6] =	ssyncset.done $0x0  }
0x4c4: {  	s19 =	simm.s32 $0x480;
	[sflag:s6] =	ssyncadd.s32 $0xFFFFC180  }
0x4c5: {  	[tilespmem:s12], [sflag:$0x2] =	stream.indirect.gather [hbm4b:s2+s9], $0x80, s19, s9, $0xb8;
	[tilespmem:$0x1D000] =	vst v63  }
0x4c6: {  	_ =	swait.ge [sflag:s13], $0x3E80  }
0x4c7: {  	[sflag:s13] =	ssyncset.done $0x0  }
0x4c8: {  	s11 =	simm.s32 $0xC00;
	[sflag:s13] =	ssyncadd.s32 $0xFFFFC180  }
0x4c9: {  	[spmem:s3] =	stream.indirect.scatter.add.f32 [tilespmem:s10], [sflag:$0x3], $0x80, s11, s9, $0xb8;
	[tilespmem:$0x1D000] =	vst v63  }
0x4ca: {  	_ =	swait.ge [sflag:s6], $0x3E80  }
0x4cb: {  	[sflag:s6] =	ssyncset.done $0x0  }
0x4cc: {  	s1 =	simm.s32 $0x500;
	[sflag:s6] =	ssyncadd.s32 $0xFFFFC180  }
0x4cd: {  	[tilespmem:s10], [sflag:$0x1] =	stream.indirect.gather [hbm4b:s2+s9], $0x80, s1, s9, $0xb8;
	[tilespmem:$0x1D000] =	vst v63  }
0x4ce: {  	_ =	swait.ge [sflag:s15], $0x3E80  }
0x4cf: {  	[sflag:s15] =	ssyncset.done $0x0  }
0x4d0: {  	s14 =	simm.s32 $0xC80;
	[sflag:s15] =	ssyncadd.s32 $0xFFFFC180  }
0x4d1: {  	[spmem:s3] =	stream.indirect.scatter.add.f32 [tilespmem:s12], [sflag:$0x3], $0x80, s14, s9, $0xb8;
	[tilespmem:$0x1D000] =	vst v63  }
0x4d2: {  	_ =	swait.ge [sflag:s6], $0x3E80  }
0x4d3: {  	[sflag:s6] =	ssyncset.done $0x0  }
0x4d4: {  	s24 =	simm.s32 $0x580;
	[sflag:s6] =	ssyncadd.s32 $0xFFFFC180  }
0x4d5: {  	[tilespmem:s12], [sflag:$0x2] =	stream.indirect.gather [hbm4b:s2+s9], $0x80, s24, s9, $0xb8;
	[tilespmem:$0x1D000] =	vst v63  }
0x4d6: {  	_ =	swait.ge [sflag:s13], $0x3E80  }
0x4d7: {  	[sflag:s13] =	ssyncset.done $0x0  }
0x4d8: {  	s25 =	simm.s32 $0xD00;
	[sflag:s13] =	ssyncadd.s32 $0xFFFFC180  }
0x4d9: {  	[spmem:s3] =	stream.indirect.scatter.add.f32 [tilespmem:s10], [sflag:$0x3], $0x80, s25, s9, $0xb8;
	[tilespmem:$0x1D000] =	vst v63  }
0x4da: {  	_ =	swait.ge [sflag:s6], $0x3E80  }
0x4db: {  	[sflag:s6] =	ssyncset.done $0x0  }
0x4dc: {  	s25 =	simm.s32 $0x600;
	[sflag:s6] =	ssyncadd.s32 $0xFFFFC180  }
0x4dd: {  	[tilespmem:s10], [sflag:$0x1] =	stream.indirect.gather [hbm4b:s2+s9], $0x80, s25, s9, $0xb8;
	[tilespmem:$0x1D000] =	vst v63  }
0x4de: {  	_ =	swait.ge [sflag:s15], $0x3E80  }
0x4df: {  	[sflag:s15] =	ssyncset.done $0x0  }
0x4e0: {  	s18 =	simm.s32 $0xD80;
	[sflag:s15] =	ssyncadd.s32 $0xFFFFC180  }
0x4e1: {  	[spmem:s3] =	stream.indirect.scatter.add.f32 [tilespmem:s12], [sflag:$0x3], $0x80, s18, s9, $0xb8;
	[tilespmem:$0x1D000] =	vst v63  }
0x4e2: {  	_ =	swait.ge [sflag:s6], $0x3E80  }
0x4e3: {  	[sflag:s6] =	ssyncset.done $0x0  }
0x4e4: {  	s19 =	simm.s32 $0x680;
	[sflag:s6] =	ssyncadd.s32 $0xFFFFC180  }
0x4e5: {  	[tilespmem:s12], [sflag:$0x2] =	stream.indirect.gather [hbm4b:s2+s9], $0x80, s19, s9, $0xb8;
	[tilespmem:$0x1D000] =	vst v63  }
0x4e6: {  	_ =	swait.ge [sflag:s13], $0x3E80  }
0x4e7: {  	[sflag:s13] =	ssyncset.done $0x0  }
0x4e8: {  	s24 =	simm.s32 $0xE00;
	[sflag:s13] =	ssyncadd.s32 $0xFFFFC180  }
0x4e9: {  	[spmem:s3] =	stream.indirect.scatter.add.f32 [tilespmem:s10], [sflag:$0x3], $0x80, s24, s9, $0xb8;
	[tilespmem:$0x1D000] =	vst v63  }
0x4ea: {  	_ =	swait.ge [sflag:s6], $0x3E80  }
0x4eb: {  	[sflag:s6] =	ssyncset.done $0x0  }
0x4ec: {  	s24 =	simm.s32 $0x700;
	[sflag:s6] =	ssyncadd.s32 $0xFFFFC180  }
0x4ed: {  	[tilespmem:s10], [sflag:$0x1] =	stream.indirect.gather [hbm4b:s2+s9], $0x80, s24, s9, $0xb8;
	[tilespmem:$0x1D000] =	vst v63  }
0x4ee: {  	_ =	swait.ge [sflag:s15], $0x3E80  }
0x4ef: {  	[sflag:s15] =	ssyncset.done $0x0  }
0x4f0: {  	s24 =	simm.s32 $0xE80;
	[sflag:s15] =	ssyncadd.s32 $0xFFFFC180  }
0x4f1: {  	[spmem:s3] =	stream.indirect.scatter.add.f32 [tilespmem:s12], [sflag:$0x3], $0x80, s24, s9, $0xb8;
	[tilespmem:$0x1D000] =	vst v63  }
0x4f2: {  	_ =	swait.ge [sflag:s6], $0x3E80  }
0x4f3: {  	[sflag:s6] =	ssyncset.done $0x0  }
0x4f4: {  	s24 =	simm.s32 $0x780;
	[sflag:s6] =	ssyncadd.s32 $0xFFFFC180  }
0x4f5: {  	[tilespmem:s12], [sflag:$0x2] =	stream.indirect.gather [hbm4b:s2+s9], $0x80, s24, s9, $0xb8;
	[tilespmem:$0x1D000] =	vst v63  }
0x4f6: {  	_ =	swait.ge [sflag:s13], $0x3E80  }
0x4f7: {  	[sflag:s13] =	ssyncset.done $0x0  }
0x4f8: {  	s24 =	simm.s32 $0xF00;
	[sflag:s13] =	ssyncadd.s32 $0xFFFFC180  }
0x4f9: {  	[spmem:s3] =	stream.indirect.scatter.add.f32 [tilespmem:s10], [sflag:$0x3], $0x80, s24, s9, $0xb8;
	[tilespmem:$0x1D000] =	vst v63  }
0x4fa: {  	_ =	swait.ge [sflag:s6], $0x3E80  }
0x4fb: {  	[sflag:s6] =	ssyncset.done $0x0  }
0x4fc: {  	[sflag:s6] =	ssyncadd.s32 $0xFFFFC180  }
0x4fd: {  	_ =	swait.ge [sflag:s15], $0x3E80  }
0x4fe: {  	[sflag:s15] =	ssyncset.done $0x0  }
0x4ff: {  	s24 =	simm.s32 $0xF80;
	[sflag:s15] =	ssyncadd.s32 $0xFFFFC180  }
0x500: {  	[spmem:s3] =	stream.indirect.scatter.add.f32 [tilespmem:s12], [sflag:$0x3], $0x80, s24, s9, $0xb8;
	[tilespmem:$0x1D000] =	vst v63  }
0x501: {  	_ =	swait.ge [sflag:s6], $0x3E80  }
0x502: {  	[sflag:s6] =	ssyncset.done $0x0  }
0x503: {  	s24 =	rddreg [dreg:$0xd];
	[sflag:s6] =	ssyncadd.s32 $0xFFFFC180  }
0x504: {  	[tilespmem:s16], [sflag:$0x3] =	stream.linear.gather [hbm4b:s24+s16], $0x800, $0x38;
	[tilespmem:$0x1D000] =	vst v63  }
0x505: {  	_ =	swait.ge [sflag:s6], $0x800  }
0x506: {  	[sflag:s6] =	ssyncset.done $0x0  }
0x507: {  	s24 =	rddreg [dreg:$0xe];
	[sflag:s6] =	ssyncadd.s32 $0xFFFFF800  }
0x508: {  	[tilespmem:s0], [sflag:$0x3] =	stream.linear.gather [hbm4b:s24+s16], $0x800, $0x38;
	[tilespmem:$0x1D000] =	vst v63  }
0x509: {  	_ =	swait.ge [sflag:s6], $0x800  }
0x50a: {  	[sflag:s6] =	ssyncset.done $0x0  }
0x50b: {  	[sflag:s6] =	ssyncadd.s32 $0xFFFFF800  }
0x50c: {  	[tilespmem:s10], [sflag:$0x1] =	stream.indirect.gather [hbm4b:s2+s9], $0x80, s16, s9, $0xb8;
	[tilespmem:$0x1D000] =	vst v63  }
0x50d: {  	s24 =	simm.s32 $0x80  }
0x50e: {  	[tilespmem:s12], [sflag:$0x2] =	stream.indirect.gather [hbm4b:s2+s9], $0x80, s24, s9, $0xb8;
	[tilespmem:$0x1D000] =	vst v63  }
0x50f: {  	_ =	swait.ge [sflag:s13], $0x3E80  }
0x510: {  	[sflag:s13] =	ssyncset.done $0x0  }
0x511: {  	[sflag:s13] =	ssyncadd.s32 $0xFFFFC180  }
0x512: {  	[spmem:s3] =	stream.indirect.scatter.add.f32 [tilespmem:s10], [sflag:$0x3], $0x80, s0, s9, $0xb8;
	[tilespmem:$0x1D000] =	vst v63  }
0x513: {  	_ =	swait.ge [sflag:s6], $0x3E80  }
0x514: {  	[sflag:s6] =	ssyncset.done $0x0  }
0x515: {  	s24 =	simm.s32 $0x100;
	[sflag:s6] =	ssyncadd.s32 $0xFFFFC180  }
0x516: {  	[tilespmem:s10], [sflag:$0x1] =	stream.indirect.gather [hbm4b:s2+s9], $0x80, s24, s9, $0xb8;
	[tilespmem:$0x1D000] =	vst v63  }
0x517: {  	_ =	swait.ge [sflag:s15], $0x3E80  }
0x518: {  	[sflag:s15] =	ssyncset.done $0x0  }
0x519: {  	s24 =	simm.s32 $0x880;
	[sflag:s15] =	ssyncadd.s32 $0xFFFFC180  }
0x51a: {  	[spmem:s3] =	stream.indirect.scatter.add.f32 [tilespmem:s12], [sflag:$0x3], $0x80, s24, s9, $0xb8;
	[tilespmem:$0x1D000] =	vst v63  }
0x51b: {  	_ =	swait.ge [sflag:s6], $0x3E80  }
0x51c: {  	[sflag:s6] =	ssyncset.done $0x0  }
0x51d: {  	s24 =	simm.s32 $0x180;
	[sflag:s6] =	ssyncadd.s32 $0xFFFFC180  }
0x51e: {  	[tilespmem:s12], [sflag:$0x2] =	stream.indirect.gather [hbm4b:s2+s9], $0x80, s24, s9, $0xb8;
	[tilespmem:$0x1D000] =	vst v63  }
0x51f: {  	_ =	swait.ge [sflag:s13], $0x3E80  }
0x520: {  	[sflag:s13] =	ssyncset.done $0x0  }
0x521: {  	s17 =	simm.s32 $0x900;
	[sflag:s13] =	ssyncadd.s32 $0xFFFFC180  }
0x522: {  	[spmem:s3] =	stream.indirect.scatter.add.f32 [tilespmem:s10], [sflag:$0x3], $0x80, s17, s9, $0xb8;
	[tilespmem:$0x1D000] =	vst v63  }
0x523: {  	_ =	swait.ge [sflag:s6], $0x3E80  }
0x524: {  	[sflag:s6] =	ssyncset.done $0x0  }
0x525: {  	s20 =	simm.s32 $0x200;
	[sflag:s6] =	ssyncadd.s32 $0xFFFFC180  }
0x526: {  	[tilespmem:s10], [sflag:$0x1] =	stream.indirect.gather [hbm4b:s2+s9], $0x80, s20, s9, $0xb8;
	[tilespmem:$0x1D000] =	vst v63  }
0x527: {  	_ =	swait.ge [sflag:s15], $0x3E80  }
0x528: {  	[sflag:s15] =	ssyncset.done $0x0  }
0x529: {  	s4 =	simm.s32 $0x980;
	[sflag:s15] =	ssyncadd.s32 $0xFFFFC180  }
0x52a: {  	[spmem:s3] =	stream.indirect.scatter.add.f32 [tilespmem:s12], [sflag:$0x3], $0x80, s4, s9, $0xb8;
	[tilespmem:$0x1D000] =	vst v63  }
0x52b: {  	_ =	swait.ge [sflag:s6], $0x3E80  }
0x52c: {  	[sflag:s6] =	ssyncset.done $0x0  }
0x52d: {  	s21 =	simm.s32 $0x280;
	[sflag:s6] =	ssyncadd.s32 $0xFFFFC180  }
0x52e: {  	[tilespmem:s12], [sflag:$0x2] =	stream.indirect.gather [hbm4b:s2+s9], $0x80, s21, s9, $0xb8;
	[tilespmem:$0x1D000] =	vst v63  }
0x52f: {  	_ =	swait.ge [sflag:s13], $0x3E80  }
0x530: {  	[sflag:s13] =	ssyncset.done $0x0  }
0x531: {  	s20 =	simm.s32 $0xA00;
	[sflag:s13] =	ssyncadd.s32 $0xFFFFC180  }
0x532: {  	[spmem:s3] =	stream.indirect.scatter.add.f32 [tilespmem:s10], [sflag:$0x3], $0x80, s20, s9, $0xb8;
	[tilespmem:$0x1D000] =	vst v63  }
0x533: {  	_ =	swait.ge [sflag:s6], $0x3E80  }
0x534: {  	[sflag:s6] =	ssyncset.done $0x0  }
0x535: {  	s5 =	simm.s32 $0x300;
	[sflag:s6] =	ssyncadd.s32 $0xFFFFC180  }
0x536: {  	[tilespmem:s10], [sflag:$0x1] =	stream.indirect.gather [hbm4b:s2+s9], $0x80, s5, s9, $0xb8;
	[tilespmem:$0x1D000] =	vst v63  }
0x537: {  	_ =	swait.ge [sflag:s15], $0x3E80  }
0x538: {  	[sflag:s15] =	ssyncset.done $0x0  }
0x539: {  	s7 =	simm.s32 $0xA80;
	[sflag:s15] =	ssyncadd.s32 $0xFFFFC180  }
0x53a: {  	[spmem:s3] =	stream.indirect.scatter.add.f32 [tilespmem:s12], [sflag:$0x3], $0x80, s7, s9, $0xb8;
	[tilespmem:$0x1D000] =	vst v63  }
0x53b: {  	_ =	swait.ge [sflag:s6], $0x3E80  }
0x53c: {  	[sflag:s6] =	ssyncset.done $0x0  }
0x53d: {  	s26 =	simm.s32 $0x380;
	[sflag:s6] =	ssyncadd.s32 $0xFFFFC180  }
0x53e: {  	[tilespmem:s12], [sflag:$0x2] =	stream.indirect.gather [hbm4b:s2+s9], $0x80, s26, s9, $0xb8;
	[tilespmem:$0x1D000] =	vst v63  }
0x53f: {  	_ =	swait.ge [sflag:s13], $0x3E80  }
0x540: {  	[sflag:s13] =	ssyncset.done $0x0  }
0x541: {  	s28 =	simm.s32 $0xB00;
	[sflag:s13] =	ssyncadd.s32 $0xFFFFC180  }
0x542: {  	[spmem:s3] =	stream.indirect.scatter.add.f32 [tilespmem:s10], [sflag:$0x3], $0x80, s28, s9, $0xb8;
	[tilespmem:$0x1D000] =	vst v63  }
0x543: {  	_ =	swait.ge [sflag:s6], $0x3E80  }
0x544: {  	[sflag:s6] =	ssyncset.done $0x0  }
0x545: {  	s29 =	simm.s32 $0x400;
	[sflag:s6] =	ssyncadd.s32 $0xFFFFC180  }
0x546: {  	[tilespmem:s10], [sflag:$0x1] =	stream.indirect.gather [hbm4b:s2+s9], $0x80, s29, s9, $0xb8;
	[tilespmem:$0x1D000] =	vst v63  }
0x547: {  	_ =	swait.ge [sflag:s15], $0x3E80  }
0x548: {  	[sflag:s15] =	ssyncset.done $0x0  }
0x549: {  	s30 =	simm.s32 $0xB80;
	[sflag:s15] =	ssyncadd.s32 $0xFFFFC180  }
0x54a: {  	[spmem:s3] =	stream.indirect.scatter.add.f32 [tilespmem:s12], [sflag:$0x3], $0x80, s30, s9, $0xb8;
	[tilespmem:$0x1D000] =	vst v63  }
0x54b: {  	_ =	swait.ge [sflag:s6], $0x3E80  }
0x54c: {  	[sflag:s6] =	ssyncset.done $0x0  }
0x54d: {  	s31 =	simm.s32 $0x480;
	[sflag:s6] =	ssyncadd.s32 $0xFFFFC180  }
0x54e: {  	[tilespmem:s12], [sflag:$0x2] =	stream.indirect.gather [hbm4b:s2+s9], $0x80, s31, s9, $0xb8;
	[tilespmem:$0x1D000] =	vst v63  }
0x54f: {  	_ =	swait.ge [sflag:s13], $0x3E80  }
0x550: {  	[sflag:s13] =	ssyncset.done $0x0  }
0x551: {  	s8 =	simm.s32 $0xC00;
	[sflag:s13] =	ssyncadd.s32 $0xFFFFC180  }
0x552: {  	[spmem:s3] =	stream.indirect.scatter.add.f32 [tilespmem:s10], [sflag:$0x3], $0x80, s8, s9, $0xb8;
	[tilespmem:$0x1D000] =	vst v63  }
0x553: {  	_ =	swait.ge [sflag:s6], $0x3E80  }
0x554: {  	[sflag:s6] =	ssyncset.done $0x0  }
0x555: {  	s22 =	simm.s32 $0x500;
	[sflag:s6] =	ssyncadd.s32 $0xFFFFC180  }
0x556: {  	[tilespmem:s10], [sflag:$0x1] =	stream.indirect.gather [hbm4b:s2+s9], $0x80, s22, s9, $0xb8;
	[tilespmem:$0x1D000] =	vst v63  }
0x557: {  	_ =	swait.ge [sflag:s15], $0x3E80  }
0x558: {  	[sflag:s15] =	ssyncset.done $0x0  }
0x559: {  	s1 =	simm.s32 $0xC80;
	[sflag:s15] =	ssyncadd.s32 $0xFFFFC180  }
0x55a: {  	[spmem:s3] =	stream.indirect.scatter.add.f32 [tilespmem:s12], [sflag:$0x3], $0x80, s1, s9, $0xb8;
	[tilespmem:$0x1D000] =	vst v63  }
0x55b: {  	_ =	swait.ge [sflag:s6], $0x3E80  }
0x55c: {  	[sflag:s6] =	ssyncset.done $0x0  }
0x55d: {  	s21 =	simm.s32 $0x580;
	[sflag:s6] =	ssyncadd.s32 $0xFFFFC180  }
0x55e: {  	[tilespmem:s12], [sflag:$0x2] =	stream.indirect.gather [hbm4b:s2+s9], $0x80, s21, s9, $0xb8;
	[tilespmem:$0x1D000] =	vst v63  }
0x55f: {  	_ =	swait.ge [sflag:s13], $0x3E80  }
0x560: {  	[sflag:s13] =	ssyncset.done $0x0  }
0x561: {  	s11 =	simm.s32 $0xD00;
	[sflag:s13] =	ssyncadd.s32 $0xFFFFC180  }
0x562: {  	[spmem:s3] =	stream.indirect.scatter.add.f32 [tilespmem:s10], [sflag:$0x3], $0x80, s11, s9, $0xb8;
	[tilespmem:$0x1D000] =	vst v63  }
0x563: {  	_ =	swait.ge [sflag:s6], $0x3E80  }
0x564: {  	[sflag:s6] =	ssyncset.done $0x0  }
0x565: {  	s14 =	simm.s32 $0x600;
	[sflag:s6] =	ssyncadd.s32 $0xFFFFC180  }
0x566: {  	[tilespmem:s10], [sflag:$0x1] =	stream.indirect.gather [hbm4b:s2+s9], $0x80, s14, s9, $0xb8;
	[tilespmem:$0x1D000] =	vst v63  }
0x567: {  	_ =	swait.ge [sflag:s15], $0x3E80  }
0x568: {  	[sflag:s15] =	ssyncset.done $0x0  }
0x569: {  	s25 =	simm.s32 $0xD80;
	[sflag:s15] =	ssyncadd.s32 $0xFFFFC180  }
0x56a: {  	[spmem:s3] =	stream.indirect.scatter.add.f32 [tilespmem:s12], [sflag:$0x3], $0x80, s25, s9, $0xb8;
	[tilespmem:$0x1D000] =	vst v63  }
0x56b: {  	_ =	swait.ge [sflag:s6], $0x3E80  }
0x56c: {  	[sflag:s6] =	ssyncset.done $0x0  }
0x56d: {  	s18 =	simm.s32 $0x680;
	[sflag:s6] =	ssyncadd.s32 $0xFFFFC180  }
0x56e: {  	[tilespmem:s12], [sflag:$0x2] =	stream.indirect.gather [hbm4b:s2+s9], $0x80, s18, s9, $0xb8;
	[tilespmem:$0x1D000] =	vst v63  }
0x56f: {  	_ =	swait.ge [sflag:s13], $0x3E80  }
0x570: {  	[sflag:s13] =	ssyncset.done $0x0  }
0x571: {  	s19 =	simm.s32 $0xE00;
	[sflag:s13] =	ssyncadd.s32 $0xFFFFC180  }
0x572: {  	[spmem:s3] =	stream.indirect.scatter.add.f32 [tilespmem:s10], [sflag:$0x3], $0x80, s19, s9, $0xb8;
	[tilespmem:$0x1D000] =	vst v63  }
0x573: {  	_ =	swait.ge [sflag:s6], $0x3E80  }
0x574: {  	[sflag:s6] =	ssyncset.done $0x0  }
0x575: {  	s22 =	simm.s32 $0x700;
	[sflag:s6] =	ssyncadd.s32 $0xFFFFC180  }
0x576: {  	[tilespmem:s10], [sflag:$0x1] =	stream.indirect.gather [hbm4b:s2+s9], $0x80, s22, s9, $0xb8;
	[tilespmem:$0x1D000] =	vst v63  }
0x577: {  	_ =	swait.ge [sflag:s15], $0x3E80  }
0x578: {  	[sflag:s15] =	ssyncset.done $0x0  }
0x579: {  	s24 =	simm.s32 $0xE80;
	[sflag:s15] =	ssyncadd.s32 $0xFFFFC180  }
0x57a: {  	[spmem:s3] =	stream.indirect.scatter.add.f32 [tilespmem:s12], [sflag:$0x3], $0x80, s24, s9, $0xb8;
	[tilespmem:$0x1D000] =	vst v63  }
0x57b: {  	_ =	swait.ge [sflag:s6], $0x3E80  }
0x57c: {  	[sflag:s6] =	ssyncset.done $0x0  }
0x57d: {  	s25 =	simm.s32 $0x780;
	[sflag:s6] =	ssyncadd.s32 $0xFFFFC180  }
0x57e: {  	[tilespmem:s12], [sflag:$0x2] =	stream.indirect.gather [hbm4b:s2+s9], $0x80, s25, s9, $0xb8;
	[tilespmem:$0x1D000] =	vst v63  }
0x57f: {  	_ =	swait.ge [sflag:s13], $0x3E80  }
0x580: {  	[sflag:s13] =	ssyncset.done $0x0  }
0x581: {  	s26 =	simm.s32 $0xF00;
	[sflag:s13] =	ssyncadd.s32 $0xFFFFC180  }
0x582: {  	[spmem:s3] =	stream.indirect.scatter.add.f32 [tilespmem:s10], [sflag:$0x3], $0x80, s26, s9, $0xb8;
	[tilespmem:$0x1D000] =	vst v63  }
0x583: {  	_ =	swait.ge [sflag:s6], $0x3E80  }
0x584: {  	[sflag:s6] =	ssyncset.done $0x0  }
0x585: {  	[sflag:s6] =	ssyncadd.s32 $0xFFFFC180  }
0x586: {  	_ =	swait.ge [sflag:s15], $0x3E80  }
0x587: {  	[sflag:s15] =	ssyncset.done $0x0  }
0x588: {  	s28 =	simm.s32 $0xF80;
	[sflag:s15] =	ssyncadd.s32 $0xFFFFC180  }
0x589: {  	[spmem:s3] =	stream.indirect.scatter.add.f32 [tilespmem:s12], [sflag:$0x3], $0x80, s28, s9, $0xb8;
	[tilespmem:$0x1D000] =	vst v63  }
0x58a: {  	_ =	swait.ge [sflag:s6], $0x3E80  }
0x58b: {  	[sflag:s6] =	ssyncset.done $0x0  }
0x58c: {  	[sflag:s6] =	ssyncadd.s32 $0xFFFFC180  }
0x58d: {  	p0 =	sne.s32 s23, $0x1;
	[bflag:$0x0] =	sbarrier.arrive $0xFFFF  }
.Ltmp1:
0x58e: {  	s29 =	rddreg [dreg:$0xf];
	(pc) =	sbr.rel @p0 .LBB2_1-.Ltmp1, $4  }
0x58f: {  	s30 =	rddreg [dreg:$0x11]  }
0x590: {  	s31 =	rddreg [dreg:$0x10]  }
0x591: {  	[hbm:s29], [sflag:s31] =	dma.local [spmem:s30], $0x2800  }
0x592: {  	s23 =	sadd.s32 $0xFFFFFFFF, s23;
	_ =	swait.ge [sflag:s6], $0x2800  }
.LBB2_2:
0x593: {  	[sflag:s6] =	ssyncset.done $0x0  }
0x594: {  	[sflag:s6] =	ssyncadd.s32 $0xFFFFD800  }
0x595: {  	_ =	sfence.sel $0x180000  }
0x596: {  	[bflag:$0x0] =	sbarrier.arrive $0xFFFF  }
0x597: {  	_ =	strace $0x9000004A  }
0x598: {  	s0 =	stileid.u32;
	[bflag:$0x2] =	sbarrier.arrive $0xFFFF  }
0x599: {  	p0 =	sne.s32 s0, $0x0;
	s0 =	rddreg [dreg:$0x3]  }
0x59a: {  	s0 =	sadd.s32 @!p0 $0x100000, s0  }
0x59b: {  	[sflag:s0] =	ssyncadd.tile.s32 @!p0 $0x1;
	_ =	shalt  }
.Lfunc_end2:
_tile_overlayer_lowered:
.L_overlay_start_2:
0x59c: {  	(tag) =	ssettag $0x2  }
0x59d: {  	s0 =	rddreg [dreg:$0x0];
	s2 =	stileid.u32  }
0x59e: {  	s1 =	rddreg [dreg:$0x1];
	p0 =	sne.s32 s2, $0x0  }
0x59f: {  	s3 =	rddreg [dreg:$0x2];
	[bflag:$0x3] =	sbarrier.arrive $0xFFFF;
	s2 =	simm.s32 @!p0 $0x1C03  }
0x5a0: {  	[timem:s3], [sflag:s2] =	dma.local @!p0 [hbm:s0], s1  }
0x5a1: {  	s0 =	simm.s32 @!p0 $0x3  }
0x5a2: {  	_ =	swait.ge @!p0 [sflag:s0], s1  }
0x5a3: {  	s1 =	ssub.s32 @!p0 $0x0, s1;
	[sflag:s0] =	ssyncset.done @!p0 $0x0  }
0x5a4: {  	[sflag:s0] =	ssyncadd.s32 @!p0 s1  }
0x5a5: {  	[bflag:$0x3] =	sbarrier.arrive $0xFFFF  }
0x5a6: {  	_ =	shalt  }

// kernel: kernel.7.cloned.1.call-start
scs
__scs_entry_jumppad:
0x0: {  	(pc) =	sbr.rel $0x88, $3  }
0x1: {  	(tag) =	ssettag $0x0;
	lr =	simm.s32 $0x1  }
0x2: {  	[smem:$0x3F9B] =	sst lr;
	_ =	strace $0xD0000000  }
0x3: {  	_ = 	snop  }
0x4: {  	_ = 	snop  }
0x5: {  	_ = 	snop  }
0x6: {  	_ = 	snop  }
0x7: {  	_ = 	snop  }
__scs_overlays_trampoline_lowered:
0x8: {  	[smem:$0x3FAA] =	sst s0  }
0x9: {  	[smem:$0x3FAB] =	sst s1  }
0xa: {  	[smem:$0x3FAC] =	sst s2  }
0xb: {  	[smem:$0x3FAD] =	sst s3  }
0xc: {  	[smem:$0x3FAE] =	sst s4  }
0xd: {  	[smem:$0x3FAF] =	sst s5  }
0xe: {  	[smem:$0x3FB0] =	sst s6  }
0xf: {  	[smem:$0x3FB1] =	sst s7  }
0x10: {  	[smem:$0x3FB2] =	sst s8  }
0x11: {  	[smem:$0x3FB3] =	sst s9;
	s0 =	simm.s32 @!p0 $0x0  }
0x12: {  	s1 =	sld [smem:$0x3F99];
	s0 =	simm.s32 @p0 $0x1  }
0x13: {  	[smem:$0x3FB4] =	sst s0;
	s0 =	simm.s32 @!p1 $0x0  }
0x14: {  	s2 =	sld [smem:$0x3F98];
	s0 =	simm.s32 @p1 $0x1  }
0x15: {  	[smem:$0x3FB5] =	sst s0;
	s0 =	simm.s32 @!p2 $0x0  }
0x16: {  	s3 =	sld [smem:$0x3FDB];
	s0 =	simm.s32 @p2 $0x1  }
0x17: {  	s4 =	simm.s32 $0x1BF5;
	[smem:$0x3FB7] =	sst s0  }
0x18: {  	s0 =	sld [smem:$0x3F9A];
	_ =	swait.ge [sflag:s4], $0x0  }
0x19: {  	s7 =	sld [smem:$0x3F9B]  }
0x1a: {  	s8 =	sadd.s32 $0xFFFFE003, lr  }
0x1b: {  	s9 =	sadd.s32 $0xFFFFFEF7, lr;
	s5 =	simm.s32 $0xFFFFFFFF;
	p2 =	slt.u32 s8, $0xFFFFF086  }
0x1c: {  	p1 =	slt.u32 s9, $0xF7A;
	s5 =	simm.s32 @!p2 $0x0  }
0x1d: {  	s5 =	simm.s32 @p1 $0x1;
	p0 =	seq.s32 s7, s2  }
0x1e: {  	s7 =	smul.u32 @!p0 $0xF7A, s2;
	p2 =	seq.s32 @!p0 s5, $0x0  }
0x1f: {  	s9 =	smul.u32 $0xF7A, s1;
	s8 =	simm.s32 @!p0 $0x1BF5;
	p2 =	por !p2, p0  }
0x20: {  	[sflag:s8] =	ssyncset.s32 @!p0 $0xFFFFF086;
	s6 =	sadd.s32 @!p0 s3, s7;
	s7 =	simm.s32 @!p0 $0x108  }
0x21: {  	s3 =	sadd.s32 s3, s9;
	s6 =	sadd.s32 @!p0 $0x88, s6;
	s7 =	simm.s32 @p2 $0x1082  }
0x22: {  	[simem:s7], [sflag:s8] =	dma.local @!p0 [hbm:s6], $0xF7A  }
0x23: {  	s9 =	sor.u32 $0xD0000000, s2;
	s6 =	simm.s32 $0x108;
	_ =	swait.ge @!p0 [sflag:s8], $0x0  }
0x24: {  	s3 =	sadd.s32 $0x88, s3;
	s6 =	simm.s32 @!p1 $0x1082;
	[sflag:s4] =	ssyncset.s32 $0xFFFFF086  }
0x25: {  	[simem:s6], [sflag:s4] =	dma.local [hbm:s3], $0xF7A  }
0x26: {  	[smem:$0x3F9B] =	sst s1;
	(tag) =	ssettag s2;
	_ =	strace s9  }
0x27: {  	s1 =	sld [smem:$0x3FAB]  }
0x28: {  	s2 =	sld [smem:$0x3FAC]  }
0x29: {  	s4 =	sld [smem:$0x3FAE]  }
0x2a: {  	p0 =	seq.s32 s5, $0x0;
	s5 =	sld [smem:$0x3FAF]  }
0x2b: {  	s6 =	sld [smem:$0x3FB0]  }
0x2c: {  	s7 =	sld [smem:$0x3FB1]  }
0x2d: {  	s3 =	simm.s32 $0x108;
	s8 =	sld [smem:$0x3FB2]  }
0x2e: {  	s3 =	simm.s32 @!p0 $0x1082;
	s9 =	sld [smem:$0x3FB3]  }
0x2f: {  	lr =	sadd.s32 s0, s3;
	s0 =	sld [smem:$0x3FAA]  }
0x30: {  	s3 =	sld [smem:$0x3FAD]  }
0x31: {  	[smem:$0x3FB6] =	sst s10  }
0x32: {  	s10 =	sld [smem:$0x3FB4];
	_ =	sdelay $0x3  }
0x33: {  	p0 =	seq.s32 s10, $0x1;
	s10 =	sld [smem:$0x3FB6];
	_ =	sdelay $0x3  }
0x34: {  	[smem:$0x3FB6] =	sst s10  }
0x35: {  	s10 =	sld [smem:$0x3FB5];
	_ =	sdelay $0x3  }
0x36: {  	p1 =	seq.s32 s10, $0x1;
	s10 =	sld [smem:$0x3FB6];
	_ =	sdelay $0x3  }
0x37: {  	[smem:$0x3FB6] =	sst s10  }
0x38: {  	s10 =	sld [smem:$0x3FB7]  }
0x39: {  	_ = 	snop;
	(pc) =	sbr.ind lr, $3  }
0x3a: {  	_ = 	snop  }
0x3b: {  	_ = 	snop  }
0x3c: {  	p2 =	seq.s32 s10, $0x1;
	s10 =	sld [smem:$0x3FB6]  }
0x3d: {  	_ =	shalt  }
0x3e: {  	_ =	shalt  }
0x3f: {  	_ =	shalt  }
0x40: {  	_ =	shalt  }
0x41: {  	_ =	shalt  }
0x42: {  	_ =	shalt  }
0x43: {  	_ =	shalt  }
0x44: {  	_ =	shalt  }
0x45: {  	_ =	shalt  }
0x46: {  	_ =	shalt  }
0x47: {  	_ =	shalt  }
0x48: {  	_ =	shalt  }
0x49: {  	_ =	shalt  }
0x4a: {  	_ =	shalt  }
0x4b: {  	_ =	shalt  }
0x4c: {  	_ =	shalt  }
0x4d: {  	_ =	shalt  }
0x4e: {  	_ =	shalt  }
0x4f: {  	_ =	shalt  }
0x50: {  	_ =	shalt  }
0x51: {  	_ =	shalt  }
0x52: {  	_ =	shalt  }
0x53: {  	_ =	shalt  }
0x54: {  	_ =	shalt  }
0x55: {  	_ =	shalt  }
0x56: {  	_ =	shalt  }
0x57: {  	_ =	shalt  }
0x58: {  	_ =	shalt  }
0x59: {  	_ =	shalt  }
0x5a: {  	_ =	shalt  }
0x5b: {  	_ =	shalt  }
0x5c: {  	_ =	shalt  }
0x5d: {  	_ =	shalt  }
0x5e: {  	_ =	shalt  }
0x5f: {  	_ =	shalt  }
0x60: {  	_ =	shalt  }
0x61: {  	_ =	shalt  }
0x62: {  	_ =	shalt  }
0x63: {  	_ =	shalt  }
0x64: {  	_ =	shalt  }
0x65: {  	_ =	shalt  }
0x66: {  	_ =	shalt  }
0x67: {  	_ =	shalt  }
0x68: {  	_ =	shalt  }
0x69: {  	_ =	shalt  }
0x6a: {  	_ =	shalt  }
0x6b: {  	_ =	shalt  }
0x6c: {  	_ =	shalt  }
0x6d: {  	_ =	shalt  }
0x6e: {  	_ =	shalt  }
0x6f: {  	_ =	shalt  }
0x70: {  	_ =	shalt  }
0x71: {  	_ =	shalt  }
0x72: {  	_ =	shalt  }
0x73: {  	_ =	shalt  }
0x74: {  	_ =	shalt  }
0x75: {  	_ =	shalt  }
0x76: {  	_ =	shalt  }
0x77: {  	_ =	shalt  }
0x78: {  	_ =	shalt  }
0x79: {  	_ =	shalt  }
0x7a: {  	_ =	shalt  }
0x7b: {  	_ =	shalt  }
0x7c: {  	_ =	shalt  }
0x7d: {  	_ =	shalt  }
0x7e: {  	_ =	shalt  }
0x7f: {  	_ =	shalt  }
0x80: {  	_ =	shalt  }
0x81: {  	_ =	shalt  }
0x82: {  	_ =	shalt  }
0x83: {  	_ =	shalt  }
0x84: {  	_ =	shalt  }
0x85: {  	_ =	shalt  }
0x86: {  	_ =	shalt  }
0x87: {  	_ =	shalt  }
.Lfunc_end0:
.L_simem_size_0:
called_computation_lowered:
.L_overlay_start_0:
0x88: {  	s2 =	sld [smem:$0x3FD9]  }
0x89: {  	s3 =	sld [smem:$0x3FFE];
	_ =	sdelay $0x1  }
0x8a: {  	s1 =	srdreg.scid  }
0x8b: {  	s0 =	sand.u32 $0x1, s1  }
0x8c: {  	s17 =	sshll.u32 s0, $0xA;
	s2 =	sadd.s32 s3, s2  }
0x8d: {  	s2 =	sadd.s32 s2, s17  }
0x8e: {  	[smem:$0x3FC2] =	sst s2  }
0x8f: {  	_ = 	snop  }
0x90: {  	s2 =	sld [smem:$0x3FD0];
	(tm) =	ssettm $0x1  }
0x91: {  	s18 =	sld [smem:$0x3FFB];
	_ =	sdelay $0x3  }
0x92: {  	_ =	strace s18  }
0x93: {  	s3 =	sld [smem:$0x3FFC];
	_ =	sdelay $0x3  }
0x94: {  	_ =	strace s3  }
0x95: {  	s3 =	sld [smem:$0x3FFD];
	_ =	sdelay $0x3  }
0x96: {  	_ =	strace s3  }
0x97: {  	_ =	strace $0x8FFFFFFF  }
0x98: {  	s19 =	sld [smem:$0x3FDB];
	_ =	sdelay $0x1  }
0x99: {  	s4 =	simm.s32 $_scs_section_size  }
0x9a: {  	s5 =	simm.s32 $_size__tile_overlayer_lowered;
	s6 =	simm.s32 $_tile_overlayer_lowered  }
0x9b: {  	s22 =	simm.s32 $0x1BFF;
	s21 =	sshll.u32 s6, $0x1;
	s3 =	sadd.s32 s4, s19  }
0x9c: {  	s7 =	simm.s32 $0x0;
	s20 =	sshll.u32 s5, $0x1;
	s5 =	sadd.s32 s21, s3  }
0x9d: {  	[timem:s7], [sflag:s22] =	dma.local [hbm:s5], s20  }
0x9e: {  	_ =	swait.ge [sflag:s22], s20  }
0x9f: {  	s4 =	ssub.s32 $0x0, s20;
	[sflag:s22] =	ssyncset.done $0x0  }
0xa0: {  	[sflag:s22] =	ssyncadd.s32 s4;
	_ =	sdelay $0x1  }
0xa1: {  	s23 =	simm.s32 $0x1B8B  }
0xa2: {  	_ =	swait.ge [sflag:s23], $0x1  }
0xa3: {  	[sflag:s23] =	ssyncset.done $0x0  }
0xa4: {  	s25 =	simm.s32 $0x1B8E;
	s24 =	sld [smem:$0x3FFE];
	[sflag:s23] =	ssyncadd.s32 $0xFFFFFFFF  }
0xa5: {  	s26 =	simm.s32 $execute0_lowered;
	[smem:$0x3FD2] =	sst s25  }
0xa6: {  	s5 =	sshll.u32 s26, $0x1;
	_ =	strace $0x80000046;
	[dreg:$0x1] =	wrdreg $0xFFFFFFFF  }
0xa7: {  	s28 =	simm.s32 $_size_execute0_lowered;
	s3 =	sadd.s32 s3, s5;
	[dreg:$0x0] =	wrdreg $0x0  }
0xa8: {  	s5 =	sshll.u32 s28, $0x1;
	[dreg:$0x2] =	wrdreg s3  }
0xa9: {  	[dreg:$0x3] =	wrdreg s5  }
0xaa: {  	[dreg:$0x4] =	wrdreg $0xC0  }
0xab: {  	_ =	task [dreg:s7], $0x5FFFF  }
0xac: {  	[dreg:$0x1] =	wrdreg $0xFFFFFFFF  }
0xad: {  	[dreg:$0x0] =	wrdreg $0x60  }
0xae: {  	[dreg:$0x2] =	wrdreg s24  }
0xaf: {  	[dreg:$0x3] =	wrdreg s2  }
0xb0: {  	[dreg:$0x4] =	wrdreg $0x68000  }
0xb1: {  	[dreg:$0x5] =	wrdreg $0x9  }
0xb2: {  	_ =	task.clear_ibuf [dreg:s7], $0x6FFFF;
	_ =	strace $0x90000046  }
0xb3: {  	s29 =	simm.s32 $0x9;
	_ =	strace $0x80000048  }
0xb4: {  	_ =	swait.ge [sflag:s29], $0x1  }
0xb5: {  	[sflag:s29] =	ssyncadd.s32 $0xFFFFFFFF  }
0xb6: {  	_ =	strace $0x90000048  }
0xb7: {  	_ =	sfence  }
0xb8: {  	s30 =	sld [smem:$0x0];
	_ =	sdelay $0x2  }
0xb9: {  	s31 =	sshll.u32 s1, $0xD;
	s1 =	sshrl.u32 s1, $0x2  }
0xba: {  	s3 =	sand.u32 $0x4000, s31;
	s1 =	sadd.s32 s1, s30  }
0xbb: {  	s0 =	sor.u32 s3, s0;
	s1 =	sshll.u32 s1, $0x11  }
0xbc: {  	s0 =	sor.u32 s1, s0  }
0xbd: {  	s0 =	sadd.s32 $0x8F2B, s0  }
0xbe: {  	[sflag:s0] =	ssyncadd.remote.s32 $0x1  }
0xbf: {  	_ =	sfence.sel $0xFFFF  }
0xc0: {  	[dreg:$0x0] =	wrdreg $0xFFFFFFFF;
	(pc) =	sbr.abs _section_cstart, $3  }
0xc1: {  	[dreg:$0x1] =	wrdreg $0xFFFFFFFF  }
0xc2: {  	_ =	task.clear_ibuf [dreg:s7], $0x2FFFF;
	_ =	strace $0x9FFFFFFF  }
0xc3: {  	(tm) =	ssettm $0x7FFFFFFF  }
tec
execute0_lowered:
.L_overlay_start_1:
0x0: {  	(tag) =	ssettag $0x1  }
0x1: {  	s7 =	rddreg [dreg:$0x0]  }
0x2: {  	s0 =	srdreg.scid;
	s2 =	rddreg [dreg:$0x1]  }
0x3: {  	s3 =	rddreg [dreg:$0x2];
	s4 =	simm.s32 $0x0;
	s6 =	sand.u32 $0x1, s0  }
0x4: {  	s13 =	simm.s32 $0x7D;
	s0 =	stileid.u32;
	s8 =	smul.u32 $0x140000, s6  }
0x5: {  	s14 =	simm.s32 $0x0;
	[smem:$0x7FF] =	sst s4;
	s9 =	smul.u32 $0x14000, s0  }
0x6: {  	s1 =	sshll.u32 s6, $0x4;
	s30 =	smul.u32 $0x50000, s0;
	s6 =	ssub.s32 $0x2, s6  }
0x7: {  	s11 =	sshll.u32 s0, $0x6;
	s1 =	sor.u32 s0, s1;
	s31 =	sshrl.u32 s6, $0x1  }
0x8: {  	s11 =	sor.u32 $0x1C01, s11;
	s5 =	smul.u32 $0x500, s1;
	s1 =	rddreg [dreg:$0x3]  }
0x9: {  	_ =	strace $0x80000047;
	s8 =	sadd.s32 s9, s8;
	s9 =	sshrl.u32 s30, $0x2  }
0xa: {  	s8 =	sshrl.u32 s8, $0x3;
	s12 =	sadd.s32 s9, s3;
	s9 =	simm.s32 $0x1  }
0xb: {  	s10 =	sadd.s32 s5, s7;
	s5 =	sadd.s32 $0xB600, s7;
	s7 =	sadd.s32 s8, s7  }
0xc: {  	s8 =	ssub.s32 s6, s31;
	s12 =	sshrl.u32 s12, $0x3;
	s6 =	sadd.s32 $0x1600, s10  }
0xd: {  	s7 =	sadd.s32 $0xDE00, s7;
	s8 =	smax.u32 s8, $0x1;
	s10 =	simm.s32 $0x2800  }
.LBB2_1:
0xe: {  	[tilespmem:s4], [sflag:$0x1] =	stream.linear.gather [hbm4b:s6+s4], $0x2800, $0x38;
	[tilespmem:$0x1A800] =	vst v63  }
0xf: {  	_ =	swait.ge [sflag:s9], $0x2800  }
0x10: {  	[sflag:s9] =	ssyncset.done $0x0  }
0x11: {  	[sflag:s9] =	ssyncadd.s32 $0xFFFFD800  }
0x12: {  	[tilespmem:s10], [sflag:$0x1] =	stream.linear.gather [hbm4b:s2+s4], $0x3E80, $0x38;
	[tilespmem:$0x1A800] =	vst v63  }
0x13: {  	_ =	swait.ge [sflag:s9], $0x3E80  }
0x14: {  	[sflag:s9] =	ssyncset.done $0x0  }
0x15: {  	[sflag:s9] =	ssyncadd.s32 $0xFFFFC180  }
0x16: {  	[spmem:s12], [sflag:s11] =	dma.local [hbm:s5], $0x2800  }
0x17: {  	_ =	swait.ge [sflag:s9], $0x2800  }
0x18: {  	[sflag:s9] =	ssyncset.done $0x0  }
0x19: {  	[sflag:s9] =	ssyncadd.s32 $0xFFFFD800  }
0x1a: {  	s15 =	simm.s32 $0x0;
	[bflag:$0x0] =	sbarrier.arrive $0xFFFF  }
0x1b: {  	[spmem:s3] =	stream.indirect.scatter.add.f32 [tilespmem:s10], [sflag:$0x1], $0x80, s15, s13, $0xb8;
	[tilespmem:$0x1A800] =	vst v63  }
0x1c: {  	_ =	swait.ge [sflag:s9], $0x3E80  }
0x1d: {  	s15 =	simm.s32 $0x200;
	[sflag:s9] =	ssyncset.done $0x0  }
.LBB2_2:
0x1e: {  	s16 =	sshra.s32 s15, $0x2;
	[sflag:s9] =	ssyncadd.s32 $0xFFFFC180;
	p0 =	sne.s32 s15, $0x9E00  }
0x1f: {  	[spmem:s3] =	stream.indirect.scatter.add.f32 [tilespmem:s10], [sflag:$0x1], $0x80, s16, s13, $0xb8;
	[tilespmem:$0x1A800] =	vst v63  }
.Ltmp0:
0x20: {  	_ = 	snop;
	(pc) =	sbr.rel @p0 .LBB2_2-.Ltmp0, $4  }
0x21: {  	_ = 	snop  }
0x22: {  	s15 =	sadd.s32 $0x200, s15  }
0x23: {  	_ =	swait.ge [sflag:s9], $0x3E80  }
0x24: {  	[sflag:s9] =	ssyncset.done $0x0  }
0x25: {  	s14 =	sadd.s32 $0x1, s14  }
0x26: {  	[sflag:s9] =	ssyncadd.s32 $0xFFFFC180;
	p0 =	sne.s32 s14, s8  }
.Ltmp1:
0x27: {  	[bflag:$0x0] =	sbarrier.arrive $0xFFFF;
	(pc) =	sbr.rel @p0 .LBB2_1-.Ltmp1, $4  }
0x28: {  	[hbm:s7], [sflag:s11] =	dma.local [spmem:s12], $0x2800  }
0x29: {  	_ =	swait.ge [sflag:s9], $0x2800  }
0x2a: {  	[sflag:s9] =	ssyncset.done $0x0  }
0x2b: {  	[sflag:s9] =	ssyncadd.s32 $0xFFFFD800  }
0x2c: {  	_ =	sfence.sel $0x180000  }
0x2d: {  	[bflag:$0x0] =	sbarrier.arrive $0xFFFF  }
0x2e: {  	p0 =	sne.s32 s0, $0x0;
	_ =	strace $0x90000047  }
0x2f: {  	s0 =	sadd.s32 @!p0 $0x100000, s1;
	[bflag:$0x2] =	sbarrier.arrive $0xFFFF  }
0x30: {  	[sflag:s0] =	ssyncadd.tile.s32 @!p0 $0x1;
	_ =	shalt  }
.Lfunc_end2:
_tile_overlayer_lowered:
.L_overlay_start_2:
0x31: {  	(tag) =	ssettag $0x2  }
0x32: {  	s0 =	rddreg [dreg:$0x0];
	s2 =	stileid.u32  }
0x33: {  	s1 =	rddreg [dreg:$0x1];
	p0 =	sne.s32 s2, $0x0  }
0x34: {  	s3 =	rddreg [dreg:$0x2];
	[bflag:$0x3] =	sbarrier.arrive $0xFFFF;
	s2 =	simm.s32 @!p0 $0x1C01  }
0x35: {  	[timem:s3], [sflag:s2] =	dma.local @!p0 [hbm:s0], s1  }
0x36: {  	s0 =	simm.s32 @!p0 $0x1  }
0x37: {  	_ =	swait.ge @!p0 [sflag:s0], s1  }
0x38: {  	s1 =	ssub.s32 @!p0 $0x0, s1;
	[sflag:s0] =	ssyncset.done @!p0 $0x0  }
0x39: {  	[sflag:s0] =	ssyncadd.s32 @!p0 s1  }
0x3a: {  	[bflag:$0x3] =	sbarrier.arrive $0xFFFF  }
0x3b: {  	_ =	shalt  }

</sc_bundles>
